<compile_context>
chip_gen: v7x
topology: tpu7x:2x2x1
jax: 0.10.2.dev20260603
libtpu: 0.0.44.dev20260713+nightly
codegen_flags: <defaults>
</compile_context>

<pallas_src>
import jax
import jax.numpy as jnp
from jax import lax
from jax.experimental import pallas as pl
from jax.experimental.pallas import tpu as pltpu
from jax.experimental.pallas import tpu_sc as plsc

_NC = 2
_NS = 16
_NW = _NC * _NS
_C = 128
_KB = 16



def _sc_agg_body(x_hbm, srcr, dstr, z_row, agg_out,
                 idx_s, idx_d, rows0, rows1, acc_sh, semg0, semg1):
  ko_n = srcr.shape[1]
  cid = lax.axis_index("c")
  sid = lax.axis_index("s")
  wid = sid * _NC + cid
  nt = acc_sh.shape[0] // _NS
  pltpu.sync_copy(z_row, acc_sh.at[pl.ds(sid * nt, nt)])
  plsc.subcore_barrier()
  half = _KB // 2

  def outer(ko, carry):
    pltpu.sync_copy(srcr.at[wid, ko], idx_s)
    pltpu.sync_copy(dstr.at[wid, ko], idx_d)
    pltpu.async_copy(x_hbm.at[idx_s.at[0]], rows0, semg0)

    def inner(j2, c2):
      e = 2 * j2
      pltpu.async_copy(x_hbm.at[idx_s.at[e + 1]], rows1, semg1)
      pltpu.make_async_copy(x_hbm.at[idx_s.at[e]], rows0, semg0).wait()
      pltpu.sync_copy(rows0, acc_sh.at[idx_d.at[e]], add=True)

      @pl.when(j2 + 1 < half)
      def _():
        pltpu.async_copy(x_hbm.at[idx_s.at[e + 2]], rows0, semg0)

      pltpu.make_async_copy(x_hbm.at[idx_s.at[e + 1]], rows1, semg1).wait()
      pltpu.sync_copy(rows1, acc_sh.at[idx_d.at[e + 1]], add=True)
      return c2

    return lax.fori_loop(0, half, inner, carry)

  lax.fori_loop(0, ko_n, outer, 0)
  plsc.subcore_barrier()
  pltpu.sync_copy(acc_sh.at[pl.ds(sid * nt, nt)],
                  agg_out.at[cid, pl.ds(sid * nt, nt)])


def _make_sc_agg(nacc, D):
  mesh = plsc.VectorSubcoreMesh(core_axis_name="c", subcore_axis_name="s")
  return pl.kernel(
      _sc_agg_body,
      mesh=mesh,
      out_type=jax.ShapeDtypeStruct((_NC, nacc, D), jnp.float32),
      scratch_types=[
          pltpu.VMEM((_KB, _C), jnp.int32),
          pltpu.VMEM((_KB, _C), jnp.int32),
          pltpu.VMEM((_C, D), jnp.float32),
          pltpu.VMEM((_C, D), jnp.float32),
          pltpu.VMEM_SHARED((nacc, D), jnp.float32),
          pltpu.SemaphoreType.DMA,
          pltpu.SemaphoreType.DMA,
      ],
  )


def _sc_deg_body(dstr, ones_hb, z_row, deg_out, idx_d, rows, acc_sh, sems):
  ko_n = dstr.shape[1]
  cid = lax.axis_index("c")
  sid = lax.axis_index("s")
  wid = sid * _NC + cid
  nt = acc_sh.shape[0] // _NS
  pltpu.sync_copy(z_row, acc_sh.at[pl.ds(sid * nt, nt)])
  pltpu.sync_copy(ones_hb, rows)
  plsc.subcore_barrier()

  def outer(ko, carry):
    pltpu.sync_copy(dstr.at[wid, ko], idx_d)

    def fire(j, c2):
      pltpu.async_copy(rows, acc_sh.at[idx_d.at[j]], sems, add=True)
      return c2

    lax.fori_loop(0, _KB, fire, carry)

    def drain(j, c2):
      pltpu.make_async_copy(rows, acc_sh.at[idx_d.at[0]], sems).wait()
      return c2

    return lax.fori_loop(0, _KB, drain, carry)

  lax.fori_loop(0, ko_n, outer, 0)
  plsc.subcore_barrier()
  pltpu.sync_copy(acc_sh.at[pl.ds(sid * nt, nt)],
                  deg_out.at[cid, pl.ds(sid * nt, nt)])


def _make_sc_deg(nacc, D):
  mesh = plsc.VectorSubcoreMesh(core_axis_name="c", subcore_axis_name="s")
  return pl.kernel(
      _sc_deg_body,
      mesh=mesh,
      out_type=jax.ShapeDtypeStruct((_NC, nacc, D), jnp.float32),
      scratch_types=[
          pltpu.VMEM((_KB, _C), jnp.int32),
          pltpu.VMEM((_C, D), jnp.float32),
          pltpu.VMEM_SHARED((nacc, D), jnp.float32),
          pltpu.SemaphoreType.DMA,
      ],
  )



def _dotT(a, w):
  return lax.dot_general(a, w, (((1,), (1,)), ((), ())),
                         preferred_element_type=jnp.float32)


def _tc1_body(aggp, degp, x, w1l, b1l, w1r, h_out):
  agg = aggp[0] + aggp[1]
  deg = degp[0, :, 0:1] + degp[1, :, 0:1]
  a = agg / jnp.maximum(deg, 1.0)
  y = _dotT(a, w1l[...]) + b1l[...] + _dotT(x[...], w1r[...])
  h_out[...] = jnp.maximum(y, 0.0)


def _tc0_body(img, attr, rel, wi, bi, wa, ba, wr, br,
              im_out, at_out, re_out):
  im_out[...] = _dotT(img[...], wi[...]) + bi[...]
  at_out[...] = _dotT(attr[...], wa[...]) + ba[...]
  re_out[...] = _dotT(rel[...], wr[...]) + br[...]


def _tc2_body(aggp, degp, h, im_in, at_in, re_in,
              w2l, b2l, w2r, wg, bg, wf, bf,
              fused_out, h2_out):
  agg = aggp[0] + aggp[1]
  deg = degp[0, :, 0:1] + degp[1, :, 0:1]
  a = agg / jnp.maximum(deg, 1.0)
  h2 = _dotT(a, w2l[...]) + b2l[...] + _dotT(h[...], w2r[...])
  g = _dotT(h2, wg[...]) + bg[...]
  im = im_in[...]
  at = at_in[...]
  re = re_in[...]

  wfv = wf[...]
  b = bf[:, 0:1]
  lg = jnp.sum(g * wfv, axis=1, keepdims=True) + b
  li = jnp.sum(im * wfv, axis=1, keepdims=True) + b
  la = jnp.sum(at * wfv, axis=1, keepdims=True) + b
  lr = jnp.sum(re * wfv, axis=1, keepdims=True) + b
  m = jnp.maximum(jnp.maximum(lg, li), jnp.maximum(la, lr))
  eg = jnp.exp(lg - m)
  ei = jnp.exp(li - m)
  ea = jnp.exp(la - m)
  er = jnp.exp(lr - m)
  s = eg + ei + ea + er
  fused = (eg * g + ei * im + ea * at + er * re) / s
  nrm = jnp.sqrt(jnp.sum(fused * fused, axis=1, keepdims=True))
  fused_out[...] = fused / jnp.maximum(nrm, 1e-12)
  h2_out[...] = h2


def _row_spec(R, D):
  return pl.BlockSpec((R, D), lambda i: (i, 0))


def _full_spec(shape):
  nd = len(shape)
  return pl.BlockSpec(shape, lambda i: (0,) * nd)


def _tc0(img, attr, rel, *ws):
  N, D = img.shape
  R = 2000
  out = jax.ShapeDtypeStruct((N, D), jnp.float32)
  w_specs = [
      _full_spec((D, D)), _full_spec((1, D)),
      _full_spec((D, D)), _full_spec((1, D)),
      _full_spec((D, D)), _full_spec((1, D)),
  ]
  return pl.pallas_call(
      _tc0_body,
      grid=(N // R,),
      in_specs=[_row_spec(R, D)] * 3 + w_specs,
      out_specs=[_row_spec(R, D)] * 3,
      out_shape=[out, out, out],
  )(img, attr, rel, *ws)


def _tc1(aggp, degp, x, w1l, b1l, w1r):
  N, D = x.shape
  R = 2000
  return pl.pallas_call(
      _tc1_body,
      grid=(N // R,),
      in_specs=[
          pl.BlockSpec((_NC, R, D), lambda i: (0, i, 0)),
          pl.BlockSpec((_NC, R, D), lambda i: (0, i, 0)),
          _row_spec(R, D),
          _full_spec((D, D)),
          _full_spec((1, D)),
          _full_spec((D, D)),
      ],
      out_specs=_row_spec(R, D),
      out_shape=jax.ShapeDtypeStruct((N, D), jnp.float32),
  )(aggp, degp, x, w1l, b1l, w1r)


def _tc2(aggp, degp, h, im, at, re, *ws):
  N, D = h.shape
  R = 2000
  out = jax.ShapeDtypeStruct((N, D), jnp.float32)
  w_specs = [
      _full_spec((D, D)), _full_spec((1, D)), _full_spec((D, D)),
      _full_spec((D, D)), _full_spec((1, D)),
      _full_spec((1, D)), _full_spec((1, D)),
  ]
  return pl.pallas_call(
      _tc2_body,
      grid=(N // R,),
      in_specs=[
          pl.BlockSpec((_NC, R, D), lambda i: (0, i, 0)),
          pl.BlockSpec((_NC, R, D), lambda i: (0, i, 0)),
          _row_spec(R, D), _row_spec(R, D), _row_spec(R, D), _row_spec(R, D),
      ] + w_specs,
      out_specs=[_row_spec(R, D)] * 2,
      out_shape=[out, out],
  )(aggp, degp, h, im, at, re, *ws)



def kernel(x, edge_index, img_emb, attr_emb, rel_emb,
           W1l, b1l, W1r, W2l, b2l, W2r, Wgph, bgph, Wimg, bimg,
           Watt, batt, Wrel, brel, Wfus, bfus):
  N, D = x.shape
  E = edge_index.shape[1]

  ko_n = -(-E // (_NW * _KB * _C))
  pad = _NW * ko_n * _KB * _C - E
  src = edge_index[0].astype(jnp.int32)
  dst = edge_index[1].astype(jnp.int32)
  nacc = ((N + 96 + 8 * _NS - 1) // (8 * _NS)) * (8 * _NS)
  if pad:
    ar = jnp.arange(pad, dtype=jnp.int32)
    src = jnp.concatenate([src, (ar * 97) % N])
    dst = jnp.concatenate([dst, N + (ar % 96)])
  srcr = src.reshape(_NW, ko_n, _KB, _C)
  dstr = dst.reshape(_NW, ko_n, _KB, _C)

  nt = nacc // _NS
  z_row = jnp.zeros((nt, D), jnp.float32)

  sc_agg = _make_sc_agg(nacc, D)
  im, at, re = _tc0(img_emb, attr_emb, rel_emb,
                    Wimg, bimg.reshape(1, D),
                    Watt, batt.reshape(1, D),
                    Wrel, brel.reshape(1, D))
  ones_hb = jnp.ones((_C, D), jnp.float32)
  degp = _make_sc_deg(nacc, D)(dstr, ones_hb, z_row)
  agg1p = sc_agg(x, srcr, dstr, z_row)
  h = _tc1(agg1p, degp, x, W1l, b1l.reshape(1, D), W1r)
  agg2p = sc_agg(h, srcr, dstr, z_row)
  fused, h2 = _tc2(
      agg2p, degp, h, im, at, re,
      W2l, b2l.reshape(1, D), W2r,
      Wgph, bgph.reshape(1, D),
      Wfus, jnp.broadcast_to(bfus.reshape(1, 1), (1, D)))
  return fused, h2, im, at, re

# --- scband reference (transcript-rebuilt; emitter-appended) ---
"""Pipeline reference for scband-multi-modal-graph-sage-5626407158207 (READ-ONLY COPY).

The authoritative reference and input builder live on the scoring server;
editing this copy changes nothing except your own understanding.
"""

import jax, jax.numpy as jnp
import numpy as np

N = 10000
E = 320000
D = 128


def setup_inputs(seed: int = 0) -> dict:
    key = jax.random.key(seed)
    ks = jax.random.split(key, 26)
    inp = {}
    inp["x"] = jax.random.normal(ks[0], (N, D), dtype=jnp.float32)
    inp["edge_index"] = jax.random.randint(ks[1], (2, E), 0, N)
    inp["img_emb"] = jax.random.normal(ks[2], (N, D), dtype=jnp.float32)
    inp["attr_emb"] = jax.random.normal(ks[3], (N, D), dtype=jnp.float32)
    inp["rel_emb"] = jax.random.normal(ks[4], (N, D), dtype=jnp.float32)
    s = 1.0 / np.sqrt(D)
    names = ["W1l", "b1l", "W1r", "W2l", "b2l", "W2r", "Wgph", "bgph", "Wimg", "bimg", "Watt", "batt", "Wrel", "brel"]
    shapes = [(D, D), (D,), (D, D), (D, D), (D,), (D, D), (D, D), (D,), (D, D), (D,), (D, D), (D,), (D, D), (D,)]
    for i, (nm, sh) in enumerate(zip(names, shapes)):
        inp[nm] = jax.random.uniform(ks[5 + i], sh, minval=-s, maxval=s, dtype=jnp.float32)
    inp["Wfus"] = jax.random.uniform(ks[20], (1, D), minval=-s, maxval=s, dtype=jnp.float32)
    inp["bfus"] = jax.random.uniform(ks[21], (1,), minval=-s, maxval=s, dtype=jnp.float32)
    return inp


def _sage_conv(x, src, dst, Wl, bl, Wr):
    msg = jnp.take(x, src, axis=0)
    agg = jax.ops.segment_sum(msg, dst, num_segments=N)
    deg = jax.ops.segment_sum(jnp.ones((src.shape[0],), jnp.float32), dst, num_segments=N)
    agg = agg / jnp.clip(deg, 1.0)[:, None]
    return agg @ Wl.T + bl + x @ Wr.T


def reference(x, edge_index, img_emb, attr_emb, rel_emb, W1l, b1l, W1r, W2l, b2l, W2r, Wgph, bgph, Wimg, bimg, Watt, batt, Wrel, brel, Wfus, bfus):
    src = edge_index[0]
    dst = edge_index[1]
    h = _sage_conv(x, src, dst, W1l, b1l, W1r)
    h = jax.nn.relu(h)
    h2 = _sage_conv(h, src, dst, W2l, b2l, W2r)
    g = h2 @ Wgph.T + bgph
    im = img_emb @ Wimg.T + bimg
    at = attr_emb @ Watt.T + batt
    re = rel_emb @ Wrel.T + brel
    embs = [g, im, at, re]
    att = jnp.concatenate([e @ Wfus.T + bfus for e in embs], axis=-1)
    att = jax.nn.softmax(att, axis=-1)
    fused = sum(att[:, i:i + 1] * embs[i] for i in range(4))
    norm = jnp.linalg.norm(fused, axis=-1, keepdims=True)
    fused = fused / jnp.maximum(norm, 1e-12)
    return (fused, h2, im, at, re)

if __name__ == "__main__":
    import jax
    _d = setup_inputs()
    print(jax.jit(kernel)(*tuple(_d.values())))

</pallas_src>

<mosaic_0001>
#map = affine_map<(d0, d1) -> (0, 0)>
#map1 = affine_map<(d0, d1) -> (0, 0, 0, 0)>
#map2 = affine_map<(d0, d1) -> (0, 0, 0)>
module attributes {stable_mosaic.version = 14 : i64} {
  func.func @_sc_agg_body(%arg0: i32, %arg1: i32, %arg2: memref<10000x128xf32, #tpu.memory_space<hbm>>, %arg3: memref<32x5x16x128xi32, #tpu.memory_space<hbm>>, %arg4: memref<32x5x16x128xi32, #tpu.memory_space<hbm>>, %arg5: memref<632x128xf32, #tpu.memory_space<hbm>>, %arg6: memref<2x10112x128xf32, #tpu.memory_space<hbm>>, %arg7: memref<16x128xi32, #tpu.memory_space<vmem>>, %arg8: memref<16x128xi32, #tpu.memory_space<vmem>>, %arg9: memref<128x128xf32, #tpu.memory_space<vmem>>, %arg10: memref<128x128xf32, #tpu.memory_space<vmem>>, %arg11: memref<10112x128xf32, #tpu.memory_space<vmem_shared>>, %arg12: memref<!tpu.dma_semaphore, #tpu.memory_space<semaphore_mem>>, %arg13: memref<!tpu.dma_semaphore, #tpu.memory_space<semaphore_mem>>) attributes {dimension_semantics = [#tpu.dimension_semantics<core_parallel>, #tpu.dimension_semantics<subcore_parallel>], iteration_bounds = array<i64: 2, 16>, scalar_prefetch = 0 : i64, scratch_operands = 7 : i64, tpu.core_type = #tpu.core_type<sc_vector_subcore>, window_params = [{transform_indices = #map}, {transform_indices = #map1}, {transform_indices = #map1}, {transform_indices = #map}, {transform_indices = #map2}]} {
    %mul3A = arith.constant 2 : i32
    %mul3A_0 = arith.muli %arg1, %mul3A : i32
    %add3A = arith.addi %mul3A_0, %arg0 : i32
    %mul3A_1 = arith.constant 632 : i32
    %mul3A_2 = arith.muli %arg1, %mul3A_1 : i32
    "tpu.region"() ({
      %run_scoped3A = tpu.sem_alloc : memref<!tpu.dma_semaphore, #tpu.memory_space<semaphore_mem>>
      %dma_start3A = arith.constant 0 : i32
      %dma_start3A_13 = tpu.memref_slice %arg11[%mul3A_2, %dma_start3A] : memref<10112x128xf32, #tpu.memory_space<vmem_shared>> -> memref<632x128xf32, #tpu.memory_space<vmem_shared>>
      tpu.enqueue_dma source(%arg5 : memref<632x128xf32, #tpu.memory_space<hbm>>) target(%dma_start3A_13 : memref<632x128xf32, #tpu.memory_space<vmem_shared>>) target_semaphore(%run_scoped3A : memref<!tpu.dma_semaphore, #tpu.memory_space<semaphore_mem>>)
      %dma_wait3A = arith.constant 0 : i32
      %dma_wait3A_14 = tpu.memref_slice %arg11[%mul3A_2, %dma_wait3A] : memref<10112x128xf32, #tpu.memory_space<vmem_shared>> -> memref<632x128xf32, #tpu.memory_space<vmem_shared>>
      tpu.wait_dma2 semaphore(%run_scoped3A : memref<!tpu.dma_semaphore, #tpu.memory_space<semaphore_mem>>) src(%arg5 : memref<632x128xf32, #tpu.memory_space<hbm>>) dst(%dma_wait3A_14 : memref<632x128xf32, #tpu.memory_space<vmem_shared>>)
      tpu.yield
    }) : () -> ()
    %barrier3A = arith.constant 0 : index
    tpu.barrier barrier_id(%barrier3A)
    %scan3A = arith.constant 0 : i32
    %scan3A_3 = arith.constant 0 : i32
    %scan3A_4 = arith.constant 5 : i32
    %scan3A_5 = arith.addi %scan3A_3, %scan3A_4 : i32
    %scan3A_6 = arith.constant 1 : i32
    scf.for %scan3A_13 = %scan3A_3 to %scan3A_5 step %scan3A_6  : i32 {
      "tpu.region"() ({
        %run_scoped3A = tpu.sem_alloc : memref<!tpu.dma_semaphore, #tpu.memory_space<semaphore_mem>>
        %dma_start3A_25 = arith.constant 0 : i32
        %dma_start3A_26 = arith.constant 0 : i32
        %dma_start3A_27 = tpu.memref_slice %arg3[%add3A, %scan3A_13, %dma_start3A_25, %dma_start3A_26] : memref<32x5x16x128xi32, #tpu.memory_space<hbm>> -> memref<1x1x16x128xi32, #tpu.memory_space<hbm>>
        %dma_start3A_28 = tpu.memref_squeeze %dma_start3A_27 : memref<1x1x16x128xi32, #tpu.memory_space<hbm>> -> memref<16x128xi32, #tpu.memory_space<hbm>>
        %dma_start3A_29 = arith.constant 0 : i32
        %dma_start3A_30 = arith.constant 0 : i32
        %dma_start3A_31 = tpu.memref_slice %arg3[%add3A, %scan3A_13, %dma_start3A_29, %dma_start3A_30] : memref<32x5x16x128xi32, #tpu.memory_space<hbm>> -> memref<1x1x16x128xi32, #tpu.memory_space<hbm>>
        %dma_start3A_32 = tpu.memref_squeeze %dma_start3A_31 : memref<1x1x16x128xi32, #tpu.memory_space<hbm>> -> memref<16x128xi32, #tpu.memory_space<hbm>>
        tpu.enqueue_dma source(%dma_start3A_32 : memref<16x128xi32, #tpu.memory_space<hbm>>) target(%arg7 : memref<16x128xi32, #tpu.memory_space<vmem>>) target_semaphore(%run_scoped3A : memref<!tpu.dma_semaphore, #tpu.memory_space<semaphore_mem>>)
        %dma_wait3A = arith.constant 0 : i32
        %dma_wait3A_33 = arith.constant 0 : i32
        %dma_wait3A_34 = tpu.memref_slice %arg3[%add3A, %scan3A_13, %dma_wait3A, %dma_wait3A_33] : memref<32x5x16x128xi32, #tpu.memory_space<hbm>> -> memref<1x1x16x128xi32, #tpu.memory_space<hbm>>
        %dma_wait3A_35 = tpu.memref_squeeze %dma_wait3A_34 : memref<1x1x16x128xi32, #tpu.memory_space<hbm>> -> memref<16x128xi32, #tpu.memory_space<hbm>>
        %dma_wait3A_36 = arith.constant 0 : i32
        %dma_wait3A_37 = arith.constant 0 : i32
        %dma_wait3A_38 = tpu.memref_slice %arg3[%add3A, %scan3A_13, %dma_wait3A_36, %dma_wait3A_37] : memref<32x5x16x128xi32, #tpu.memory_space<hbm>> -> memref<1x1x16x128xi32, #tpu.memory_space<hbm>>
        %dma_wait3A_39 = tpu.memref_squeeze %dma_wait3A_38 : memref<1x1x16x128xi32, #tpu.memory_space<hbm>> -> memref<16x128xi32, #tpu.memory_space<hbm>>
        tpu.wait_dma2 semaphore(%run_scoped3A : memref<!tpu.dma_semaphore, #tpu.memory_space<semaphore_mem>>) src(%dma_wait3A_39 : memref<16x128xi32, #tpu.memory_space<hbm>>) dst(%arg7 : memref<16x128xi32, #tpu.memory_space<vmem>>)
        tpu.yield
      }) : () -> ()
      "tpu.region"() ({
        %run_scoped3A = tpu.sem_alloc : memref<!tpu.dma_semaphore, #tpu.memory_space<semaphore_mem>>
        %dma_start3A_25 = arith.constant 0 : i32
        %dma_start3A_26 = arith.constant 0 : i32
        %dma_start3A_27 = tpu.memref_slice %arg4[%add3A, %scan3A_13, %dma_start3A_25, %dma_start3A_26] : memref<32x5x16x128xi32, #tpu.memory_space<hbm>> -> memref<1x1x16x128xi32, #tpu.memory_space<hbm>>
        %dma_start3A_28 = tpu.memref_squeeze %dma_start3A_27 : memref<1x1x16x128xi32, #tpu.memory_space<hbm>> -> memref<16x128xi32, #tpu.memory_space<hbm>>
        %dma_start3A_29 = arith.constant 0 : i32
        %dma_start3A_30 = arith.constant 0 : i32
        %dma_start3A_31 = tpu.memref_slice %arg4[%add3A, %scan3A_13, %dma_start3A_29, %dma_start3A_30] : memref<32x5x16x128xi32, #tpu.memory_space<hbm>> -> memref<1x1x16x128xi32, #tpu.memory_space<hbm>>
        %dma_start3A_32 = tpu.memref_squeeze %dma_start3A_31 : memref<1x1x16x128xi32, #tpu.memory_space<hbm>> -> memref<16x128xi32, #tpu.memory_space<hbm>>
        tpu.enqueue_dma source(%dma_start3A_32 : memref<16x128xi32, #tpu.memory_space<hbm>>) target(%arg8 : memref<16x128xi32, #tpu.memory_space<vmem>>) target_semaphore(%run_scoped3A : memref<!tpu.dma_semaphore, #tpu.memory_space<semaphore_mem>>)
        %dma_wait3A = arith.constant 0 : i32
        %dma_wait3A_33 = arith.constant 0 : i32
        %dma_wait3A_34 = tpu.memref_slice %arg4[%add3A, %scan3A_13, %dma_wait3A, %dma_wait3A_33] : memref<32x5x16x128xi32, #tpu.memory_space<hbm>> -> memref<1x1x16x128xi32, #tpu.memory_space<hbm>>
        %dma_wait3A_35 = tpu.memref_squeeze %dma_wait3A_34 : memref<1x1x16x128xi32, #tpu.memory_space<hbm>> -> memref<16x128xi32, #tpu.memory_space<hbm>>
        %dma_wait3A_36 = arith.constant 0 : i32
        %dma_wait3A_37 = arith.constant 0 : i32
        %dma_wait3A_38 = tpu.memref_slice %arg4[%add3A, %scan3A_13, %dma_wait3A_36, %dma_wait3A_37] : memref<32x5x16x128xi32, #tpu.memory_space<hbm>> -> memref<1x1x16x128xi32, #tpu.memory_space<hbm>>
        %dma_wait3A_39 = tpu.memref_squeeze %dma_wait3A_38 : memref<1x1x16x128xi32, #tpu.memory_space<hbm>> -> memref<16x128xi32, #tpu.memory_space<hbm>>
        tpu.wait_dma2 semaphore(%run_scoped3A : memref<!tpu.dma_semaphore, #tpu.memory_space<semaphore_mem>>) src(%dma_wait3A_39 : memref<16x128xi32, #tpu.memory_space<hbm>>) dst(%arg8 : memref<16x128xi32, #tpu.memory_space<vmem>>)
        tpu.yield
      }) : () -> ()
      %dma_start3A = arith.constant 0 : i32
      %dma_start3A_14 = arith.constant 0 : i32
      %dma_start3A_15 = tpu.memref_slice %arg7[%dma_start3A, %dma_start3A_14] : memref<16x128xi32, #tpu.memory_space<vmem>> -> memref<1x128xi32, #tpu.memory_space<vmem>>
      %dma_start3A_16 = tpu.memref_squeeze %dma_start3A_15 : memref<1x128xi32, #tpu.memory_space<vmem>> -> memref<128xi32, #tpu.memory_space<vmem>>
      %dma_start3A_17 = arith.constant 0 : i32
      %dma_start3A_18 = arith.constant 0 : i32
      %dma_start3A_19 = tpu.memref_slice %arg2[%dma_start3A_17, %dma_start3A_18] : memref<10000x128xf32, #tpu.memory_space<hbm>> -> memref<10000x128xf32, #tpu.memory_space<hbm>>
      tpu.enqueue_indirect_dma source(%dma_start3A_19 : memref<10000x128xf32, #tpu.memory_space<hbm>>) target(%arg9 : memref<128x128xf32, #tpu.memory_space<vmem>>) offsets(%dma_start3A_16 : memref<128xi32, #tpu.memory_space<vmem>>) semaphore(%arg12 : memref<!tpu.dma_semaphore, #tpu.memory_space<semaphore_mem>>)
      %scan3A_20 = arith.constant 0 : i32
      %scan3A_21 = arith.constant 8 : i32
      %scan3A_22 = arith.addi %scan3A_20, %scan3A_21 : i32
      %scan3A_23 = arith.constant 1 : i32
      scf.for %scan3A_25 = %scan3A_20 to %scan3A_22 step %scan3A_23  : i32 {
        %mul3A_26 = arith.constant 2 : i32
        %mul3A_27 = arith.muli %mul3A_26, %scan3A_25 : i32
        %add3A_28 = arith.constant 1 : i32
        %add3A_29 = arith.addi %mul3A_27, %add3A_28 : i32
        %dma_start3A_30 = arith.constant 0 : i32
        %dma_start3A_31 = tpu.memref_slice %arg7[%add3A_29, %dma_start3A_30] : memref<16x128xi32, #tpu.memory_space<vmem>> -> memref<1x128xi32, #tpu.memory_space<vmem>>
        %dma_start3A_32 = tpu.memref_squeeze %dma_start3A_31 : memref<1x128xi32, #tpu.memory_space<vmem>> -> memref<128xi32, #tpu.memory_space<vmem>>
        %dma_start3A_33 = arith.constant 0 : i32
        %dma_start3A_34 = arith.constant 0 : i32
        %dma_start3A_35 = tpu.memref_slice %arg2[%dma_start3A_33, %dma_start3A_34] : memref<10000x128xf32, #tpu.memory_space<hbm>> -> memref<10000x128xf32, #tpu.memory_space<hbm>>
        tpu.enqueue_indirect_dma source(%dma_start3A_35 : memref<10000x128xf32, #tpu.memory_space<hbm>>) target(%arg10 : memref<128x128xf32, #tpu.memory_space<vmem>>) offsets(%dma_start3A_32 : memref<128xi32, #tpu.memory_space<vmem>>) semaphore(%arg13 : memref<!tpu.dma_semaphore, #tpu.memory_space<semaphore_mem>>)
        %dma_wait3A = arith.constant 0 : i32
        %dma_wait3A_36 = tpu.memref_slice %arg7[%mul3A_27, %dma_wait3A] : memref<16x128xi32, #tpu.memory_space<vmem>> -> memref<1x128xi32, #tpu.memory_space<vmem>>
        %dma_wait3A_37 = tpu.memref_squeeze %dma_wait3A_36 : memref<1x128xi32, #tpu.memory_space<vmem>> -> memref<128xi32, #tpu.memory_space<vmem>>
        %dma_wait3A_38 = arith.constant 0 : i32
        %dma_wait3A_39 = arith.constant 0 : i32
        %dma_wait3A_40 = tpu.memref_slice %arg2[%dma_wait3A_38, %dma_wait3A_39] : memref<10000x128xf32, #tpu.memory_space<hbm>> -> memref<10000x128xf32, #tpu.memory_space<hbm>>
        tpu.wait_indirect_dma semaphore(%arg12 : memref<!tpu.dma_semaphore, #tpu.memory_space<semaphore_mem>>) src(%dma_wait3A_40 : memref<10000x128xf32, #tpu.memory_space<hbm>>) dst(%arg9 : memref<128x128xf32, #tpu.memory_space<vmem>>)
        "tpu.region"() ({
          %run_scoped3A = tpu.sem_alloc : memref<!tpu.dma_semaphore, #tpu.memory_space<semaphore_mem>>
          %dma_start3A_55 = arith.constant 0 : i32
          %dma_start3A_56 = tpu.memref_slice %arg8[%mul3A_27, %dma_start3A_55] : memref<16x128xi32, #tpu.memory_space<vmem>> -> memref<1x128xi32, #tpu.memory_space<vmem>>
          %dma_start3A_57 = tpu.memref_squeeze %dma_start3A_56 : memref<1x128xi32, #tpu.memory_space<vmem>> -> memref<128xi32, #tpu.memory_space<vmem>>
          %dma_start3A_58 = arith.constant 0 : i32
          %dma_start3A_59 = arith.constant 0 : i32
          %dma_start3A_60 = tpu.memref_slice %arg11[%dma_start3A_58, %dma_start3A_59] : memref<10112x128xf32, #tpu.memory_space<vmem_shared>> -> memref<10112x128xf32, #tpu.memory_space<vmem_shared>>
          tpu.enqueue_indirect_dma source(%arg9 : memref<128x128xf32, #tpu.memory_space<vmem>>) target(%dma_start3A_60 : memref<10112x128xf32, #tpu.memory_space<vmem_shared>>) offsets(%dma_start3A_57 : memref<128xi32, #tpu.memory_space<vmem>>) semaphore(%run_scoped3A : memref<!tpu.dma_semaphore, #tpu.memory_space<semaphore_mem>>) {add = true}
          %dma_wait3A_61 = arith.constant 0 : i32
          %dma_wait3A_62 = tpu.memref_slice %arg8[%mul3A_27, %dma_wait3A_61] : memref<16x128xi32, #tpu.memory_space<vmem>> -> memref<1x128xi32, #tpu.memory_space<vmem>>
          %dma_wait3A_63 = tpu.memref_squeeze %dma_wait3A_62 : memref<1x128xi32, #tpu.memory_space<vmem>> -> memref<128xi32, #tpu.memory_space<vmem>>
          %dma_wait3A_64 = arith.constant 0 : i32
          %dma_wait3A_65 = arith.constant 0 : i32
          %dma_wait3A_66 = tpu.memref_slice %arg11[%dma_wait3A_64, %dma_wait3A_65] : memref<10112x128xf32, #tpu.memory_space<vmem_shared>> -> memref<10112x128xf32, #tpu.memory_space<vmem_shared>>
          tpu.wait_indirect_dma semaphore(%run_scoped3A : memref<!tpu.dma_semaphore, #tpu.memory_space<semaphore_mem>>) src(%arg9 : memref<128x128xf32, #tpu.memory_space<vmem>>) dst(%dma_wait3A_66 : memref<10112x128xf32, #tpu.memory_space<vmem_shared>>)
          tpu.yield
        }) : () -> ()
        %add3A_41 = arith.constant 1 : i32
        %add3A_42 = arith.addi %scan3A_25, %add3A_41 : i32
        %lt3A = arith.constant 8 : i32
        %lt3A_43 = arith.cmpi slt, %add3A_42, %lt3A : i32
        %convert_element_type3A = arith.extui %lt3A_43 : i1 to i32
        %cond3A = arith.constant 0 : i32
        %cond3A_44 = arith.cmpi ne, %convert_element_type3A, %cond3A : i32
        scf.if %cond3A_44 {
          %add3A_55 = arith.constant 2 : i32
          %add3A_56 = arith.addi %mul3A_27, %add3A_55 : i32
          %dma_start3A_57 = arith.constant 0 : i32
          %dma_start3A_58 = tpu.memref_slice %arg7[%add3A_56, %dma_start3A_57] : memref<16x128xi32, #tpu.memory_space<vmem>> -> memref<1x128xi32, #tpu.memory_space<vmem>>
          %dma_start3A_59 = tpu.memref_squeeze %dma_start3A_58 : memref<1x128xi32, #tpu.memory_space<vmem>> -> memref<128xi32, #tpu.memory_space<vmem>>
          %dma_start3A_60 = arith.constant 0 : i32
          %dma_start3A_61 = arith.constant 0 : i32
          %dma_start3A_62 = tpu.memref_slice %arg2[%dma_start3A_60, %dma_start3A_61] : memref<10000x128xf32, #tpu.memory_space<hbm>> -> memref<10000x128xf32, #tpu.memory_space<hbm>>
          tpu.enqueue_indirect_dma source(%dma_start3A_62 : memref<10000x128xf32, #tpu.memory_space<hbm>>) target(%arg9 : memref<128x128xf32, #tpu.memory_space<vmem>>) offsets(%dma_start3A_59 : memref<128xi32, #tpu.memory_space<vmem>>) semaphore(%arg12 : memref<!tpu.dma_semaphore, #tpu.memory_space<semaphore_mem>>)
        } else {
        }
        %add3A_45 = arith.constant 1 : i32
        %add3A_46 = arith.addi %mul3A_27, %add3A_45 : i32
        %dma_wait3A_47 = arith.constant 0 : i32
        %dma_wait3A_48 = tpu.memref_slice %arg7[%add3A_46, %dma_wait3A_47] : memref<16x128xi32, #tpu.memory_space<vmem>> -> memref<1x128xi32, #tpu.memory_space<vmem>>
        %dma_wait3A_49 = tpu.memref_squeeze %dma_wait3A_48 : memref<1x128xi32, #tpu.memory_space<vmem>> -> memref<128xi32, #tpu.memory_space<vmem>>
        %dma_wait3A_50 = arith.constant 0 : i32
        %dma_wait3A_51 = arith.constant 0 : i32
        %dma_wait3A_52 = tpu.memref_slice %arg2[%dma_wait3A_50, %dma_wait3A_51] : memref<10000x128xf32, #tpu.memory_space<hbm>> -> memref<10000x128xf32, #tpu.memory_space<hbm>>
        tpu.wait_indirect_dma semaphore(%arg13 : memref<!tpu.dma_semaphore, #tpu.memory_space<semaphore_mem>>) src(%dma_wait3A_52 : memref<10000x128xf32, #tpu.memory_space<hbm>>) dst(%arg10 : memref<128x128xf32, #tpu.memory_space<vmem>>)
        %add3A_53 = arith.constant 1 : i32
        %add3A_54 = arith.addi %mul3A_27, %add3A_53 : i32
        "tpu.region"() ({
          %run_scoped3A = tpu.sem_alloc : memref<!tpu.dma_semaphore, #tpu.memory_space<semaphore_mem>>
          %dma_start3A_55 = arith.constant 0 : i32
          %dma_start3A_56 = tpu.memref_slice %arg8[%add3A_54, %dma_start3A_55] : memref<16x128xi32, #tpu.memory_space<vmem>> -> memref<1x128xi32, #tpu.memory_space<vmem>>
          %dma_start3A_57 = tpu.memref_squeeze %dma_start3A_56 : memref<1x128xi32, #tpu.memory_space<vmem>> -> memref<128xi32, #tpu.memory_space<vmem>>
          %dma_start3A_58 = arith.constant 0 : i32
          %dma_start3A_59 = arith.constant 0 : i32
          %dma_start3A_60 = tpu.memref_slice %arg11[%dma_start3A_58, %dma_start3A_59] : memref<10112x128xf32, #tpu.memory_space<vmem_shared>> -> memref<10112x128xf32, #tpu.memory_space<vmem_shared>>
          tpu.enqueue_indirect_dma source(%arg10 : memref<128x128xf32, #tpu.memory_space<vmem>>) target(%dma_start3A_60 : memref<10112x128xf32, #tpu.memory_space<vmem_shared>>) offsets(%dma_start3A_57 : memref<128xi32, #tpu.memory_space<vmem>>) semaphore(%run_scoped3A : memref<!tpu.dma_semaphore, #tpu.memory_space<semaphore_mem>>) {add = true}
          %dma_wait3A_61 = arith.constant 0 : i32
          %dma_wait3A_62 = tpu.memref_slice %arg8[%add3A_54, %dma_wait3A_61] : memref<16x128xi32, #tpu.memory_space<vmem>> -> memref<1x128xi32, #tpu.memory_space<vmem>>
          %dma_wait3A_63 = tpu.memref_squeeze %dma_wait3A_62 : memref<1x128xi32, #tpu.memory_space<vmem>> -> memref<128xi32, #tpu.memory_space<vmem>>
          %dma_wait3A_64 = arith.constant 0 : i32
          %dma_wait3A_65 = arith.constant 0 : i32
          %dma_wait3A_66 = tpu.memref_slice %arg11[%dma_wait3A_64, %dma_wait3A_65] : memref<10112x128xf32, #tpu.memory_space<vmem_shared>> -> memref<10112x128xf32, #tpu.memory_space<vmem_shared>>
          tpu.wait_indirect_dma semaphore(%run_scoped3A : memref<!tpu.dma_semaphore, #tpu.memory_space<semaphore_mem>>) src(%arg10 : memref<128x128xf32, #tpu.memory_space<vmem>>) dst(%dma_wait3A_66 : memref<10112x128xf32, #tpu.memory_space<vmem_shared>>)
          tpu.yield
        }) : () -> ()
      }
      %scan3A_24 = arith.constant 8 : i32
    }
    %scan3A_7 = arith.constant 5 : i32
    %barrier3A_8 = arith.constant 0 : index
    tpu.barrier barrier_id(%barrier3A_8)
    %mul3A_9 = arith.constant 632 : i32
    %mul3A_10 = arith.muli %arg1, %mul3A_9 : i32
    %mul3A_11 = arith.constant 632 : i32
    %mul3A_12 = arith.muli %arg1, %mul3A_11 : i32
    "tpu.region"() ({
      %run_scoped3A = tpu.sem_alloc : memref<!tpu.dma_semaphore, #tpu.memory_space<semaphore_mem>>
      %dma_start3A = arith.constant 0 : i32
      %dma_start3A_13 = tpu.memref_slice %arg6[%arg0, %mul3A_12, %dma_start3A] : memref<2x10112x128xf32, #tpu.memory_space<hbm>> -> memref<1x632x128xf32, #tpu.memory_space<hbm>>
      %dma_start3A_14 = tpu.memref_squeeze %dma_start3A_13 : memref<1x632x128xf32, #tpu.memory_space<hbm>> -> memref<632x128xf32, #tpu.memory_space<hbm>>
      %dma_start3A_15 = arith.constant 0 : i32
      %dma_start3A_16 = tpu.memref_slice %arg11[%mul3A_10, %dma_start3A_15] : memref<10112x128xf32, #tpu.memory_space<vmem_shared>> -> memref<632x128xf32, #tpu.memory_space<vmem_shared>>
      tpu.enqueue_dma source(%dma_start3A_16 : memref<632x128xf32, #tpu.memory_space<vmem_shared>>) target(%dma_start3A_14 : memref<632x128xf32, #tpu.memory_space<hbm>>) target_semaphore(%run_scoped3A : memref<!tpu.dma_semaphore, #tpu.memory_space<semaphore_mem>>)
      %dma_wait3A = arith.constant 0 : i32
      %dma_wait3A_17 = tpu.memref_slice %arg6[%arg0, %mul3A_12, %dma_wait3A] : memref<2x10112x128xf32, #tpu.memory_space<hbm>> -> memref<1x632x128xf32, #tpu.memory_space<hbm>>
      %dma_wait3A_18 = tpu.memref_squeeze %dma_wait3A_17 : memref<1x632x128xf32, #tpu.memory_space<hbm>> -> memref<632x128xf32, #tpu.memory_space<hbm>>
      %dma_wait3A_19 = arith.constant 0 : i32
      %dma_wait3A_20 = tpu.memref_slice %arg11[%mul3A_10, %dma_wait3A_19] : memref<10112x128xf32, #tpu.memory_space<vmem_shared>> -> memref<632x128xf32, #tpu.memory_space<vmem_shared>>
      tpu.wait_dma2 semaphore(%run_scoped3A : memref<!tpu.dma_semaphore, #tpu.memory_space<semaphore_mem>>) src(%dma_wait3A_20 : memref<632x128xf32, #tpu.memory_space<vmem_shared>>) dst(%dma_wait3A_18 : memref<632x128xf32, #tpu.memory_space<hbm>>)
      tpu.yield
    }) : () -> ()
    return
  }
}

#map = affine_map<(d0, d1) -> (0, 0)>
#map1 = affine_map<(d0, d1) -> (0, 0, 0, 0)>
#map2 = affine_map<(d0, d1) -> (0, 0, 0)>
module attributes {stable_mosaic.version = 14 : i64} {
  func.func @_sc_agg_body(%arg0: i32, %arg1: i32, %arg2: memref<10000x128xf32, #tpu.memory_space<hbm>>, %arg3: memref<32x5x16x128xi32, #tpu.memory_space<hbm>>, %arg4: memref<32x5x16x128xi32, #tpu.memory_space<hbm>>, %arg5: memref<632x128xf32, #tpu.memory_space<hbm>>, %arg6: memref<2x10112x128xf32, #tpu.memory_space<hbm>>, %arg7: memref<16x128xi32, #tpu.memory_space<vmem>>, %arg8: memref<16x128xi32, #tpu.memory_space<vmem>>, %arg9: memref<128x128xf32, #tpu.memory_space<vmem>>, %arg10: memref<128x128xf32, #tpu.memory_space<vmem>>, %arg11: memref<10112x128xf32, #tpu.memory_space<vmem_shared>>, %arg12: memref<!tpu.dma_semaphore, #tpu.memory_space<semaphore_mem>>, %arg13: memref<!tpu.dma_semaphore, #tpu.memory_space<semaphore_mem>>) attributes {dimension_semantics = [#tpu.dimension_semantics<core_parallel>, #tpu.dimension_semantics<subcore_parallel>], iteration_bounds = array<i64: 2, 16>, scalar_prefetch = 0 : i64, scratch_operands = 7 : i64, tpu.core_type = #tpu.core_type<sc_vector_subcore>, window_params = [{transform_indices = #map}, {transform_indices = #map1}, {transform_indices = #map1}, {transform_indices = #map}, {transform_indices = #map2}]} {
    %mul3A = arith.constant 2 : i32
    %mul3A_0 = arith.muli %arg1, %mul3A : i32
    %add3A = arith.addi %mul3A_0, %arg0 : i32
    %mul3A_1 = arith.constant 632 : i32
    %mul3A_2 = arith.muli %arg1, %mul3A_1 : i32
    "tpu.region"() ({
      %run_scoped3A = tpu.sem_alloc : memref<!tpu.dma_semaphore, #tpu.memory_space<semaphore_mem>>
      %dma_start3A = arith.constant 0 : i32
      %dma_start3A_13 = tpu.memref_slice %arg11[%mul3A_2, %dma_start3A] : memref<10112x128xf32, #tpu.memory_space<vmem_shared>> -> memref<632x128xf32, #tpu.memory_space<vmem_shared>>
      tpu.enqueue_dma source(%arg5 : memref<632x128xf32, #tpu.memory_space<hbm>>) target(%dma_start3A_13 : memref<632x128xf32, #tpu.memory_space<vmem_shared>>) target_semaphore(%run_scoped3A : memref<!tpu.dma_semaphore, #tpu.memory_space<semaphore_mem>>)
      %dma_wait3A = arith.constant 0 : i32
      %dma_wait3A_14 = tpu.memref_slice %arg11[%mul3A_2, %dma_wait3A] : memref<10112x128xf32, #tpu.memory_space<vmem_shared>> -> memref<632x128xf32, #tpu.memory_space<vmem_shared>>
      tpu.wait_dma2 semaphore(%run_scoped3A : memref<!tpu.dma_semaphore, #tpu.memory_space<semaphore_mem>>) src(%arg5 : memref<632x128xf32, #tpu.memory_space<hbm>>) dst(%dma_wait3A_14 : memref<632x128xf32, #tpu.memory_space<vmem_shared>>)
      tpu.yield
    }) : () -> ()
    %barrier3A = arith.constant 0 : index
    tpu.barrier barrier_id(%barrier3A)
    %scan3A = arith.constant 0 : i32
    %scan3A_3 = arith.constant 0 : i32
    %scan3A_4 = arith.constant 5 : i32
    %scan3A_5 = arith.addi %scan3A_3, %scan3A_4 : i32
    %scan3A_6 = arith.constant 1 : i32
    scf.for %scan3A_13 = %scan3A_3 to %scan3A_5 step %scan3A_6  : i32 {
      "tpu.region"() ({
        %run_scoped3A = tpu.sem_alloc : memref<!tpu.dma_semaphore, #tpu.memory_space<semaphore_mem>>
        %dma_start3A_25 = arith.constant 0 : i32
        %dma_start3A_26 = arith.constant 0 : i32
        %dma_start3A_27 = tpu.memref_slice %arg3[%add3A, %scan3A_13, %dma_start3A_25, %dma_start3A_26] : memref<32x5x16x128xi32, #tpu.memory_space<hbm>> -> memref<1x1x16x128xi32, #tpu.memory_space<hbm>>
        %dma_start3A_28 = tpu.memref_squeeze %dma_start3A_27 : memref<1x1x16x128xi32, #tpu.memory_space<hbm>> -> memref<16x128xi32, #tpu.memory_space<hbm>>
        %dma_start3A_29 = arith.constant 0 : i32
        %dma_start3A_30 = arith.constant 0 : i32
        %dma_start3A_31 = tpu.memref_slice %arg3[%add3A, %scan3A_13, %dma_start3A_29, %dma_start3A_30] : memref<32x5x16x128xi32, #tpu.memory_space<hbm>> -> memref<1x1x16x128xi32, #tpu.memory_space<hbm>>
        %dma_start3A_32 = tpu.memref_squeeze %dma_start3A_31 : memref<1x1x16x128xi32, #tpu.memory_space<hbm>> -> memref<16x128xi32, #tpu.memory_space<hbm>>
        tpu.enqueue_dma source(%dma_start3A_32 : memref<16x128xi32, #tpu.memory_space<hbm>>) target(%arg7 : memref<16x128xi32, #tpu.memory_space<vmem>>) target_semaphore(%run_scoped3A : memref<!tpu.dma_semaphore, #tpu.memory_space<semaphore_mem>>)
        %dma_wait3A = arith.constant 0 : i32
        %dma_wait3A_33 = arith.constant 0 : i32
        %dma_wait3A_34 = tpu.memref_slice %arg3[%add3A, %scan3A_13, %dma_wait3A, %dma_wait3A_33] : memref<32x5x16x128xi32, #tpu.memory_space<hbm>> -> memref<1x1x16x128xi32, #tpu.memory_space<hbm>>
        %dma_wait3A_35 = tpu.memref_squeeze %dma_wait3A_34 : memref<1x1x16x128xi32, #tpu.memory_space<hbm>> -> memref<16x128xi32, #tpu.memory_space<hbm>>
        %dma_wait3A_36 = arith.constant 0 : i32
        %dma_wait3A_37 = arith.constant 0 : i32
        %dma_wait3A_38 = tpu.memref_slice %arg3[%add3A, %scan3A_13, %dma_wait3A_36, %dma_wait3A_37] : memref<32x5x16x128xi32, #tpu.memory_space<hbm>> -> memref<1x1x16x128xi32, #tpu.memory_space<hbm>>
        %dma_wait3A_39 = tpu.memref_squeeze %dma_wait3A_38 : memref<1x1x16x128xi32, #tpu.memory_space<hbm>> -> memref<16x128xi32, #tpu.memory_space<hbm>>
        tpu.wait_dma2 semaphore(%run_scoped3A : memref<!tpu.dma_semaphore, #tpu.memory_space<semaphore_mem>>) src(%dma_wait3A_39 : memref<16x128xi32, #tpu.memory_space<hbm>>) dst(%arg7 : memref<16x128xi32, #tpu.memory_space<vmem>>)
        tpu.yield
      }) : () -> ()
      "tpu.region"() ({
        %run_scoped3A = tpu.sem_alloc : memref<!tpu.dma_semaphore, #tpu.memory_space<semaphore_mem>>
        %dma_start3A_25 = arith.constant 0 : i32
        %dma_start3A_26 = arith.constant 0 : i32
        %dma_start3A_27 = tpu.memref_slice %arg4[%add3A, %scan3A_13, %dma_start3A_25, %dma_start3A_26] : memref<32x5x16x128xi32, #tpu.memory_space<hbm>> -> memref<1x1x16x128xi32, #tpu.memory_space<hbm>>
        %dma_start3A_28 = tpu.memref_squeeze %dma_start3A_27 : memref<1x1x16x128xi32, #tpu.memory_space<hbm>> -> memref<16x128xi32, #tpu.memory_space<hbm>>
        %dma_start3A_29 = arith.constant 0 : i32
        %dma_start3A_30 = arith.constant 0 : i32
        %dma_start3A_31 = tpu.memref_slice %arg4[%add3A, %scan3A_13, %dma_start3A_29, %dma_start3A_30] : memref<32x5x16x128xi32, #tpu.memory_space<hbm>> -> memref<1x1x16x128xi32, #tpu.memory_space<hbm>>
        %dma_start3A_32 = tpu.memref_squeeze %dma_start3A_31 : memref<1x1x16x128xi32, #tpu.memory_space<hbm>> -> memref<16x128xi32, #tpu.memory_space<hbm>>
        tpu.enqueue_dma source(%dma_start3A_32 : memref<16x128xi32, #tpu.memory_space<hbm>>) target(%arg8 : memref<16x128xi32, #tpu.memory_space<vmem>>) target_semaphore(%run_scoped3A : memref<!tpu.dma_semaphore, #tpu.memory_space<semaphore_mem>>)
        %dma_wait3A = arith.constant 0 : i32
        %dma_wait3A_33 = arith.constant 0 : i32
        %dma_wait3A_34 = tpu.memref_slice %arg4[%add3A, %scan3A_13, %dma_wait3A, %dma_wait3A_33] : memref<32x5x16x128xi32, #tpu.memory_space<hbm>> -> memref<1x1x16x128xi32, #tpu.memory_space<hbm>>
        %dma_wait3A_35 = tpu.memref_squeeze %dma_wait3A_34 : memref<1x1x16x128xi32, #tpu.memory_space<hbm>> -> memref<16x128xi32, #tpu.memory_space<hbm>>
        %dma_wait3A_36 = arith.constant 0 : i32
        %dma_wait3A_37 = arith.constant 0 : i32
        %dma_wait3A_38 = tpu.memref_slice %arg4[%add3A, %scan3A_13, %dma_wait3A_36, %dma_wait3A_37] : memref<32x5x16x128xi32, #tpu.memory_space<hbm>> -> memref<1x1x16x128xi32, #tpu.memory_space<hbm>>
        %dma_wait3A_39 = tpu.memref_squeeze %dma_wait3A_38 : memref<1x1x16x128xi32, #tpu.memory_space<hbm>> -> memref<16x128xi32, #tpu.memory_space<hbm>>
        tpu.wait_dma2 semaphore(%run_scoped3A : memref<!tpu.dma_semaphore, #tpu.memory_space<semaphore_mem>>) src(%dma_wait3A_39 : memref<16x128xi32, #tpu.memory_space<hbm>>) dst(%arg8 : memref<16x128xi32, #tpu.memory_space<vmem>>)
        tpu.yield
      }) : () -> ()
      %dma_start3A = arith.constant 0 : i32
      %dma_start3A_14 = arith.constant 0 : i32
      %dma_start3A_15 = tpu.memref_slice %arg7[%dma_start3A, %dma_start3A_14] : memref<16x128xi32, #tpu.memory_space<vmem>> -> memref<1x128xi32, #tpu.memory_space<vmem>>
      %dma_start3A_16 = tpu.memref_squeeze %dma_start3A_15 : memref<1x128xi32, #tpu.memory_space<vmem>> -> memref<128xi32, #tpu.memory_space<vmem>>
      %dma_start3A_17 = arith.constant 0 : i32
      %dma_start3A_18 = arith.constant 0 : i32
      %dma_start3A_19 = tpu.memref_slice %arg2[%dma_start3A_17, %dma_start3A_18] : memref<10000x128xf32, #tpu.memory_space<hbm>> -> memref<10000x128xf32, #tpu.memory_space<hbm>>
      tpu.enqueue_indirect_dma source(%dma_start3A_19 : memref<10000x128xf32, #tpu.memory_space<hbm>>) target(%arg9 : memref<128x128xf32, #tpu.memory_space<vmem>>) offsets(%dma_start3A_16 : memref<128xi32, #tpu.memory_space<vmem>>) semaphore(%arg12 : memref<!tpu.dma_semaphore, #tpu.memory_space<semaphore_mem>>)
      %scan3A_20 = arith.constant 0 : i32
      %scan3A_21 = arith.constant 8 : i32
      %scan3A_22 = arith.addi %scan3A_20, %scan3A_21 : i32
      %scan3A_23 = arith.constant 1 : i32
      scf.for %scan3A_25 = %scan3A_20 to %scan3A_22 step %scan3A_23  : i32 {
        %mul3A_26 = arith.constant 2 : i32
        %mul3A_27 = arith.muli %mul3A_26, %scan3A_25 : i32
        %add3A_28 = arith.constant 1 : i32
        %add3A_29 = arith.addi %mul3A_27, %add3A_28 : i32
        %dma_start3A_30 = arith.constant 0 : i32
        %dma_start3A_31 = tpu.memref_slice %arg7[%add3A_29, %dma_start3A_30] : memref<16x128xi32, #tpu.memory_space<vmem>> -> memref<1x128xi32, #tpu.memory_space<vmem>>
        %dma_start3A_32 = tpu.memref_squeeze %dma_start3A_31 : memref<1x128xi32, #tpu.memory_space<vmem>> -> memref<128xi32, #tpu.memory_space<vmem>>
        %dma_start3A_33 = arith.constant 0 : i32
        %dma_start3A_34 = arith.constant 0 : i32
        %dma_start3A_35 = tpu.memref_slice %arg2[%dma_start3A_33, %dma_start3A_34] : memref<10000x128xf32, #tpu.memory_space<hbm>> -> memref<10000x128xf32, #tpu.memory_space<hbm>>
        tpu.enqueue_indirect_dma source(%dma_start3A_35 : memref<10000x128xf32, #tpu.memory_space<hbm>>) target(%arg10 : memref<128x128xf32, #tpu.memory_space<vmem>>) offsets(%dma_start3A_32 : memref<128xi32, #tpu.memory_space<vmem>>) semaphore(%arg13 : memref<!tpu.dma_semaphore, #tpu.memory_space<semaphore_mem>>)
        %dma_wait3A = arith.constant 0 : i32
        %dma_wait3A_36 = tpu.memref_slice %arg7[%mul3A_27, %dma_wait3A] : memref<16x128xi32, #tpu.memory_space<vmem>> -> memref<1x128xi32, #tpu.memory_space<vmem>>
        %dma_wait3A_37 = tpu.memref_squeeze %dma_wait3A_36 : memref<1x128xi32, #tpu.memory_space<vmem>> -> memref<128xi32, #tpu.memory_space<vmem>>
        %dma_wait3A_38 = arith.constant 0 : i32
        %dma_wait3A_39 = arith.constant 0 : i32
        %dma_wait3A_40 = tpu.memref_slice %arg2[%dma_wait3A_38, %dma_wait3A_39] : memref<10000x128xf32, #tpu.memory_space<hbm>> -> memref<10000x128xf32, #tpu.memory_space<hbm>>
        tpu.wait_indirect_dma semaphore(%arg12 : memref<!tpu.dma_semaphore, #tpu.memory_space<semaphore_mem>>) src(%dma_wait3A_40 : memref<10000x128xf32, #tpu.memory_space<hbm>>) dst(%arg9 : memref<128x128xf32, #tpu.memory_space<vmem>>)
        "tpu.region"() ({
          %run_scoped3A = tpu.sem_alloc : memref<!tpu.dma_semaphore, #tpu.memory_space<semaphore_mem>>
          %dma_start3A_55 = arith.constant 0 : i32
          %dma_start3A_56 = tpu.memref_slice %arg8[%mul3A_27, %dma_start3A_55] : memref<16x128xi32, #tpu.memory_space<vmem>> -> memref<1x128xi32, #tpu.memory_space<vmem>>
          %dma_start3A_57 = tpu.memref_squeeze %dma_start3A_56 : memref<1x128xi32, #tpu.memory_space<vmem>> -> memref<128xi32, #tpu.memory_space<vmem>>
          %dma_start3A_58 = arith.constant 0 : i32
          %dma_start3A_59 = arith.constant 0 : i32
          %dma_start3A_60 = tpu.memref_slice %arg11[%dma_start3A_58, %dma_start3A_59] : memref<10112x128xf32, #tpu.memory_space<vmem_shared>> -> memref<10112x128xf32, #tpu.memory_space<vmem_shared>>
          tpu.enqueue_indirect_dma source(%arg9 : memref<128x128xf32, #tpu.memory_space<vmem>>) target(%dma_start3A_60 : memref<10112x128xf32, #tpu.memory_space<vmem_shared>>) offsets(%dma_start3A_57 : memref<128xi32, #tpu.memory_space<vmem>>) semaphore(%run_scoped3A : memref<!tpu.dma_semaphore, #tpu.memory_space<semaphore_mem>>) {add = true}
          %dma_wait3A_61 = arith.constant 0 : i32
          %dma_wait3A_62 = tpu.memref_slice %arg8[%mul3A_27, %dma_wait3A_61] : memref<16x128xi32, #tpu.memory_space<vmem>> -> memref<1x128xi32, #tpu.memory_space<vmem>>
          %dma_wait3A_63 = tpu.memref_squeeze %dma_wait3A_62 : memref<1x128xi32, #tpu.memory_space<vmem>> -> memref<128xi32, #tpu.memory_space<vmem>>
          %dma_wait3A_64 = arith.constant 0 : i32
          %dma_wait3A_65 = arith.constant 0 : i32
          %dma_wait3A_66 = tpu.memref_slice %arg11[%dma_wait3A_64, %dma_wait3A_65] : memref<10112x128xf32, #tpu.memory_space<vmem_shared>> -> memref<10112x128xf32, #tpu.memory_space<vmem_shared>>
          tpu.wait_indirect_dma semaphore(%run_scoped3A : memref<!tpu.dma_semaphore, #tpu.memory_space<semaphore_mem>>) src(%arg9 : memref<128x128xf32, #tpu.memory_space<vmem>>) dst(%dma_wait3A_66 : memref<10112x128xf32, #tpu.memory_space<vmem_shared>>)
          tpu.yield
        }) : () -> ()
        %add3A_41 = arith.constant 1 : i32
        %add3A_42 = arith.addi %scan3A_25, %add3A_41 : i32
        %lt3A = arith.constant 8 : i32
        %lt3A_43 = arith.cmpi slt, %add3A_42, %lt3A : i32
        %convert_element_type3A = arith.extui %lt3A_43 : i1 to i32
        %cond3A = arith.constant 0 : i32
        %cond3A_44 = arith.cmpi ne, %convert_element_type3A, %cond3A : i32
        scf.if %cond3A_44 {
          %add3A_55 = arith.constant 2 : i32
          %add3A_56 = arith.addi %mul3A_27, %add3A_55 : i32
          %dma_start3A_57 = arith.constant 0 : i32
          %dma_start3A_58 = tpu.memref_slice %arg7[%add3A_56, %dma_start3A_57] : memref<16x128xi32, #tpu.memory_space<vmem>> -> memref<1x128xi32, #tpu.memory_space<vmem>>
          %dma_start3A_59 = tpu.memref_squeeze %dma_start3A_58 : memref<1x128xi32, #tpu.memory_space<vmem>> -> memref<128xi32, #tpu.memory_space<vmem>>
          %dma_start3A_60 = arith.constant 0 : i32
          %dma_start3A_61 = arith.constant 0 : i32
          %dma_start3A_62 = tpu.memref_slice %arg2[%dma_start3A_60, %dma_start3A_61] : memref<10000x128xf32, #tpu.memory_space<hbm>> -> memref<10000x128xf32, #tpu.memory_space<hbm>>
          tpu.enqueue_indirect_dma source(%dma_start3A_62 : memref<10000x128xf32, #tpu.memory_space<hbm>>) target(%arg9 : memref<128x128xf32, #tpu.memory_space<vmem>>) offsets(%dma_start3A_59 : memref<128xi32, #tpu.memory_space<vmem>>) semaphore(%arg12 : memref<!tpu.dma_semaphore, #tpu.memory_space<semaphore_mem>>)
        } else {
        }
        %add3A_45 = arith.constant 1 : i32
        %add3A_46 = arith.addi %mul3A_27, %add3A_45 : i32
        %dma_wait3A_47 = arith.constant 0 : i32
        %dma_wait3A_48 = tpu.memref_slice %arg7[%add3A_46, %dma_wait3A_47] : memref<16x128xi32, #tpu.memory_space<vmem>> -> memref<1x128xi32, #tpu.memory_space<vmem>>
        %dma_wait3A_49 = tpu.memref_squeeze %dma_wait3A_48 : memref<1x128xi32, #tpu.memory_space<vmem>> -> memref<128xi32, #tpu.memory_space<vmem>>
        %dma_wait3A_50 = arith.constant 0 : i32
        %dma_wait3A_51 = arith.constant 0 : i32
        %dma_wait3A_52 = tpu.memref_slice %arg2[%dma_wait3A_50, %dma_wait3A_51] : memref<10000x128xf32, #tpu.memory_space<hbm>> -> memref<10000x128xf32, #tpu.memory_space<hbm>>
        tpu.wait_indirect_dma semaphore(%arg13 : memref<!tpu.dma_semaphore, #tpu.memory_space<semaphore_mem>>) src(%dma_wait3A_52 : memref<10000x128xf32, #tpu.memory_space<hbm>>) dst(%arg10 : memref<128x128xf32, #tpu.memory_space<vmem>>)
        %add3A_53 = arith.constant 1 : i32
        %add3A_54 = arith.addi %mul3A_27, %add3A_53 : i32
        "tpu.region"() ({
          %run_scoped3A = tpu.sem_alloc : memref<!tpu.dma_semaphore, #tpu.memory_space<semaphore_mem>>
          %dma_start3A_55 = arith.constant 0 : i32
          %dma_start3A_56 = tpu.memref_slice %arg8[%add3A_54, %dma_start3A_55] : memref<16x128xi32, #tpu.memory_space<vmem>> -> memref<1x128xi32, #tpu.memory_space<vmem>>
          %dma_start3A_57 = tpu.memref_squeeze %dma_start3A_56 : memref<1x128xi32, #tpu.memory_space<vmem>> -> memref<128xi32, #tpu.memory_space<vmem>>
          %dma_start3A_58 = arith.constant 0 : i32
          %dma_start3A_59 = arith.constant 0 : i32
          %dma_start3A_60 = tpu.memref_slice %arg11[%dma_start3A_58, %dma_start3A_59] : memref<10112x128xf32, #tpu.memory_space<vmem_shared>> -> memref<10112x128xf32, #tpu.memory_space<vmem_shared>>
          tpu.enqueue_indirect_dma source(%arg10 : memref<128x128xf32, #tpu.memory_space<vmem>>) target(%dma_start3A_60 : memref<10112x128xf32, #tpu.memory_space<vmem_shared>>) offsets(%dma_start3A_57 : memref<128xi32, #tpu.memory_space<vmem>>) semaphore(%run_scoped3A : memref<!tpu.dma_semaphore, #tpu.memory_space<semaphore_mem>>) {add = true}
          %dma_wait3A_61 = arith.constant 0 : i32
          %dma_wait3A_62 = tpu.memref_slice %arg8[%add3A_54, %dma_wait3A_61] : memref<16x128xi32, #tpu.memory_space<vmem>> -> memref<1x128xi32, #tpu.memory_space<vmem>>
          %dma_wait3A_63 = tpu.memref_squeeze %dma_wait3A_62 : memref<1x128xi32, #tpu.memory_space<vmem>> -> memref<128xi32, #tpu.memory_space<vmem>>
          %dma_wait3A_64 = arith.constant 0 : i32
          %dma_wait3A_65 = arith.constant 0 : i32
          %dma_wait3A_66 = tpu.memref_slice %arg11[%dma_wait3A_64, %dma_wait3A_65] : memref<10112x128xf32, #tpu.memory_space<vmem_shared>> -> memref<10112x128xf32, #tpu.memory_space<vmem_shared>>
          tpu.wait_indirect_dma semaphore(%run_scoped3A : memref<!tpu.dma_semaphore, #tpu.memory_space<semaphore_mem>>) src(%arg10 : memref<128x128xf32, #tpu.memory_space<vmem>>) dst(%dma_wait3A_66 : memref<10112x128xf32, #tpu.memory_space<vmem_shared>>)
          tpu.yield
        }) : () -> ()
      }
      %scan3A_24 = arith.constant 8 : i32
    }
    %scan3A_7 = arith.constant 5 : i32
    %barrier3A_8 = arith.constant 0 : index
    tpu.barrier barrier_id(%barrier3A_8)
    %mul3A_9 = arith.constant 632 : i32
    %mul3A_10 = arith.muli %arg1, %mul3A_9 : i32
    %mul3A_11 = arith.constant 632 : i32
    %mul3A_12 = arith.muli %arg1, %mul3A_11 : i32
    "tpu.region"() ({
      %run_scoped3A = tpu.sem_alloc : memref<!tpu.dma_semaphore, #tpu.memory_space<semaphore_mem>>
      %dma_start3A = arith.constant 0 : i32
      %dma_start3A_13 = tpu.memref_slice %arg6[%arg0, %mul3A_12, %dma_start3A] : memref<2x10112x128xf32, #tpu.memory_space<hbm>> -> memref<1x632x128xf32, #tpu.memory_space<hbm>>
      %dma_start3A_14 = tpu.memref_squeeze %dma_start3A_13 : memref<1x632x128xf32, #tpu.memory_space<hbm>> -> memref<632x128xf32, #tpu.memory_space<hbm>>
      %dma_start3A_15 = arith.constant 0 : i32
      %dma_start3A_16 = tpu.memref_slice %arg11[%mul3A_10, %dma_start3A_15] : memref<10112x128xf32, #tpu.memory_space<vmem_shared>> -> memref<632x128xf32, #tpu.memory_space<vmem_shared>>
      tpu.enqueue_dma source(%dma_start3A_16 : memref<632x128xf32, #tpu.memory_space<vmem_shared>>) target(%dma_start3A_14 : memref<632x128xf32, #tpu.memory_space<hbm>>) target_semaphore(%run_scoped3A : memref<!tpu.dma_semaphore, #tpu.memory_space<semaphore_mem>>)
      %dma_wait3A = arith.constant 0 : i32
      %dma_wait3A_17 = tpu.memref_slice %arg6[%arg0, %mul3A_12, %dma_wait3A] : memref<2x10112x128xf32, #tpu.memory_space<hbm>> -> memref<1x632x128xf32, #tpu.memory_space<hbm>>
      %dma_wait3A_18 = tpu.memref_squeeze %dma_wait3A_17 : memref<1x632x128xf32, #tpu.memory_space<hbm>> -> memref<632x128xf32, #tpu.memory_space<hbm>>
      %dma_wait3A_19 = arith.constant 0 : i32
      %dma_wait3A_20 = tpu.memref_slice %arg11[%mul3A_10, %dma_wait3A_19] : memref<10112x128xf32, #tpu.memory_space<vmem_shared>> -> memref<632x128xf32, #tpu.memory_space<vmem_shared>>
      tpu.wait_dma2 semaphore(%run_scoped3A : memref<!tpu.dma_semaphore, #tpu.memory_space<semaphore_mem>>) src(%dma_wait3A_20 : memref<632x128xf32, #tpu.memory_space<vmem_shared>>) dst(%dma_wait3A_18 : memref<632x128xf32, #tpu.memory_space<hbm>>)
      tpu.yield
    }) : () -> ()
    return
  }
}

#map = affine_map<(d0, d1) -> (0, 0, 0, 0)>
#map1 = affine_map<(d0, d1) -> (0, 0)>
#map2 = affine_map<(d0, d1) -> (0, 0, 0)>
module attributes {stable_mosaic.version = 14 : i64} {
  func.func @_sc_deg_body(%arg0: i32, %arg1: i32, %arg2: memref<32x5x16x128xi32, #tpu.memory_space<hbm>>, %arg3: memref<128x128xf32, #tpu.memory_space<hbm>>, %arg4: memref<632x128xf32, #tpu.memory_space<hbm>>, %arg5: memref<2x10112x128xf32, #tpu.memory_space<hbm>>, %arg6: memref<16x128xi32, #tpu.memory_space<vmem>>, %arg7: memref<128x128xf32, #tpu.memory_space<vmem>>, %arg8: memref<10112x128xf32, #tpu.memory_space<vmem_shared>>, %arg9: memref<!tpu.dma_semaphore, #tpu.memory_space<semaphore_mem>>) attributes {dimension_semantics = [#tpu.dimension_semantics<core_parallel>, #tpu.dimension_semantics<subcore_parallel>], iteration_bounds = array<i64: 2, 16>, scalar_prefetch = 0 : i64, scratch_operands = 4 : i64, tpu.core_type = #tpu.core_type<sc_vector_subcore>, window_params = [{transform_indices = #map}, {transform_indices = #map1}, {transform_indices = #map1}, {transform_indices = #map2}]} {
    %mul3A = arith.constant 2 : i32
    %mul3A_0 = arith.muli %arg1, %mul3A : i32
    %add3A = arith.addi %mul3A_0, %arg0 : i32
    %mul3A_1 = arith.constant 632 : i32
    %mul3A_2 = arith.muli %arg1, %mul3A_1 : i32
    "tpu.region"() ({
      %run_scoped3A = tpu.sem_alloc : memref<!tpu.dma_semaphore, #tpu.memory_space<semaphore_mem>>
      %dma_start3A = arith.constant 0 : i32
      %dma_start3A_13 = tpu.memref_slice %arg8[%mul3A_2, %dma_start3A] : memref<10112x128xf32, #tpu.memory_space<vmem_shared>> -> memref<632x128xf32, #tpu.memory_space<vmem_shared>>
      tpu.enqueue_dma source(%arg4 : memref<632x128xf32, #tpu.memory_space<hbm>>) target(%dma_start3A_13 : memref<632x128xf32, #tpu.memory_space<vmem_shared>>) target_semaphore(%run_scoped3A : memref<!tpu.dma_semaphore, #tpu.memory_space<semaphore_mem>>)
      %dma_wait3A = arith.constant 0 : i32
      %dma_wait3A_14 = tpu.memref_slice %arg8[%mul3A_2, %dma_wait3A] : memref<10112x128xf32, #tpu.memory_space<vmem_shared>> -> memref<632x128xf32, #tpu.memory_space<vmem_shared>>
      tpu.wait_dma2 semaphore(%run_scoped3A : memref<!tpu.dma_semaphore, #tpu.memory_space<semaphore_mem>>) src(%arg4 : memref<632x128xf32, #tpu.memory_space<hbm>>) dst(%dma_wait3A_14 : memref<632x128xf32, #tpu.memory_space<vmem_shared>>)
      tpu.yield
    }) : () -> ()
    "tpu.region"() ({
      %run_scoped3A = tpu.sem_alloc : memref<!tpu.dma_semaphore, #tpu.memory_space<semaphore_mem>>
      tpu.enqueue_dma source(%arg3 : memref<128x128xf32, #tpu.memory_space<hbm>>) target(%arg7 : memref<128x128xf32, #tpu.memory_space<vmem>>) target_semaphore(%run_scoped3A : memref<!tpu.dma_semaphore, #tpu.memory_space<semaphore_mem>>)
      tpu.wait_dma2 semaphore(%run_scoped3A : memref<!tpu.dma_semaphore, #tpu.memory_space<semaphore_mem>>) src(%arg3 : memref<128x128xf32, #tpu.memory_space<hbm>>) dst(%arg7 : memref<128x128xf32, #tpu.memory_space<vmem>>)
      tpu.yield
    }) : () -> ()
    %barrier3A = arith.constant 0 : index
    tpu.barrier barrier_id(%barrier3A)
    %scan3A = arith.constant 0 : i32
    %scan3A_3 = arith.constant 0 : i32
    %scan3A_4 = arith.constant 5 : i32
    %scan3A_5 = arith.addi %scan3A_3, %scan3A_4 : i32
    %scan3A_6 = arith.constant 1 : i32
    scf.for %scan3A_13 = %scan3A_3 to %scan3A_5 step %scan3A_6  : i32 {
      "tpu.region"() ({
        %run_scoped3A = tpu.sem_alloc : memref<!tpu.dma_semaphore, #tpu.memory_space<semaphore_mem>>
        %dma_start3A = arith.constant 0 : i32
        %dma_start3A_24 = arith.constant 0 : i32
        %dma_start3A_25 = tpu.memref_slice %arg2[%add3A, %scan3A_13, %dma_start3A, %dma_start3A_24] : memref<32x5x16x128xi32, #tpu.memory_space<hbm>> -> memref<1x1x16x128xi32, #tpu.memory_space<hbm>>
        %dma_start3A_26 = tpu.memref_squeeze %dma_start3A_25 : memref<1x1x16x128xi32, #tpu.memory_space<hbm>> -> memref<16x128xi32, #tpu.memory_space<hbm>>
        %dma_start3A_27 = arith.constant 0 : i32
        %dma_start3A_28 = arith.constant 0 : i32
        %dma_start3A_29 = tpu.memref_slice %arg2[%add3A, %scan3A_13, %dma_start3A_27, %dma_start3A_28] : memref<32x5x16x128xi32, #tpu.memory_space<hbm>> -> memref<1x1x16x128xi32, #tpu.memory_space<hbm>>
        %dma_start3A_30 = tpu.memref_squeeze %dma_start3A_29 : memref<1x1x16x128xi32, #tpu.memory_space<hbm>> -> memref<16x128xi32, #tpu.memory_space<hbm>>
        tpu.enqueue_dma source(%dma_start3A_30 : memref<16x128xi32, #tpu.memory_space<hbm>>) target(%arg6 : memref<16x128xi32, #tpu.memory_space<vmem>>) target_semaphore(%run_scoped3A : memref<!tpu.dma_semaphore, #tpu.memory_space<semaphore_mem>>)
        %dma_wait3A = arith.constant 0 : i32
        %dma_wait3A_31 = arith.constant 0 : i32
        %dma_wait3A_32 = tpu.memref_slice %arg2[%add3A, %scan3A_13, %dma_wait3A, %dma_wait3A_31] : memref<32x5x16x128xi32, #tpu.memory_space<hbm>> -> memref<1x1x16x128xi32, #tpu.memory_space<hbm>>
        %dma_wait3A_33 = tpu.memref_squeeze %dma_wait3A_32 : memref<1x1x16x128xi32, #tpu.memory_space<hbm>> -> memref<16x128xi32, #tpu.memory_space<hbm>>
        %dma_wait3A_34 = arith.constant 0 : i32
        %dma_wait3A_35 = arith.constant 0 : i32
        %dma_wait3A_36 = tpu.memref_slice %arg2[%add3A, %scan3A_13, %dma_wait3A_34, %dma_wait3A_35] : memref<32x5x16x128xi32, #tpu.memory_space<hbm>> -> memref<1x1x16x128xi32, #tpu.memory_space<hbm>>
        %dma_wait3A_37 = tpu.memref_squeeze %dma_wait3A_36 : memref<1x1x16x128xi32, #tpu.memory_space<hbm>> -> memref<16x128xi32, #tpu.memory_space<hbm>>
        tpu.wait_dma2 semaphore(%run_scoped3A : memref<!tpu.dma_semaphore, #tpu.memory_space<semaphore_mem>>) src(%dma_wait3A_37 : memref<16x128xi32, #tpu.memory_space<hbm>>) dst(%arg6 : memref<16x128xi32, #tpu.memory_space<vmem>>)
        tpu.yield
      }) : () -> ()
      %scan3A_14 = arith.constant 0 : i32
      %scan3A_15 = arith.constant 16 : i32
      %scan3A_16 = arith.addi %scan3A_14, %scan3A_15 : i32
      %scan3A_17 = arith.constant 1 : i32
      scf.for %scan3A_24 = %scan3A_14 to %scan3A_16 step %scan3A_17  : i32 {
        %dma_start3A = arith.constant 0 : i32
        %dma_start3A_25 = tpu.memref_slice %arg6[%scan3A_24, %dma_start3A] : memref<16x128xi32, #tpu.memory_space<vmem>> -> memref<1x128xi32, #tpu.memory_space<vmem>>
        %dma_start3A_26 = tpu.memref_squeeze %dma_start3A_25 : memref<1x128xi32, #tpu.memory_space<vmem>> -> memref<128xi32, #tpu.memory_space<vmem>>
        %dma_start3A_27 = arith.constant 0 : i32
        %dma_start3A_28 = arith.constant 0 : i32
        %dma_start3A_29 = tpu.memref_slice %arg8[%dma_start3A_27, %dma_start3A_28] : memref<10112x128xf32, #tpu.memory_space<vmem_shared>> -> memref<10112x128xf32, #tpu.memory_space<vmem_shared>>
        tpu.enqueue_indirect_dma source(%arg7 : memref<128x128xf32, #tpu.memory_space<vmem>>) target(%dma_start3A_29 : memref<10112x128xf32, #tpu.memory_space<vmem_shared>>) offsets(%dma_start3A_26 : memref<128xi32, #tpu.memory_space<vmem>>) semaphore(%arg9 : memref<!tpu.dma_semaphore, #tpu.memory_space<semaphore_mem>>) {add = true}
      }
      %scan3A_18 = arith.constant 16 : i32
      %scan3A_19 = arith.constant 0 : i32
      %scan3A_20 = arith.constant 16 : i32
      %scan3A_21 = arith.addi %scan3A_19, %scan3A_20 : i32
      %scan3A_22 = arith.constant 1 : i32
      scf.for %scan3A_24 = %scan3A_19 to %scan3A_21 step %scan3A_22  : i32 {
        %dma_wait3A = arith.constant 0 : i32
        %dma_wait3A_25 = arith.constant 0 : i32
        %dma_wait3A_26 = tpu.memref_slice %arg6[%dma_wait3A, %dma_wait3A_25] : memref<16x128xi32, #tpu.memory_space<vmem>> -> memref<1x128xi32, #tpu.memory_space<vmem>>
        %dma_wait3A_27 = tpu.memref_squeeze %dma_wait3A_26 : memref<1x128xi32, #tpu.memory_space<vmem>> -> memref<128xi32, #tpu.memory_space<vmem>>
        %dma_wait3A_28 = arith.constant 0 : i32
        %dma_wait3A_29 = arith.constant 0 : i32
        %dma_wait3A_30 = tpu.memref_slice %arg8[%dma_wait3A_28, %dma_wait3A_29] : memref<10112x128xf32, #tpu.memory_space<vmem_shared>> -> memref<10112x128xf32, #tpu.memory_space<vmem_shared>>
        tpu.wait_indirect_dma semaphore(%arg9 : memref<!tpu.dma_semaphore, #tpu.memory_space<semaphore_mem>>) src(%arg7 : memref<128x128xf32, #tpu.memory_space<vmem>>) dst(%dma_wait3A_30 : memref<10112x128xf32, #tpu.memory_space<vmem_shared>>)
      }
      %scan3A_23 = arith.constant 16 : i32
    }
    %scan3A_7 = arith.constant 5 : i32
    %barrier3A_8 = arith.constant 0 : index
    tpu.barrier barrier_id(%barrier3A_8)
    %mul3A_9 = arith.constant 632 : i32
    %mul3A_10 = arith.muli %arg1, %mul3A_9 : i32
    %mul3A_11 = arith.constant 632 : i32
    %mul3A_12 = arith.muli %arg1, %mul3A_11 : i32
    "tpu.region"() ({
      %run_scoped3A = tpu.sem_alloc : memref<!tpu.dma_semaphore, #tpu.memory_space<semaphore_mem>>
      %dma_start3A = arith.constant 0 : i32
      %dma_start3A_13 = tpu.memref_slice %arg5[%arg0, %mul3A_12, %dma_start3A] : memref<2x10112x128xf32, #tpu.memory_space<hbm>> -> memref<1x632x128xf32, #tpu.memory_space<hbm>>
      %dma_start3A_14 = tpu.memref_squeeze %dma_start3A_13 : memref<1x632x128xf32, #tpu.memory_space<hbm>> -> memref<632x128xf32, #tpu.memory_space<hbm>>
      %dma_start3A_15 = arith.constant 0 : i32
      %dma_start3A_16 = tpu.memref_slice %arg8[%mul3A_10, %dma_start3A_15] : memref<10112x128xf32, #tpu.memory_space<vmem_shared>> -> memref<632x128xf32, #tpu.memory_space<vmem_shared>>
      tpu.enqueue_dma source(%dma_start3A_16 : memref<632x128xf32, #tpu.memory_space<vmem_shared>>) target(%dma_start3A_14 : memref<632x128xf32, #tpu.memory_space<hbm>>) target_semaphore(%run_scoped3A : memref<!tpu.dma_semaphore, #tpu.memory_space<semaphore_mem>>)
      %dma_wait3A = arith.constant 0 : i32
      %dma_wait3A_17 = tpu.memref_slice %arg5[%arg0, %mul3A_12, %dma_wait3A] : memref<2x10112x128xf32, #tpu.memory_space<hbm>> -> memref<1x632x128xf32, #tpu.memory_space<hbm>>
      %dma_wait3A_18 = tpu.memref_squeeze %dma_wait3A_17 : memref<1x632x128xf32, #tpu.memory_space<hbm>> -> memref<632x128xf32, #tpu.memory_space<hbm>>
      %dma_wait3A_19 = arith.constant 0 : i32
      %dma_wait3A_20 = tpu.memref_slice %arg8[%mul3A_10, %dma_wait3A_19] : memref<10112x128xf32, #tpu.memory_space<vmem_shared>> -> memref<632x128xf32, #tpu.memory_space<vmem_shared>>
      tpu.wait_dma2 semaphore(%run_scoped3A : memref<!tpu.dma_semaphore, #tpu.memory_space<semaphore_mem>>) src(%dma_wait3A_20 : memref<632x128xf32, #tpu.memory_space<vmem_shared>>) dst(%dma_wait3A_18 : memref<632x128xf32, #tpu.memory_space<hbm>>)
      tpu.yield
    }) : () -> ()
    return
  }
}

module attributes {stable_mosaic.version = 14 : i64} {
  func.func @_tc1_body(%arg0: i32, %arg1: memref<2x2000x128xf32, #tpu.memory_space<vmem>>, %arg2: memref<2x2000x128xf32, #tpu.memory_space<vmem>>, %arg3: memref<2000x128xf32, #tpu.memory_space<vmem>>, %arg4: memref<128x128xf32, #tpu.memory_space<vmem>>, %arg5: memref<1x128xf32, #tpu.memory_space<vmem>>, %arg6: memref<128x128xf32, #tpu.memory_space<vmem>>, %arg7: memref<2000x128xf32, #tpu.memory_space<vmem>>) attributes {dimension_semantics = [#tpu.dimension_semantics<arbitrary>], iteration_bounds = array<i64: 5>, scalar_prefetch = 0 : i64, scratch_operands = 0 : i64, tpu.core_type = #tpu.core_type<tc>, window_params = [{transform_indices = @transform_0, window_bounds = array<i64: 2, 2000, 128>}, {transform_indices = @transform_1, window_bounds = array<i64: 2, 2000, 128>}, {transform_indices = @transform_2, window_bounds = array<i64: 2000, 128>}, {pipeline_mode = #tpu.pipeline_mode<synchronous>, transform_indices = @transform_3, window_bounds = array<i64: 128, 128>}, {pipeline_mode = #tpu.pipeline_mode<synchronous>, transform_indices = @transform_4, window_bounds = array<i64: 1, 128>}, {pipeline_mode = #tpu.pipeline_mode<synchronous>, transform_indices = @transform_5, window_bounds = array<i64: 128, 128>}, {transform_indices = @transform_6, window_bounds = array<i64: 2000, 128>}]} {
    %get3A = arith.constant 0 : index
    %get3A_0 = arith.constant 0 : index
    %get3A_1 = arith.constant 0 : index
    %get3A_2 = vector.load %arg1[%get3A, %get3A_0, %get3A_1] : memref<2x2000x128xf32, #tpu.memory_space<vmem>>, vector<1x2000x128xf32>
    %get3A_3 = vector.shape_cast %get3A_2 : vector<1x2000x128xf32> to vector<2000x128xf32>
    %get3A_4 = arith.constant 1 : index
    %get3A_5 = arith.constant 0 : index
    %get3A_6 = arith.constant 0 : index
    %get3A_7 = vector.load %arg1[%get3A_4, %get3A_5, %get3A_6] : memref<2x2000x128xf32, #tpu.memory_space<vmem>>, vector<1x2000x128xf32>
    %get3A_8 = vector.shape_cast %get3A_7 : vector<1x2000x128xf32> to vector<2000x128xf32>
    %add3A = arith.addf %get3A_3, %get3A_8 : vector<2000x128xf32>
    %get3A_9 = arith.constant 0 : index
    %get3A_10 = arith.constant 0 : index
    %get3A_11 = arith.constant 0 : index
    %get3A_12 = vector.load %arg2[%get3A_9, %get3A_10, %get3A_11] : memref<2x2000x128xf32, #tpu.memory_space<vmem>>, vector<1x2000x1xf32>
    %get3A_13 = vector.shape_cast %get3A_12 : vector<1x2000x1xf32> to vector<2000x1xf32>
    %get3A_14 = arith.constant 1 : index
    %get3A_15 = arith.constant 0 : index
    %get3A_16 = arith.constant 0 : index
    %get3A_17 = vector.load %arg2[%get3A_14, %get3A_15, %get3A_16] : memref<2x2000x128xf32, #tpu.memory_space<vmem>>, vector<1x2000x1xf32>
    %get3A_18 = vector.shape_cast %get3A_17 : vector<1x2000x1xf32> to vector<2000x1xf32>
    %add3A_19 = arith.addf %get3A_13, %get3A_18 : vector<2000x1xf32>
    %max3A = arith.constant 1.000000e+00 : f32
    %max3A_20 = vector.broadcast %max3A : f32 to vector<2000x1xf32>
    %max3A_21 = arith.maximumf %add3A_19, %max3A_20 : vector<2000x1xf32>
    %div3A = vector.broadcast %max3A_21 : vector<2000x1xf32> to vector<2000x128xf32>
    %div3A_22 = arith.divf %add3A, %div3A : vector<2000x128xf32>
    %get3A_23 = arith.constant 0 : index
    %get3A_24 = arith.constant 0 : index
    %get3A_25 = vector.load %arg4[%get3A_23, %get3A_24] : memref<128x128xf32, #tpu.memory_space<vmem>>, vector<128x128xf32>
    %dot_general3A = arith.constant dense<0.000000e+00> : vector<2000x128xf32>
    %dot_general3A_26 = tpu.matmul %div3A_22, %get3A_25, %dot_general3A {dimension_numbers = #tpu.dot_dimension_numbers<[1], [1], [0], [0], [0, 0, 1, 0], [], []>, transpose_lhs_hint = false} : vector<2000x128xf32>, vector<128x128xf32>, vector<2000x128xf32> -> vector<2000x128xf32>
    %get3A_27 = arith.constant 0 : index
    %get3A_28 = arith.constant 0 : index
    %get3A_29 = vector.load %arg5[%get3A_27, %get3A_28] : memref<1x128xf32, #tpu.memory_space<vmem>>, vector<1x128xf32>
    %add3A_30 = vector.broadcast %get3A_29 : vector<1x128xf32> to vector<2000x128xf32>
    %add3A_31 = arith.addf %dot_general3A_26, %add3A_30 : vector<2000x128xf32>
    %get3A_32 = arith.constant 0 : index
    %get3A_33 = arith.constant 0 : index
    %get3A_34 = vector.load %arg3[%get3A_32, %get3A_33] : memref<2000x128xf32, #tpu.memory_space<vmem>>, vector<2000x128xf32>
    %get3A_35 = arith.constant 0 : index
    %get3A_36 = arith.constant 0 : index
    %get3A_37 = vector.load %arg6[%get3A_35, %get3A_36] : memref<128x128xf32, #tpu.memory_space<vmem>>, vector<128x128xf32>
    %dot_general3A_38 = arith.constant dense<0.000000e+00> : vector<2000x128xf32>
    %dot_general3A_39 = tpu.matmul %get3A_34, %get3A_37, %dot_general3A_38 {dimension_numbers = #tpu.dot_dimension_numbers<[1], [1], [0], [0], [0, 0, 1, 0], [], []>, transpose_lhs_hint = false} : vector<2000x128xf32>, vector<128x128xf32>, vector<2000x128xf32> -> vector<2000x128xf32>
    %add3A_40 = arith.addf %add3A_31, %dot_general3A_39 : vector<2000x128xf32>
    %max3A_41 = arith.constant 0.000000e+00 : f32
    %max3A_42 = vector.broadcast %max3A_41 : f32 to vector<2000x128xf32>
    %max3A_43 = arith.maximumf %add3A_40, %max3A_42 : vector<2000x128xf32>
    %swap3A = arith.constant 0 : index
    %swap3A_44 = arith.constant 0 : index
    %swap3A_45 = vector.load %arg7[%swap3A, %swap3A_44] : memref<2000x128xf32, #tpu.memory_space<vmem>>, vector<2000x128xf32>
    tpu.vector_store %arg7[%swap3A, %swap3A_44], %max3A_43 {strides = array<i32>} : memref<2000x128xf32, #tpu.memory_space<vmem>>, vector<2000x128xf32>,
    return
  }
  func.func @transform_0(%arg0: i32) -> (i32, i32, i32) {
    %c0_i32 = arith.constant 0 : i32
    %c0_i32_0 = arith.constant 0 : i32
    %c0_i32_1 = arith.constant 0 : i32
    return %c0_i32, %arg0, %c0_i32_0 : i32, i32, i32
  }
  func.func @transform_1(%arg0: i32) -> (i32, i32, i32) {
    %c0_i32 = arith.constant 0 : i32
    %c0_i32_0 = arith.constant 0 : i32
    %c0_i32_1 = arith.constant 0 : i32
    return %c0_i32, %arg0, %c0_i32_0 : i32, i32, i32
  }
  func.func @transform_2(%arg0: i32) -> (i32, i32) {
    %c0_i32 = arith.constant 0 : i32
    %c0_i32_0 = arith.constant 0 : i32
    return %arg0, %c0_i32 : i32, i32
  }
  func.func @transform_3(%arg0: i32) -> (i32, i32) {
    %c0_i32 = arith.constant 0 : i32
    %c0_i32_0 = arith.constant 0 : i32
    %c0_i32_1 = arith.constant 0 : i32
    return %c0_i32, %c0_i32_0 : i32, i32
  }
  func.func @transform_4(%arg0: i32) -> (i32, i32) {
    %c0_i32 = arith.constant 0 : i32
    %c0_i32_0 = arith.constant 0 : i32
    %c0_i32_1 = arith.constant 0 : i32
    return %c0_i32, %c0_i32_0 : i32, i32
  }
  func.func @transform_5(%arg0: i32) -> (i32, i32) {
    %c0_i32 = arith.constant 0 : i32
    %c0_i32_0 = arith.constant 0 : i32
    %c0_i32_1 = arith.constant 0 : i32
    return %c0_i32, %c0_i32_0 : i32, i32
  }
  func.func @transform_6(%arg0: i32) -> (i32, i32) {
    %c0_i32 = arith.constant 0 : i32
    %c0_i32_0 = arith.constant 0 : i32
    return %arg0, %c0_i32 : i32, i32
  }
}

module attributes {stable_mosaic.version = 14 : i64} {
  func.func @_tc0_body(%arg0: i32, %arg1: memref<2000x128xf32, #tpu.memory_space<vmem>>, %arg2: memref<2000x128xf32, #tpu.memory_space<vmem>>, %arg3: memref<2000x128xf32, #tpu.memory_space<vmem>>, %arg4: memref<128x128xf32, #tpu.memory_space<vmem>>, %arg5: memref<1x128xf32, #tpu.memory_space<vmem>>, %arg6: memref<128x128xf32, #tpu.memory_space<vmem>>, %arg7: memref<1x128xf32, #tpu.memory_space<vmem>>, %arg8: memref<128x128xf32, #tpu.memory_space<vmem>>, %arg9: memref<1x128xf32, #tpu.memory_space<vmem>>, %arg10: memref<2000x128xf32, #tpu.memory_space<vmem>>, %arg11: memref<2000x128xf32, #tpu.memory_space<vmem>>, %arg12: memref<2000x128xf32, #tpu.memory_space<vmem>>) attributes {dimension_semantics = [#tpu.dimension_semantics<arbitrary>], iteration_bounds = array<i64: 5>, scalar_prefetch = 0 : i64, scratch_operands = 0 : i64, tpu.core_type = #tpu.core_type<tc>, window_params = [{transform_indices = @transform_0, window_bounds = array<i64: 2000, 128>}, {transform_indices = @transform_1, window_bounds = array<i64: 2000, 128>}, {transform_indices = @transform_2, window_bounds = array<i64: 2000, 128>}, {pipeline_mode = #tpu.pipeline_mode<synchronous>, transform_indices = @transform_3, window_bounds = array<i64: 128, 128>}, {pipeline_mode = #tpu.pipeline_mode<synchronous>, transform_indices = @transform_4, window_bounds = array<i64: 1, 128>}, {pipeline_mode = #tpu.pipeline_mode<synchronous>, transform_indices = @transform_5, window_bounds = array<i64: 128, 128>}, {pipeline_mode = #tpu.pipeline_mode<synchronous>, transform_indices = @transform_6, window_bounds = array<i64: 1, 128>}, {pipeline_mode = #tpu.pipeline_mode<synchronous>, transform_indices = @transform_7, window_bounds = array<i64: 128, 128>}, {pipeline_mode = #tpu.pipeline_mode<synchronous>, transform_indices = @transform_8, window_bounds = array<i64: 1, 128>}, {transform_indices = @transform_9, window_bounds = array<i64: 2000, 128>}, {transform_indices = @transform_10, window_bounds = array<i64: 2000, 128>}, {transform_indices = @transform_11, window_bounds = array<i64: 2000, 128>}]} {
    %get3A = arith.constant 0 : index
    %get3A_0 = arith.constant 0 : index
    %get3A_1 = vector.load %arg1[%get3A, %get3A_0] : memref<2000x128xf32, #tpu.memory_space<vmem>>, vector<2000x128xf32>
    %get3A_2 = arith.constant 0 : index
    %get3A_3 = arith.constant 0 : index
    %get3A_4 = vector.load %arg4[%get3A_2, %get3A_3] : memref<128x128xf32, #tpu.memory_space<vmem>>, vector<128x128xf32>
    %dot_general3A = arith.constant dense<0.000000e+00> : vector<2000x128xf32>
    %dot_general3A_5 = tpu.matmul %get3A_1, %get3A_4, %dot_general3A {dimension_numbers = #tpu.dot_dimension_numbers<[1], [1], [0], [0], [0, 0, 1, 0], [], []>, transpose_lhs_hint = false} : vector<2000x128xf32>, vector<128x128xf32>, vector<2000x128xf32> -> vector<2000x128xf32>
    %get3A_6 = arith.constant 0 : index
    %get3A_7 = arith.constant 0 : index
    %get3A_8 = vector.load %arg5[%get3A_6, %get3A_7] : memref<1x128xf32, #tpu.memory_space<vmem>>, vector<1x128xf32>
    %add3A = vector.broadcast %get3A_8 : vector<1x128xf32> to vector<2000x128xf32>
    %add3A_9 = arith.addf %dot_general3A_5, %add3A : vector<2000x128xf32>
    %swap3A = arith.constant 0 : index
    %swap3A_10 = arith.constant 0 : index
    %swap3A_11 = vector.load %arg10[%swap3A, %swap3A_10] : memref<2000x128xf32, #tpu.memory_space<vmem>>, vector<2000x128xf32>
    tpu.vector_store %arg10[%swap3A, %swap3A_10], %add3A_9 {strides = array<i32>} : memref<2000x128xf32, #tpu.memory_space<vmem>>, vector<2000x128xf32>,
    %get3A_12 = arith.constant 0 : index
    %get3A_13 = arith.constant 0 : index
    %get3A_14 = vector.load %arg2[%get3A_12, %get3A_13] : memref<2000x128xf32, #tpu.memory_space<vmem>>, vector<2000x128xf32>
    %get3A_15 = arith.constant 0 : index
    %get3A_16 = arith.constant 0 : index
    %get3A_17 = vector.load %arg6[%get3A_15, %get3A_16] : memref<128x128xf32, #tpu.memory_space<vmem>>, vector<128x128xf32>
    %dot_general3A_18 = arith.constant dense<0.000000e+00> : vector<2000x128xf32>
    %dot_general3A_19 = tpu.matmul %get3A_14, %get3A_17, %dot_general3A_18 {dimension_numbers = #tpu.dot_dimension_numbers<[1], [1], [0], [0], [0, 0, 1, 0], [], []>, transpose_lhs_hint = false} : vector<2000x128xf32>, vector<128x128xf32>, vector<2000x128xf32> -> vector<2000x128xf32>
    %get3A_20 = arith.constant 0 : index
    %get3A_21 = arith.constant 0 : index
    %get3A_22 = vector.load %arg7[%get3A_20, %get3A_21] : memref<1x128xf32, #tpu.memory_space<vmem>>, vector<1x128xf32>
    %add3A_23 = vector.broadcast %get3A_22 : vector<1x128xf32> to vector<2000x128xf32>
    %add3A_24 = arith.addf %dot_general3A_19, %add3A_23 : vector<2000x128xf32>
    %swap3A_25 = arith.constant 0 : index
    %swap3A_26 = arith.constant 0 : index
    %swap3A_27 = vector.load %arg11[%swap3A_25, %swap3A_26] : memref<2000x128xf32, #tpu.memory_space<vmem>>, vector<2000x128xf32>
    tpu.vector_store %arg11[%swap3A_25, %swap3A_26], %add3A_24 {strides = array<i32>} : memref<2000x128xf32, #tpu.memory_space<vmem>>, vector<2000x128xf32>,
    %get3A_28 = arith.constant 0 : index
    %get3A_29 = arith.constant 0 : index
    %get3A_30 = vector.load %arg3[%get3A_28, %get3A_29] : memref<2000x128xf32, #tpu.memory_space<vmem>>, vector<2000x128xf32>
    %get3A_31 = arith.constant 0 : index
    %get3A_32 = arith.constant 0 : index
    %get3A_33 = vector.load %arg8[%get3A_31, %get3A_32] : memref<128x128xf32, #tpu.memory_space<vmem>>, vector<128x128xf32>
    %dot_general3A_34 = arith.constant dense<0.000000e+00> : vector<2000x128xf32>
    %dot_general3A_35 = tpu.matmul %get3A_30, %get3A_33, %dot_general3A_34 {dimension_numbers = #tpu.dot_dimension_numbers<[1], [1], [0], [0], [0, 0, 1, 0], [], []>, transpose_lhs_hint = false} : vector<2000x128xf32>, vector<128x128xf32>, vector<2000x128xf32> -> vector<2000x128xf32>
    %get3A_36 = arith.constant 0 : index
    %get3A_37 = arith.constant 0 : index
    %get3A_38 = vector.load %arg9[%get3A_36, %get3A_37] : memref<1x128xf32, #tpu.memory_space<vmem>>, vector<1x128xf32>
    %add3A_39 = vector.broadcast %get3A_38 : vector<1x128xf32> to vector<2000x128xf32>
    %add3A_40 = arith.addf %dot_general3A_35, %add3A_39 : vector<2000x128xf32>
    %swap3A_41 = arith.constant 0 : index
    %swap3A_42 = arith.constant 0 : index
    %swap3A_43 = vector.load %arg12[%swap3A_41, %swap3A_42] : memref<2000x128xf32, #tpu.memory_space<vmem>>, vector<2000x128xf32>
    tpu.vector_store %arg12[%swap3A_41, %swap3A_42], %add3A_40 {strides = array<i32>} : memref<2000x128xf32, #tpu.memory_space<vmem>>, vector<2000x128xf32>,
    return
  }
  func.func @transform_0(%arg0: i32) -> (i32, i32) {
    %c0_i32 = arith.constant 0 : i32
    %c0_i32_0 = arith.constant 0 : i32
    return %arg0, %c0_i32 : i32, i32
  }
  func.func @transform_1(%arg0: i32) -> (i32, i32) {
    %c0_i32 = arith.constant 0 : i32
    %c0_i32_0 = arith.constant 0 : i32
    return %arg0, %c0_i32 : i32, i32
  }
  func.func @transform_2(%arg0: i32) -> (i32, i32) {
    %c0_i32 = arith.constant 0 : i32
    %c0_i32_0 = arith.constant 0 : i32
    return %arg0, %c0_i32 : i32, i32
  }
  func.func @transform_3(%arg0: i32) -> (i32, i32) {
    %c0_i32 = arith.constant 0 : i32
    %c0_i32_0 = arith.constant 0 : i32
    %c0_i32_1 = arith.constant 0 : i32
    return %c0_i32, %c0_i32_0 : i32, i32
  }
  func.func @transform_4(%arg0: i32) -> (i32, i32) {
    %c0_i32 = arith.constant 0 : i32
    %c0_i32_0 = arith.constant 0 : i32
    %c0_i32_1 = arith.constant 0 : i32
    return %c0_i32, %c0_i32_0 : i32, i32
  }
  func.func @transform_5(%arg0: i32) -> (i32, i32) {
    %c0_i32 = arith.constant 0 : i32
    %c0_i32_0 = arith.constant 0 : i32
    %c0_i32_1 = arith.constant 0 : i32
    return %c0_i32, %c0_i32_0 : i32, i32
  }
  func.func @transform_6(%arg0: i32) -> (i32, i32) {
    %c0_i32 = arith.constant 0 : i32
    %c0_i32_0 = arith.constant 0 : i32
    %c0_i32_1 = arith.constant 0 : i32
    return %c0_i32, %c0_i32_0 : i32, i32
  }
  func.func @transform_7(%arg0: i32) -> (i32, i32) {
    %c0_i32 = arith.constant 0 : i32
    %c0_i32_0 = arith.constant 0 : i32
    %c0_i32_1 = arith.constant 0 : i32
    return %c0_i32, %c0_i32_0 : i32, i32
  }
  func.func @transform_8(%arg0: i32) -> (i32, i32) {
    %c0_i32 = arith.constant 0 : i32
    %c0_i32_0 = arith.constant 0 : i32
    %c0_i32_1 = arith.constant 0 : i32
    return %c0_i32, %c0_i32_0 : i32, i32
  }
  func.func @transform_9(%arg0: i32) -> (i32, i32) {
    %c0_i32 = arith.constant 0 : i32
    %c0_i32_0 = arith.constant 0 : i32
    return %arg0, %c0_i32 : i32, i32
  }
  func.func @transform_10(%arg0: i32) -> (i32, i32) {
    %c0_i32 = arith.constant 0 : i32
    %c0_i32_0 = arith.constant 0 : i32
    return %arg0, %c0_i32 : i32, i32
  }
  func.func @transform_11(%arg0: i32) -> (i32, i32) {
    %c0_i32 = arith.constant 0 : i32
    %c0_i32_0 = arith.constant 0 : i32
    return %arg0, %c0_i32 : i32, i32
  }
}

module attributes {stable_mosaic.version = 14 : i64} {
  func.func @_tc2_body(%arg0: i32, %arg1: memref<2x2000x128xf32, #tpu.memory_space<vmem>>, %arg2: memref<2x2000x128xf32, #tpu.memory_space<vmem>>, %arg3: memref<2000x128xf32, #tpu.memory_space<vmem>>, %arg4: memref<2000x128xf32, #tpu.memory_space<vmem>>, %arg5: memref<2000x128xf32, #tpu.memory_space<vmem>>, %arg6: memref<2000x128xf32, #tpu.memory_space<vmem>>, %arg7: memref<128x128xf32, #tpu.memory_space<vmem>>, %arg8: memref<1x128xf32, #tpu.memory_space<vmem>>, %arg9: memref<128x128xf32, #tpu.memory_space<vmem>>, %arg10: memref<128x128xf32, #tpu.memory_space<vmem>>, %arg11: memref<1x128xf32, #tpu.memory_space<vmem>>, %arg12: memref<1x128xf32, #tpu.memory_space<vmem>>, %arg13: memref<1x128xf32, #tpu.memory_space<vmem>>, %arg14: memref<2000x128xf32, #tpu.memory_space<vmem>>, %arg15: memref<2000x128xf32, #tpu.memory_space<vmem>>) attributes {dimension_semantics = [#tpu.dimension_semantics<arbitrary>], iteration_bounds = array<i64: 5>, scalar_prefetch = 0 : i64, scratch_operands = 0 : i64, tpu.core_type = #tpu.core_type<tc>, window_params = [{transform_indices = @transform_0, window_bounds = array<i64: 2, 2000, 128>}, {transform_indices = @transform_1, window_bounds = array<i64: 2, 2000, 128>}, {transform_indices = @transform_2, window_bounds = array<i64: 2000, 128>}, {transform_indices = @transform_3, window_bounds = array<i64: 2000, 128>}, {transform_indices = @transform_4, window_bounds = array<i64: 2000, 128>}, {transform_indices = @transform_5, window_bounds = array<i64: 2000, 128>}, {pipeline_mode = #tpu.pipeline_mode<synchronous>, transform_indices = @transform_6, window_bounds = array<i64: 128, 128>}, {pipeline_mode = #tpu.pipeline_mode<synchronous>, transform_indices = @transform_7, window_bounds = array<i64: 1, 128>}, {pipeline_mode = #tpu.pipeline_mode<synchronous>, transform_indices = @transform_8, window_bounds = array<i64: 128, 128>}, {pipeline_mode = #tpu.pipeline_mode<synchronous>, transform_indices = @transform_9, window_bounds = array<i64: 128, 128>}, {pipeline_mode = #tpu.pipeline_mode<synchronous>, transform_indices = @transform_10, window_bounds = array<i64: 1, 128>}, {pipeline_mode = #tpu.pipeline_mode<synchronous>, transform_indices = @transform_11, window_bounds = array<i64: 1, 128>}, {pipeline_mode = #tpu.pipeline_mode<synchronous>, transform_indices = @transform_12, window_bounds = array<i64: 1, 128>}, {transform_indices = @transform_13, window_bounds = array<i64: 2000, 128>}, {transform_indices = @transform_14, window_bounds = array<i64: 2000, 128>}]} {
    %get3A = arith.constant 0 : index
    %get3A_0 = arith.constant 0 : index
    %get3A_1 = arith.constant 0 : index
    %get3A_2 = vector.load %arg1[%get3A, %get3A_0, %get3A_1] : memref<2x2000x128xf32, #tpu.memory_space<vmem>>, vector<1x2000x128xf32>
    %get3A_3 = vector.shape_cast %get3A_2 : vector<1x2000x128xf32> to vector<2000x128xf32>
    %get3A_4 = arith.constant 1 : index
    %get3A_5 = arith.constant 0 : index
    %get3A_6 = arith.constant 0 : index
    %get3A_7 = vector.load %arg1[%get3A_4, %get3A_5, %get3A_6] : memref<2x2000x128xf32, #tpu.memory_space<vmem>>, vector<1x2000x128xf32>
    %get3A_8 = vector.shape_cast %get3A_7 : vector<1x2000x128xf32> to vector<2000x128xf32>
    %add3A = arith.addf %get3A_3, %get3A_8 : vector<2000x128xf32>
    %get3A_9 = arith.constant 0 : index
    %get3A_10 = arith.constant 0 : index
    %get3A_11 = arith.constant 0 : index
    %get3A_12 = vector.load %arg2[%get3A_9, %get3A_10, %get3A_11] : memref<2x2000x128xf32, #tpu.memory_space<vmem>>, vector<1x2000x1xf32>
    %get3A_13 = vector.shape_cast %get3A_12 : vector<1x2000x1xf32> to vector<2000x1xf32>
    %get3A_14 = arith.constant 1 : index
    %get3A_15 = arith.constant 0 : index
    %get3A_16 = arith.constant 0 : index
    %get3A_17 = vector.load %arg2[%get3A_14, %get3A_15, %get3A_16] : memref<2x2000x128xf32, #tpu.memory_space<vmem>>, vector<1x2000x1xf32>
    %get3A_18 = vector.shape_cast %get3A_17 : vector<1x2000x1xf32> to vector<2000x1xf32>
    %add3A_19 = arith.addf %get3A_13, %get3A_18 : vector<2000x1xf32>
    %max3A = arith.constant 1.000000e+00 : f32
    %max3A_20 = vector.broadcast %max3A : f32 to vector<2000x1xf32>
    %max3A_21 = arith.maximumf %add3A_19, %max3A_20 : vector<2000x1xf32>
    %div3A = vector.broadcast %max3A_21 : vector<2000x1xf32> to vector<2000x128xf32>
    %div3A_22 = arith.divf %add3A, %div3A : vector<2000x128xf32>
    %get3A_23 = arith.constant 0 : index
    %get3A_24 = arith.constant 0 : index
    %get3A_25 = vector.load %arg7[%get3A_23, %get3A_24] : memref<128x128xf32, #tpu.memory_space<vmem>>, vector<128x128xf32>
    %dot_general3A = arith.constant dense<0.000000e+00> : vector<2000x128xf32>
    %dot_general3A_26 = tpu.matmul %div3A_22, %get3A_25, %dot_general3A {dimension_numbers = #tpu.dot_dimension_numbers<[1], [1], [0], [0], [0, 0, 1, 0], [], []>, transpose_lhs_hint = false} : vector<2000x128xf32>, vector<128x128xf32>, vector<2000x128xf32> -> vector<2000x128xf32>
    %get3A_27 = arith.constant 0 : index
    %get3A_28 = arith.constant 0 : index
    %get3A_29 = vector.load %arg8[%get3A_27, %get3A_28] : memref<1x128xf32, #tpu.memory_space<vmem>>, vector<1x128xf32>
    %add3A_30 = vector.broadcast %get3A_29 : vector<1x128xf32> to vector<2000x128xf32>
    %add3A_31 = arith.addf %dot_general3A_26, %add3A_30 : vector<2000x128xf32>
    %get3A_32 = arith.constant 0 : index
    %get3A_33 = arith.constant 0 : index
    %get3A_34 = vector.load %arg3[%get3A_32, %get3A_33] : memref<2000x128xf32, #tpu.memory_space<vmem>>, vector<2000x128xf32>
    %get3A_35 = arith.constant 0 : index
    %get3A_36 = arith.constant 0 : index
    %get3A_37 = vector.load %arg9[%get3A_35, %get3A_36] : memref<128x128xf32, #tpu.memory_space<vmem>>, vector<128x128xf32>
    %dot_general3A_38 = arith.constant dense<0.000000e+00> : vector<2000x128xf32>
    %dot_general3A_39 = tpu.matmul %get3A_34, %get3A_37, %dot_general3A_38 {dimension_numbers = #tpu.dot_dimension_numbers<[1], [1], [0], [0], [0, 0, 1, 0], [], []>, transpose_lhs_hint = false} : vector<2000x128xf32>, vector<128x128xf32>, vector<2000x128xf32> -> vector<2000x128xf32>
    %add3A_40 = arith.addf %add3A_31, %dot_general3A_39 : vector<2000x128xf32>
    %get3A_41 = arith.constant 0 : index
    %get3A_42 = arith.constant 0 : index
    %get3A_43 = vector.load %arg10[%get3A_41, %get3A_42] : memref<128x128xf32, #tpu.memory_space<vmem>>, vector<128x128xf32>
    %dot_general3A_44 = arith.constant dense<0.000000e+00> : vector<2000x128xf32>
    %dot_general3A_45 = tpu.matmul %add3A_40, %get3A_43, %dot_general3A_44 {dimension_numbers = #tpu.dot_dimension_numbers<[1], [1], [0], [0], [0, 0, 1, 0], [], []>, transpose_lhs_hint = false} : vector<2000x128xf32>, vector<128x128xf32>, vector<2000x128xf32> -> vector<2000x128xf32>
    %get3A_46 = arith.constant 0 : index
    %get3A_47 = arith.constant 0 : index
    %get3A_48 = vector.load %arg11[%get3A_46, %get3A_47] : memref<1x128xf32, #tpu.memory_space<vmem>>, vector<1x128xf32>
    %add3A_49 = vector.broadcast %get3A_48 : vector<1x128xf32> to vector<2000x128xf32>
    %add3A_50 = arith.addf %dot_general3A_45, %add3A_49 : vector<2000x128xf32>
    %get3A_51 = arith.constant 0 : index
    %get3A_52 = arith.constant 0 : index
    %get3A_53 = vector.load %arg4[%get3A_51, %get3A_52] : memref<2000x128xf32, #tpu.memory_space<vmem>>, vector<2000x128xf32>
    %get3A_54 = arith.constant 0 : index
    %get3A_55 = arith.constant 0 : index
    %get3A_56 = vector.load %arg5[%get3A_54, %get3A_55] : memref<2000x128xf32, #tpu.memory_space<vmem>>, vector<2000x128xf32>
    %get3A_57 = arith.constant 0 : index
    %get3A_58 = arith.constant 0 : index
    %get3A_59 = vector.load %arg6[%get3A_57, %get3A_58] : memref<2000x128xf32, #tpu.memory_space<vmem>>, vector<2000x128xf32>
    %get3A_60 = arith.constant 0 : index
    %get3A_61 = arith.constant 0 : index
    %get3A_62 = vector.load %arg12[%get3A_60, %get3A_61] : memref<1x128xf32, #tpu.memory_space<vmem>>, vector<1x128xf32>
    %get3A_63 = arith.constant 0 : index
    %get3A_64 = arith.constant 0 : index
    %get3A_65 = vector.load %arg13[%get3A_63, %get3A_64] : memref<1x128xf32, #tpu.memory_space<vmem>>, vector<1x1xf32>
    %mul3A = vector.broadcast %get3A_62 : vector<1x128xf32> to vector<2000x128xf32>
    %mul3A_66 = arith.mulf %add3A_50, %mul3A : vector<2000x128xf32>
    %reduce_sum3A = arith.constant dense<0.000000e+00> : vector<2000xf32>
    %reduce_sum3A_67 = vector.multi_reduction <add>, %mul3A_66, %reduce_sum3A [1] : vector<2000x128xf32> to vector<2000xf32>
    %broadcast_in_dim3A = vector.shape_cast %reduce_sum3A_67 : vector<2000xf32> to vector<2000x1xf32>
    %add3A_68 = vector.broadcast %get3A_65 : vector<1x1xf32> to vector<2000x1xf32>
    %add3A_69 = arith.addf %broadcast_in_dim3A, %add3A_68 : vector<2000x1xf32>
    %mul3A_70 = vector.broadcast %get3A_62 : vector<1x128xf32> to vector<2000x128xf32>
    %mul3A_71 = arith.mulf %get3A_53, %mul3A_70 : vector<2000x128xf32>
    %reduce_sum3A_72 = arith.constant dense<0.000000e+00> : vector<2000xf32>
    %reduce_sum3A_73 = vector.multi_reduction <add>, %mul3A_71, %reduce_sum3A_72 [1] : vector<2000x128xf32> to vector<2000xf32>
    %broadcast_in_dim3A_74 = vector.shape_cast %reduce_sum3A_73 : vector<2000xf32> to vector<2000x1xf32>
    %add3A_75 = vector.broadcast %get3A_65 : vector<1x1xf32> to vector<2000x1xf32>
    %add3A_76 = arith.addf %broadcast_in_dim3A_74, %add3A_75 : vector<2000x1xf32>
    %mul3A_77 = vector.broadcast %get3A_62 : vector<1x128xf32> to vector<2000x128xf32>
    %mul3A_78 = arith.mulf %get3A_56, %mul3A_77 : vector<2000x128xf32>
    %reduce_sum3A_79 = arith.constant dense<0.000000e+00> : vector<2000xf32>
    %reduce_sum3A_80 = vector.multi_reduction <add>, %mul3A_78, %reduce_sum3A_79 [1] : vector<2000x128xf32> to vector<2000xf32>
    %broadcast_in_dim3A_81 = vector.shape_cast %reduce_sum3A_80 : vector<2000xf32> to vector<2000x1xf32>
    %add3A_82 = vector.broadcast %get3A_65 : vector<1x1xf32> to vector<2000x1xf32>
    %add3A_83 = arith.addf %broadcast_in_dim3A_81, %add3A_82 : vector<2000x1xf32>
    %mul3A_84 = vector.broadcast %get3A_62 : vector<1x128xf32> to vector<2000x128xf32>
    %mul3A_85 = arith.mulf %get3A_59, %mul3A_84 : vector<2000x128xf32>
    %reduce_sum3A_86 = arith.constant dense<0.000000e+00> : vector<2000xf32>
    %reduce_sum3A_87 = vector.multi_reduction <add>, %mul3A_85, %reduce_sum3A_86 [1] : vector<2000x128xf32> to vector<2000xf32>
    %broadcast_in_dim3A_88 = vector.shape_cast %reduce_sum3A_87 : vector<2000xf32> to vector<2000x1xf32>
    %add3A_89 = vector.broadcast %get3A_65 : vector<1x1xf32> to vector<2000x1xf32>
    %add3A_90 = arith.addf %broadcast_in_dim3A_88, %add3A_89 : vector<2000x1xf32>
    %max3A_91 = arith.maximumf %add3A_69, %add3A_76 : vector<2000x1xf32>
    %max3A_92 = arith.maximumf %add3A_83, %add3A_90 : vector<2000x1xf32>
    %max3A_93 = arith.maximumf %max3A_91, %max3A_92 : vector<2000x1xf32>
    %sub3A = arith.subf %add3A_69, %max3A_93 : vector<2000x1xf32>
    %exp3A = math.exp %sub3A : vector<2000x1xf32>
    %sub3A_94 = arith.subf %add3A_76, %max3A_93 : vector<2000x1xf32>
    %exp3A_95 = math.exp %sub3A_94 : vector<2000x1xf32>
    %sub3A_96 = arith.subf %add3A_83, %max3A_93 : vector<2000x1xf32>
    %exp3A_97 = math.exp %sub3A_96 : vector<2000x1xf32>
    %sub3A_98 = arith.subf %add3A_90, %max3A_93 : vector<2000x1xf32>
    %exp3A_99 = math.exp %sub3A_98 : vector<2000x1xf32>
    %add3A_100 = arith.addf %exp3A, %exp3A_95 : vector<2000x1xf32>
    %add3A_101 = arith.addf %add3A_100, %exp3A_97 : vector<2000x1xf32>
    %add3A_102 = arith.addf %add3A_101, %exp3A_99 : vector<2000x1xf32>
    %mul3A_103 = vector.broadcast %exp3A : vector<2000x1xf32> to vector<2000x128xf32>
    %mul3A_104 = arith.mulf %mul3A_103, %add3A_50 : vector<2000x128xf32>
    %mul3A_105 = vector.broadcast %exp3A_95 : vector<2000x1xf32> to vector<2000x128xf32>
    %mul3A_106 = arith.mulf %mul3A_105, %get3A_53 : vector<2000x128xf32>
    %add3A_107 = arith.addf %mul3A_104, %mul3A_106 : vector<2000x128xf32>
    %mul3A_108 = vector.broadcast %exp3A_97 : vector<2000x1xf32> to vector<2000x128xf32>
    %mul3A_109 = arith.mulf %mul3A_108, %get3A_56 : vector<2000x128xf32>
    %add3A_110 = arith.addf %add3A_107, %mul3A_109 : vector<2000x128xf32>
    %mul3A_111 = vector.broadcast %exp3A_99 : vector<2000x1xf32> to vector<2000x128xf32>
    %mul3A_112 = arith.mulf %mul3A_111, %get3A_59 : vector<2000x128xf32>
    %add3A_113 = arith.addf %add3A_110, %mul3A_112 : vector<2000x128xf32>
    %div3A_114 = vector.broadcast %add3A_102 : vector<2000x1xf32> to vector<2000x128xf32>
    %div3A_115 = arith.divf %add3A_113, %div3A_114 : vector<2000x128xf32>
    %mul3A_116 = arith.mulf %div3A_115, %div3A_115 : vector<2000x128xf32>
    %reduce_sum3A_117 = arith.constant dense<0.000000e+00> : vector<2000xf32>
    %reduce_sum3A_118 = vector.multi_reduction <add>, %mul3A_116, %reduce_sum3A_117 [1] : vector<2000x128xf32> to vector<2000xf32>
    %broadcast_in_dim3A_119 = vector.shape_cast %reduce_sum3A_118 : vector<2000xf32> to vector<2000x1xf32>
    %sqrt3A = math.sqrt %broadcast_in_dim3A_119 : vector<2000x1xf32>
    %max3A_120 = arith.constant 9.99999996E-13 : f32
    %max3A_121 = vector.broadcast %max3A_120 : f32 to vector<2000x1xf32>
    %max3A_122 = arith.maximumf %sqrt3A, %max3A_121 : vector<2000x1xf32>
    %div3A_123 = vector.broadcast %max3A_122 : vector<2000x1xf32> to vector<2000x128xf32>
    %div3A_124 = arith.divf %div3A_115, %div3A_123 : vector<2000x128xf32>
    %swap3A = arith.constant 0 : index
    %swap3A_125 = arith.constant 0 : index
    %swap3A_126 = vector.load %arg14[%swap3A, %swap3A_125] : memref<2000x128xf32, #tpu.memory_space<vmem>>, vector<2000x128xf32>
    tpu.vector_store %arg14[%swap3A, %swap3A_125], %div3A_124 {strides = array<i32>} : memref<2000x128xf32, #tpu.memory_space<vmem>>, vector<2000x128xf32>,
    %swap3A_127 = arith.constant 0 : index
    %swap3A_128 = arith.constant 0 : index
    %swap3A_129 = vector.load %arg15[%swap3A_127, %swap3A_128] : memref<2000x128xf32, #tpu.memory_space<vmem>>, vector<2000x128xf32>
    tpu.vector_store %arg15[%swap3A_127, %swap3A_128], %add3A_40 {strides = array<i32>} : memref<2000x128xf32, #tpu.memory_space<vmem>>, vector<2000x128xf32>,
    return
  }
  func.func @transform_0(%arg0: i32) -> (i32, i32, i32) {
    %c0_i32 = arith.constant 0 : i32
    %c0_i32_0 = arith.constant 0 : i32
    %c0_i32_1 = arith.constant 0 : i32
    return %c0_i32, %arg0, %c0_i32_0 : i32, i32, i32
  }
  func.func @transform_1(%arg0: i32) -> (i32, i32, i32) {
    %c0_i32 = arith.constant 0 : i32
    %c0_i32_0 = arith.constant 0 : i32
    %c0_i32_1 = arith.constant 0 : i32
    return %c0_i32, %arg0, %c0_i32_0 : i32, i32, i32
  }
  func.func @transform_2(%arg0: i32) -> (i32, i32) {
    %c0_i32 = arith.constant 0 : i32
    %c0_i32_0 = arith.constant 0 : i32
    return %arg0, %c0_i32 : i32, i32
  }
  func.func @transform_3(%arg0: i32) -> (i32, i32) {
    %c0_i32 = arith.constant 0 : i32
    %c0_i32_0 = arith.constant 0 : i32
    return %arg0, %c0_i32 : i32, i32
  }
  func.func @transform_4(%arg0: i32) -> (i32, i32) {
    %c0_i32 = arith.constant 0 : i32
    %c0_i32_0 = arith.constant 0 : i32
    return %arg0, %c0_i32 : i32, i32
  }
  func.func @transform_5(%arg0: i32) -> (i32, i32) {
    %c0_i32 = arith.constant 0 : i32
    %c0_i32_0 = arith.constant 0 : i32
    return %arg0, %c0_i32 : i32, i32
  }
  func.func @transform_6(%arg0: i32) -> (i32, i32) {
    %c0_i32 = arith.constant 0 : i32
    %c0_i32_0 = arith.constant 0 : i32
    %c0_i32_1 = arith.constant 0 : i32
    return %c0_i32, %c0_i32_0 : i32, i32
  }
  func.func @transform_7(%arg0: i32) -> (i32, i32) {
    %c0_i32 = arith.constant 0 : i32
    %c0_i32_0 = arith.constant 0 : i32
    %c0_i32_1 = arith.constant 0 : i32
    return %c0_i32, %c0_i32_0 : i32, i32
  }
  func.func @transform_8(%arg0: i32) -> (i32, i32) {
    %c0_i32 = arith.constant 0 : i32
    %c0_i32_0 = arith.constant 0 : i32
    %c0_i32_1 = arith.constant 0 : i32
    return %c0_i32, %c0_i32_0 : i32, i32
  }
  func.func @transform_9(%arg0: i32) -> (i32, i32) {
    %c0_i32 = arith.constant 0 : i32
    %c0_i32_0 = arith.constant 0 : i32
    %c0_i32_1 = arith.constant 0 : i32
    return %c0_i32, %c0_i32_0 : i32, i32
  }
  func.func @transform_10(%arg0: i32) -> (i32, i32) {
    %c0_i32 = arith.constant 0 : i32
    %c0_i32_0 = arith.constant 0 : i32
    %c0_i32_1 = arith.constant 0 : i32
    return %c0_i32, %c0_i32_0 : i32, i32
  }
  func.func @transform_11(%arg0: i32) -> (i32, i32) {
    %c0_i32 = arith.constant 0 : i32
    %c0_i32_0 = arith.constant 0 : i32
    %c0_i32_1 = arith.constant 0 : i32
    return %c0_i32, %c0_i32_0 : i32, i32
  }
  func.func @transform_12(%arg0: i32) -> (i32, i32) {
    %c0_i32 = arith.constant 0 : i32
    %c0_i32_0 = arith.constant 0 : i32
    %c0_i32_1 = arith.constant 0 : i32
    return %c0_i32, %c0_i32_0 : i32, i32
  }
  func.func @transform_13(%arg0: i32) -> (i32, i32) {
    %c0_i32 = arith.constant 0 : i32
    %c0_i32_0 = arith.constant 0 : i32
    return %arg0, %c0_i32 : i32, i32
  }
  func.func @transform_14(%arg0: i32) -> (i32, i32) {
    %c0_i32 = arith.constant 0 : i32
    %c0_i32_0 = arith.constant 0 : i32
    return %arg0, %c0_i32 : i32, i32
  }
}

</mosaic_0001>

<sc_bundles>
// kernel: kernel.11.cloned.1.call-start
scs
__scs_entry_jumppad:
0x0: {  	(pc) =	sbr.rel $0x88, $3  }
0x1: {  	(tag) =	ssettag $0x0;
	lr =	simm.s32 $0x1  }
0x2: {  	[smem:$0x3F8C] =	sst lr;
	_ =	strace $0xD0000000  }
0x3: {  	_ = 	snop  }
0x4: {  	_ = 	snop  }
0x5: {  	_ = 	snop  }
0x6: {  	_ = 	snop  }
0x7: {  	_ = 	snop  }
__scs_overlays_trampoline_lowered:
0x8: {  	[smem:$0x3F9B] =	sst s0  }
0x9: {  	[smem:$0x3F9C] =	sst s1  }
0xa: {  	[smem:$0x3F9D] =	sst s2  }
0xb: {  	[smem:$0x3F9E] =	sst s3  }
0xc: {  	[smem:$0x3F9F] =	sst s4  }
0xd: {  	[smem:$0x3FA0] =	sst s5  }
0xe: {  	[smem:$0x3FA1] =	sst s6  }
0xf: {  	[smem:$0x3FA2] =	sst s7  }
0x10: {  	[smem:$0x3FA3] =	sst s8  }
0x11: {  	[smem:$0x3FA4] =	sst s9;
	s0 =	simm.s32 @!p0 $0x0  }
0x12: {  	s1 =	sld [smem:$0x3F8A];
	s0 =	simm.s32 @p0 $0x1  }
0x13: {  	[smem:$0x3FA5] =	sst s0;
	s0 =	simm.s32 @!p1 $0x0  }
0x14: {  	s2 =	sld [smem:$0x3F89];
	s0 =	simm.s32 @p1 $0x1  }
0x15: {  	[smem:$0x3FA6] =	sst s0;
	s0 =	simm.s32 @!p2 $0x0  }
0x16: {  	s3 =	sld [smem:$0x3FDB];
	s0 =	simm.s32 @p2 $0x1  }
0x17: {  	s4 =	simm.s32 $0x1BF5;
	[smem:$0x3FA8] =	sst s0  }
0x18: {  	s0 =	sld [smem:$0x3F8B];
	_ =	swait.ge [sflag:s4], $0x0  }
0x19: {  	s7 =	sld [smem:$0x3F8C]  }
0x1a: {  	s8 =	sadd.s32 $0xFFFFE003, lr  }
0x1b: {  	s9 =	sadd.s32 $0xFFFFFEF7, lr;
	s5 =	simm.s32 $0xFFFFFFFF;
	p2 =	slt.u32 s8, $0xFFFFF086  }
0x1c: {  	p1 =	slt.u32 s9, $0xF7A;
	s5 =	simm.s32 @!p2 $0x0  }
0x1d: {  	s5 =	simm.s32 @p1 $0x1;
	p0 =	seq.s32 s7, s2  }
0x1e: {  	s7 =	smul.u32 @!p0 $0xF7A, s2;
	p2 =	seq.s32 @!p0 s5, $0x0  }
0x1f: {  	s9 =	smul.u32 $0xF7A, s1;
	s8 =	simm.s32 @!p0 $0x1BF5;
	p2 =	por !p2, p0  }
0x20: {  	[sflag:s8] =	ssyncset.s32 @!p0 $0xFFFFF086;
	s6 =	sadd.s32 @!p0 s3, s7;
	s7 =	simm.s32 @!p0 $0x108  }
0x21: {  	s3 =	sadd.s32 s3, s9;
	s6 =	sadd.s32 @!p0 $0x88, s6;
	s7 =	simm.s32 @p2 $0x1082  }
0x22: {  	[simem:s7], [sflag:s8] =	dma.local @!p0 [hbm:s6], $0xF7A  }
0x23: {  	s9 =	sor.u32 $0xD0000000, s2;
	s6 =	simm.s32 $0x108;
	_ =	swait.ge @!p0 [sflag:s8], $0x0  }
0x24: {  	s3 =	sadd.s32 $0x88, s3;
	s6 =	simm.s32 @!p1 $0x1082;
	[sflag:s4] =	ssyncset.s32 $0xFFFFF086  }
0x25: {  	[simem:s6], [sflag:s4] =	dma.local [hbm:s3], $0xF7A  }
0x26: {  	[smem:$0x3F8C] =	sst s1;
	(tag) =	ssettag s2;
	_ =	strace s9  }
0x27: {  	s1 =	sld [smem:$0x3F9C]  }
0x28: {  	s2 =	sld [smem:$0x3F9D]  }
0x29: {  	s4 =	sld [smem:$0x3F9F]  }
0x2a: {  	p0 =	seq.s32 s5, $0x0;
	s5 =	sld [smem:$0x3FA0]  }
0x2b: {  	s6 =	sld [smem:$0x3FA1]  }
0x2c: {  	s7 =	sld [smem:$0x3FA2]  }
0x2d: {  	s3 =	simm.s32 $0x108;
	s8 =	sld [smem:$0x3FA3]  }
0x2e: {  	s3 =	simm.s32 @!p0 $0x1082;
	s9 =	sld [smem:$0x3FA4]  }
0x2f: {  	lr =	sadd.s32 s0, s3;
	s0 =	sld [smem:$0x3F9B]  }
0x30: {  	s3 =	sld [smem:$0x3F9E]  }
0x31: {  	[smem:$0x3FA7] =	sst s10  }
0x32: {  	s10 =	sld [smem:$0x3FA5];
	_ =	sdelay $0x3  }
0x33: {  	p0 =	seq.s32 s10, $0x1;
	s10 =	sld [smem:$0x3FA7];
	_ =	sdelay $0x3  }
0x34: {  	[smem:$0x3FA7] =	sst s10  }
0x35: {  	s10 =	sld [smem:$0x3FA6];
	_ =	sdelay $0x3  }
0x36: {  	p1 =	seq.s32 s10, $0x1;
	s10 =	sld [smem:$0x3FA7];
	_ =	sdelay $0x3  }
0x37: {  	[smem:$0x3FA7] =	sst s10  }
0x38: {  	s10 =	sld [smem:$0x3FA8]  }
0x39: {  	_ = 	snop;
	(pc) =	sbr.ind lr, $3  }
0x3a: {  	_ = 	snop  }
0x3b: {  	_ = 	snop  }
0x3c: {  	p2 =	seq.s32 s10, $0x1;
	s10 =	sld [smem:$0x3FA7]  }
0x3d: {  	_ =	shalt  }
0x3e: {  	_ =	shalt  }
0x3f: {  	_ =	shalt  }
0x40: {  	_ =	shalt  }
0x41: {  	_ =	shalt  }
0x42: {  	_ =	shalt  }
0x43: {  	_ =	shalt  }
0x44: {  	_ =	shalt  }
0x45: {  	_ =	shalt  }
0x46: {  	_ =	shalt  }
0x47: {  	_ =	shalt  }
0x48: {  	_ =	shalt  }
0x49: {  	_ =	shalt  }
0x4a: {  	_ =	shalt  }
0x4b: {  	_ =	shalt  }
0x4c: {  	_ =	shalt  }
0x4d: {  	_ =	shalt  }
0x4e: {  	_ =	shalt  }
0x4f: {  	_ =	shalt  }
0x50: {  	_ =	shalt  }
0x51: {  	_ =	shalt  }
0x52: {  	_ =	shalt  }
0x53: {  	_ =	shalt  }
0x54: {  	_ =	shalt  }
0x55: {  	_ =	shalt  }
0x56: {  	_ =	shalt  }
0x57: {  	_ =	shalt  }
0x58: {  	_ =	shalt  }
0x59: {  	_ =	shalt  }
0x5a: {  	_ =	shalt  }
0x5b: {  	_ =	shalt  }
0x5c: {  	_ =	shalt  }
0x5d: {  	_ =	shalt  }
0x5e: {  	_ =	shalt  }
0x5f: {  	_ =	shalt  }
0x60: {  	_ =	shalt  }
0x61: {  	_ =	shalt  }
0x62: {  	_ =	shalt  }
0x63: {  	_ =	shalt  }
0x64: {  	_ =	shalt  }
0x65: {  	_ =	shalt  }
0x66: {  	_ =	shalt  }
0x67: {  	_ =	shalt  }
0x68: {  	_ =	shalt  }
0x69: {  	_ =	shalt  }
0x6a: {  	_ =	shalt  }
0x6b: {  	_ =	shalt  }
0x6c: {  	_ =	shalt  }
0x6d: {  	_ =	shalt  }
0x6e: {  	_ =	shalt  }
0x6f: {  	_ =	shalt  }
0x70: {  	_ =	shalt  }
0x71: {  	_ =	shalt  }
0x72: {  	_ =	shalt  }
0x73: {  	_ =	shalt  }
0x74: {  	_ =	shalt  }
0x75: {  	_ =	shalt  }
0x76: {  	_ =	shalt  }
0x77: {  	_ =	shalt  }
0x78: {  	_ =	shalt  }
0x79: {  	_ =	shalt  }
0x7a: {  	_ =	shalt  }
0x7b: {  	_ =	shalt  }
0x7c: {  	_ =	shalt  }
0x7d: {  	_ =	shalt  }
0x7e: {  	_ =	shalt  }
0x7f: {  	_ =	shalt  }
0x80: {  	_ =	shalt  }
0x81: {  	_ =	shalt  }
0x82: {  	_ =	shalt  }
0x83: {  	_ =	shalt  }
0x84: {  	_ =	shalt  }
0x85: {  	_ =	shalt  }
0x86: {  	_ =	shalt  }
0x87: {  	_ =	shalt  }
.Lfunc_end0:
.L_simem_size_0:
called_computation.1_lowered:
.L_overlay_start_0:
0x88: {  	s2 =	sld [smem:$0x3FD9]  }
0x89: {  	s3 =	sld [smem:$0x3FFE];
	_ =	sdelay $0x1  }
0x8a: {  	s1 =	srdreg.scid  }
0x8b: {  	s0 =	sand.u32 $0x1, s1  }
0x8c: {  	s14 =	sshll.u32 s0, $0xA;
	s2 =	sadd.s32 s3, s2  }
0x8d: {  	s2 =	sadd.s32 s2, s14  }
0x8e: {  	[smem:$0x3FB3] =	sst s2  }
0x8f: {  	_ = 	snop  }
0x90: {  	s2 =	sld [smem:$0x3FD0];
	_ =	sdelay $0x2  }
0x91: {  	s4 =	simm.s32 $0xB;
	s5 =	simm.s32 $0x10;
	s15 =	sld [smem:$0x3FC9]  }
0x92: {  	[smem:s5], [sflag:s4] =	dma.local [hbm:s2], $0x1  }
0x93: {  	_ =	swait.eq [sflag:s4], $0x1  }
0x94: {  	[sflag:s4] =	ssyncset.done $0x0  }
0x95: {  	[sflag:s4] =	ssyncadd.s32 $0xFFFFFFFF  }
0x96: {  	s16 =	sld [smem:$0x10];
	(tm) =	ssettm $0x1  }
0x97: {  	s17 =	sld [smem:$0x3FFB];
	_ =	sdelay $0x3  }
0x98: {  	_ =	strace s17  }
0x99: {  	s4 =	sld [smem:$0x3FFC];
	_ =	sdelay $0x3  }
0x9a: {  	_ =	strace s4  }
0x9b: {  	s4 =	sld [smem:$0x3FFD];
	_ =	sdelay $0x3  }
0x9c: {  	_ =	strace s4  }
0x9d: {  	_ =	strace $0x8FFFFFFF  }
0x9e: {  	s18 =	sld [smem:$0x3FDB];
	_ =	sdelay $0x1  }
0x9f: {  	s19 =	simm.s32 $_scs_section_size  }
0xa0: {  	s6 =	simm.s32 $_size__tile_overlayer_lowered;
	s7 =	simm.s32 $_tile_overlayer_lowered  }
0xa1: {  	s22 =	simm.s32 $0x1BFF;
	s21 =	sshll.u32 s7, $0x1;
	s4 =	sadd.s32 s19, s18  }
0xa2: {  	s8 =	simm.s32 $0x0;
	s20 =	sshll.u32 s6, $0x1;
	s6 =	sadd.s32 s21, s4  }
0xa3: {  	[timem:s8], [sflag:s22] =	dma.local [hbm:s6], s20  }
0xa4: {  	_ =	swait.ge [sflag:s22], s20  }
0xa5: {  	s5 =	ssub.s32 $0x0, s20;
	[sflag:s22] =	ssyncset.done $0x0  }
0xa6: {  	[sflag:s22] =	ssyncadd.s32 s5;
	_ =	sdelay $0x1  }
0xa7: {  	s23 =	simm.s32 $0x1B8B  }
0xa8: {  	_ =	swait.ge [sflag:s23], $0x1  }
0xa9: {  	[sflag:s23] =	ssyncset.done $0x0  }
0xaa: {  	s25 =	simm.s32 $0x1B8E;
	s24 =	sld [smem:$0x3FFE];
	[sflag:s23] =	ssyncadd.s32 $0xFFFFFFFF  }
0xab: {  	s26 =	simm.s32 $execute0_lowered;
	[smem:$0x3FD2] =	sst s25  }
0xac: {  	s6 =	sshll.u32 s26, $0x1;
	_ =	strace $0x80000046;
	[dreg:$0x1] =	wrdreg $0xFFFFFFFF  }
0xad: {  	s28 =	simm.s32 $_size_execute0_lowered;
	s4 =	sadd.s32 s4, s6;
	[dreg:$0x0] =	wrdreg $0x0  }
0xae: {  	s6 =	sshll.u32 s28, $0x1;
	[dreg:$0x2] =	wrdreg s4  }
0xaf: {  	[dreg:$0x3] =	wrdreg s6  }
0xb0: {  	[dreg:$0x4] =	wrdreg $0xC0  }
0xb1: {  	_ =	task [dreg:s8], $0x5FFFF  }
0xb2: {  	[dreg:$0x1] =	wrdreg $0xFFFFFFFF  }
0xb3: {  	[dreg:$0x0] =	wrdreg $0x60  }
0xb4: {  	[dreg:$0x2] =	wrdreg s15  }
0xb5: {  	[dreg:$0x3] =	wrdreg s16  }
0xb6: {  	[dreg:$0x4] =	wrdreg s24  }
0xb7: {  	[dreg:$0x5] =	wrdreg $0x90000  }
0xb8: {  	[dreg:$0x6] =	wrdreg $0xA  }
0xb9: {  	_ =	task.clear_ibuf [dreg:s8], $0x7FFFF;
	_ =	strace $0x90000046  }
0xba: {  	s29 =	simm.s32 $0xA;
	_ =	strace $0x80000048  }
0xbb: {  	_ =	swait.ge [sflag:s29], $0x1  }
0xbc: {  	[sflag:s29] =	ssyncadd.s32 $0xFFFFFFFF  }
0xbd: {  	_ =	strace $0x90000048  }
0xbe: {  	_ =	sfence  }
0xbf: {  	s30 =	sld [smem:$0x0];
	_ =	sdelay $0x2  }
0xc0: {  	s31 =	sshll.u32 s1, $0xD;
	s1 =	sshrl.u32 s1, $0x2  }
0xc1: {  	s3 =	sand.u32 $0x4000, s31;
	s1 =	sadd.s32 s1, s30  }
0xc2: {  	s0 =	sor.u32 s3, s0;
	s1 =	sshll.u32 s1, $0x11  }
0xc3: {  	s0 =	sor.u32 s1, s0  }
0xc4: {  	s0 =	sadd.s32 $0x8F2B, s0  }
0xc5: {  	[sflag:s0] =	ssyncadd.remote.s32 $0x1  }
0xc6: {  	_ =	sfence.sel $0xFFFF  }
0xc7: {  	[dreg:$0x0] =	wrdreg $0xFFFFFFFF;
	(pc) =	sbr.abs _section_cstart, $3  }
0xc8: {  	[dreg:$0x1] =	wrdreg $0xFFFFFFFF  }
0xc9: {  	_ =	task.clear_ibuf [dreg:s8], $0x2FFFF;
	_ =	strace $0x9FFFFFFF  }
0xca: {  	(tm) =	ssettm $0x7FFFFFFF  }
0xcb: {  	_ =	shalt  }
tec
execute0_lowered:
.L_overlay_start_1:
0x0: {  	(tag) =	ssettag $0x1  }
0x1: {  	s1 =	rddreg [dreg:$0x0]  }
0x2: {  	s5 =	rddreg [dreg:$0x1]  }
0x3: {  	s0 =	srdreg.scid;
	s7 =	rddreg [dreg:$0x2]  }
0x4: {  	s10 =	stileid.u32;
	s3 =	rddreg [dreg:$0x3]  }
0x5: {  	s4 =	simm.s32 $0x0;
	s14 =	simm.s32 $0x100;
	s15 =	simm.s32 $0x880  }
0x6: {  	s17 =	simm.s32 $0x180;
	[smem:$0x7FF] =	sst s4;
	s26 =	sadd.s32 $0xFA00, s7  }
0x7: {  	s18 =	simm.s32 $0x900;
	_ =	strace $0x80000047;
	[dreg:$0x13] =	wrdreg s26  }
0x8: {  	s19 =	simm.s32 $0x200;
	s20 =	simm.s32 $0x980;
	[dreg:$0x7] =	wrdreg s14  }
0x9: {  	s21 =	simm.s32 $0x280;
	s22 =	simm.s32 $0xA00;
	[dreg:$0x8] =	wrdreg s15  }
0xa: {  	s23 =	simm.s32 $0x300;
	s28 =	simm.s32 $0x680;
	[dreg:$0x9] =	wrdreg s17  }
0xb: {  	s29 =	simm.s32 $0xE00;
	s30 =	simm.s32 $0x700;
	[dreg:$0xa] =	wrdreg s18  }
0xc: {  	s31 =	simm.s32 $0xE80;
	s2 =	smul.u32 $0x5000, s10;
	[dreg:$0xb] =	wrdreg s19  }
0xd: {  	s0 =	sand.u32 $0x1, s0;
	s9 =	smul.u32 $0x13C00, s10;
	[dreg:$0xc] =	wrdreg s20  }
0xe: {  	s12 =	smul.u32 $0x4F000, s10;
	s16 =	sshll.u32 s10, $0x6;
	[dreg:$0xd] =	wrdreg s21  }
0xf: {  	s10 =	simm.s32 $0x3;
	s6 =	smul.u32 $0x2800, s0;
	[dreg:$0xe] =	wrdreg s22  }
0x10: {  	s8 =	smul.u32 $0x13C000, s0;
	s0 =	ssub.s32 $0x2, s0;
	[dreg:$0xf] =	wrdreg s23  }
0x11: {  	s14 =	simm.s32 $0x5000;
	s26 =	simm.s32 $0xB00;
	s15 =	simm.s32 $0x1  }
0x12: {  	s17 =	simm.s32 $0x400;
	s18 =	simm.s32 $0xB80;
	s19 =	simm.s32 $0x480  }
0x13: {  	s20 =	simm.s32 $0xC00;
	s21 =	simm.s32 $0x500;
	s22 =	simm.s32 $0xC80  }
0x14: {  	s23 =	simm.s32 $0x580;
	s11 =	sshrl.u32 s0, $0x1;
	s13 =	sshrl.u32 s12, $0x2  }
0x15: {  	s12 =	simm.s32 $0x80;
	[dreg:$0x12] =	wrdreg s26;
	s26 =	simm.s32 $0xD80  }
0x16: {  	s2 =	sadd.s32 s6, s2;
	s24 =	sadd.s32 s9, s8;
	s0 =	ssub.s32 s0, s11  }
0x17: {  	s11 =	simm.s32 $0x800;
	s9 =	simm.s32 $0x0;
	s2 =	sshrl.u32 s2, $0x3  }
0x18: {  	s6 =	sshrl.u32 s24, $0x3;
	s0 =	smax.u32 s0, $0x1;
	s24 =	simm.s32 $0xA80  }
0x19: {  	s25 =	sadd.s32 s2, s7;
	s6 =	sadd.s32 s6, s7;
	[dreg:$0x16] =	wrdreg s0  }
0x1a: {  	s2 =	sadd.s32 s2, s5;
	s5 =	sadd.s32 s13, s3;
	[dreg:$0x10] =	wrdreg s24  }
0x1b: {  	s7 =	sor.u32 $0x1C03, s16;
	s13 =	simm.s32 $0x1000;
	[dreg:$0x6] =	wrdreg s2  }
0x1c: {  	s16 =	simm.s32 $0x2;
	s8 =	sadd.s32 $0x5A00, s25;
	[dreg:$0x14] =	wrdreg s7  }
0x1d: {  	s24 =	simm.s32 $0xD00;
	s6 =	sadd.s32 $0x12200, s6;
	[dreg:$0x5] =	wrdreg s8  }
0x1e: {  	s0 =	simm.s32 $0xF00;
	s25 =	simm.s32 $0x380;
	[dreg:$0x15] =	wrdreg s6  }
0x1f: {  	s2 =	simm.s32 $0x780;
	s8 =	sshrl.u32 s5, $0x3;
	[dreg:$0x11] =	wrdreg s25  }
0x20: {  	s25 =	simm.s32 $0x600;
	s5 =	simm.s32 $0xF80;
	[dreg:$0x17] =	wrdreg s8  }
.LBB2_1:
0x21: {  	[dreg:$0x18] =	wrdreg s9  }
0x22: {  	s6 =	rddreg [dreg:$0x13]  }
0x23: {  	[spmem:s8], [sflag:s7] =	dma.local [hbm:s6], $0x2780  }
0x24: {  	_ =	swait.ge [sflag:s10], $0x2780  }
0x25: {  	[sflag:s10] =	ssyncset.done $0x0  }
0x26: {  	[sflag:s10] =	ssyncadd.s32 $0xFFFFD880  }
0x27: {  	[bflag:$0x0] =	sbarrier.arrive $0xFFFF  }
0x28: {  	s8 =	rddreg [dreg:$0x6]  }
0x29: {  	s6 =	sadd.s32 $0x0, s8  }
0x2a: {  	[tilespmem:s4], [sflag:$0x3] =	stream.linear.gather [hbm4b:s6+s4], $0x800, $0x38;
	[tilespmem:$0x1CC00] =	vst v63  }
0x2b: {  	_ =	swait.ge [sflag:s10], $0x800  }
0x2c: {  	s9 =	rddreg [dreg:$0x5];
	[sflag:s10] =	ssyncset.done $0x0  }
0x2d: {  	[sflag:s10] =	ssyncadd.s32 $0xFFFFF800;
	s6 =	sadd.s32 $0x0, s9  }
0x2e: {  	[tilespmem:s11], [sflag:$0x3] =	stream.linear.gather [hbm4b:s6+s4], $0x800, $0x38;
	[tilespmem:$0x1CC00] =	vst v63  }
0x2f: {  	_ =	swait.ge [sflag:s10], $0x800  }
0x30: {  	[sflag:s10] =	ssyncset.done $0x0  }
0x31: {  	[sflag:s10] =	ssyncadd.s32 $0xFFFFF800  }
0x32: {  	[tilespmem:s13], [sflag:$0x1] =	stream.indirect.gather [hbm4b:s1+s12], $0x80, s4, s12, $0xb8;
	[tilespmem:$0x1CC00] =	vst v63  }
0x33: {  	_ = 	snop  }
0x34: {  	[tilespmem:s14], [sflag:$0x2] =	stream.indirect.gather [hbm4b:s1+s12], $0x80, s12, s12, $0xb8;
	[tilespmem:$0x1CC00] =	vst v63  }
0x35: {  	_ =	swait.ge [sflag:s15], $0x4000  }
0x36: {  	[sflag:s15] =	ssyncset.done $0x0  }
0x37: {  	[sflag:s15] =	ssyncadd.s32 $0xFFFFC000  }
0x38: {  	[spmem:s3] =	stream.indirect.scatter.add.f32 [tilespmem:s13], [sflag:$0x3], $0x80, s11, s12, $0xb8;
	[tilespmem:$0x1CC00] =	vst v63  }
0x39: {  	_ =	swait.ge [sflag:s10], $0x4000  }
0x3a: {  	[sflag:s10] =	ssyncset.done $0x0  }
0x3b: {  	s7 =	rddreg [dreg:$0x7];
	[sflag:s10] =	ssyncadd.s32 $0xFFFFC000  }
0x3c: {  	[tilespmem:s13], [sflag:$0x1] =	stream.indirect.gather [hbm4b:s1+s12], $0x80, s7, s12, $0xb8;
	[tilespmem:$0x1CC00] =	vst v63  }
0x3d: {  	_ =	swait.ge [sflag:s16], $0x4000  }
0x3e: {  	[sflag:s16] =	ssyncset.done $0x0  }
0x3f: {  	s8 =	rddreg [dreg:$0x8];
	[sflag:s16] =	ssyncadd.s32 $0xFFFFC000  }
0x40: {  	[spmem:s3] =	stream.indirect.scatter.add.f32 [tilespmem:s14], [sflag:$0x3], $0x80, s8, s12, $0xb8;
	[tilespmem:$0x1CC00] =	vst v63  }
0x41: {  	_ =	swait.ge [sflag:s10], $0x4000  }
0x42: {  	[sflag:s10] =	ssyncset.done $0x0  }
0x43: {  	s9 =	rddreg [dreg:$0x9];
	[sflag:s10] =	ssyncadd.s32 $0xFFFFC000  }
0x44: {  	[tilespmem:s14], [sflag:$0x2] =	stream.indirect.gather [hbm4b:s1+s12], $0x80, s9, s12, $0xb8;
	[tilespmem:$0x1CC00] =	vst v63  }
0x45: {  	_ =	swait.ge [sflag:s15], $0x4000  }
0x46: {  	[sflag:s15] =	ssyncset.done $0x0  }
0x47: {  	s7 =	rddreg [dreg:$0xa];
	[sflag:s15] =	ssyncadd.s32 $0xFFFFC000  }
0x48: {  	[spmem:s3] =	stream.indirect.scatter.add.f32 [tilespmem:s13], [sflag:$0x3], $0x80, s7, s12, $0xb8;
	[tilespmem:$0x1CC00] =	vst v63  }
0x49: {  	_ =	swait.ge [sflag:s10], $0x4000  }
0x4a: {  	[sflag:s10] =	ssyncset.done $0x0  }
0x4b: {  	s8 =	rddreg [dreg:$0xb];
	[sflag:s10] =	ssyncadd.s32 $0xFFFFC000  }
0x4c: {  	[tilespmem:s13], [sflag:$0x1] =	stream.indirect.gather [hbm4b:s1+s12], $0x80, s8, s12, $0xb8;
	[tilespmem:$0x1CC00] =	vst v63  }
0x4d: {  	_ =	swait.ge [sflag:s16], $0x4000  }
0x4e: {  	[sflag:s16] =	ssyncset.done $0x0  }
0x4f: {  	s9 =	rddreg [dreg:$0xc];
	[sflag:s16] =	ssyncadd.s32 $0xFFFFC000  }
0x50: {  	[spmem:s3] =	stream.indirect.scatter.add.f32 [tilespmem:s14], [sflag:$0x3], $0x80, s9, s12, $0xb8;
	[tilespmem:$0x1CC00] =	vst v63  }
0x51: {  	_ =	swait.ge [sflag:s10], $0x4000  }
0x52: {  	[sflag:s10] =	ssyncset.done $0x0  }
0x53: {  	s7 =	rddreg [dreg:$0xd];
	[sflag:s10] =	ssyncadd.s32 $0xFFFFC000  }
0x54: {  	[tilespmem:s14], [sflag:$0x2] =	stream.indirect.gather [hbm4b:s1+s12], $0x80, s7, s12, $0xb8;
	[tilespmem:$0x1CC00] =	vst v63  }
0x55: {  	_ =	swait.ge [sflag:s15], $0x4000  }
0x56: {  	[sflag:s15] =	ssyncset.done $0x0  }
0x57: {  	s8 =	rddreg [dreg:$0xe];
	[sflag:s15] =	ssyncadd.s32 $0xFFFFC000  }
0x58: {  	[spmem:s3] =	stream.indirect.scatter.add.f32 [tilespmem:s13], [sflag:$0x3], $0x80, s8, s12, $0xb8;
	[tilespmem:$0x1CC00] =	vst v63  }
0x59: {  	_ =	swait.ge [sflag:s10], $0x4000  }
0x5a: {  	[sflag:s10] =	ssyncset.done $0x0  }
0x5b: {  	s9 =	rddreg [dreg:$0xf];
	[sflag:s10] =	ssyncadd.s32 $0xFFFFC000  }
0x5c: {  	[tilespmem:s13], [sflag:$0x1] =	stream.indirect.gather [hbm4b:s1+s12], $0x80, s9, s12, $0xb8;
	[tilespmem:$0x1CC00] =	vst v63  }
0x5d: {  	_ =	swait.ge [sflag:s16], $0x4000  }
0x5e: {  	[sflag:s16] =	ssyncset.done $0x0  }
0x5f: {  	s7 =	rddreg [dreg:$0x10];
	[sflag:s16] =	ssyncadd.s32 $0xFFFFC000  }
0x60: {  	[spmem:s3] =	stream.indirect.scatter.add.f32 [tilespmem:s14], [sflag:$0x3], $0x80, s7, s12, $0xb8;
	[tilespmem:$0x1CC00] =	vst v63  }
0x61: {  	_ =	swait.ge [sflag:s10], $0x4000  }
0x62: {  	[sflag:s10] =	ssyncset.done $0x0  }
0x63: {  	s8 =	rddreg [dreg:$0x11];
	[sflag:s10] =	ssyncadd.s32 $0xFFFFC000  }
0x64: {  	[tilespmem:s14], [sflag:$0x2] =	stream.indirect.gather [hbm4b:s1+s12], $0x80, s8, s12, $0xb8;
	[tilespmem:$0x1CC00] =	vst v63  }
0x65: {  	_ =	swait.ge [sflag:s15], $0x4000  }
0x66: {  	[sflag:s15] =	ssyncset.done $0x0  }
0x67: {  	s9 =	rddreg [dreg:$0x12];
	[sflag:s15] =	ssyncadd.s32 $0xFFFFC000  }
0x68: {  	[spmem:s3] =	stream.indirect.scatter.add.f32 [tilespmem:s13], [sflag:$0x3], $0x80, s9, s12, $0xb8;
	[tilespmem:$0x1CC00] =	vst v63  }
0x69: {  	_ =	swait.ge [sflag:s10], $0x4000  }
0x6a: {  	[sflag:s10] =	ssyncset.done $0x0  }
0x6b: {  	[sflag:s10] =	ssyncadd.s32 $0xFFFFC000  }
0x6c: {  	[tilespmem:s13], [sflag:$0x1] =	stream.indirect.gather [hbm4b:s1+s12], $0x80, s17, s12, $0xb8;
	[tilespmem:$0x1CC00] =	vst v63  }
0x6d: {  	_ =	swait.ge [sflag:s16], $0x4000  }
0x6e: {  	[sflag:s16] =	ssyncset.done $0x0  }
0x6f: {  	[sflag:s16] =	ssyncadd.s32 $0xFFFFC000  }
0x70: {  	[spmem:s3] =	stream.indirect.scatter.add.f32 [tilespmem:s14], [sflag:$0x3], $0x80, s18, s12, $0xb8;
	[tilespmem:$0x1CC00] =	vst v63  }
0x71: {  	_ =	swait.ge [sflag:s10], $0x4000  }
0x72: {  	[sflag:s10] =	ssyncset.done $0x0  }
0x73: {  	[sflag:s10] =	ssyncadd.s32 $0xFFFFC000  }
0x74: {  	[tilespmem:s14], [sflag:$0x2] =	stream.indirect.gather [hbm4b:s1+s12], $0x80, s19, s12, $0xb8;
	[tilespmem:$0x1CC00] =	vst v63  }
0x75: {  	_ =	swait.ge [sflag:s15], $0x4000  }
0x76: {  	[sflag:s15] =	ssyncset.done $0x0  }
0x77: {  	[sflag:s15] =	ssyncadd.s32 $0xFFFFC000  }
0x78: {  	[spmem:s3] =	stream.indirect.scatter.add.f32 [tilespmem:s13], [sflag:$0x3], $0x80, s20, s12, $0xb8;
	[tilespmem:$0x1CC00] =	vst v63  }
0x79: {  	_ =	swait.ge [sflag:s10], $0x4000  }
0x7a: {  	[sflag:s10] =	ssyncset.done $0x0  }
0x7b: {  	[sflag:s10] =	ssyncadd.s32 $0xFFFFC000  }
0x7c: {  	[tilespmem:s13], [sflag:$0x1] =	stream.indirect.gather [hbm4b:s1+s12], $0x80, s21, s12, $0xb8;
	[tilespmem:$0x1CC00] =	vst v63  }
0x7d: {  	_ =	swait.ge [sflag:s16], $0x4000  }
0x7e: {  	[sflag:s16] =	ssyncset.done $0x0  }
0x7f: {  	[sflag:s16] =	ssyncadd.s32 $0xFFFFC000  }
0x80: {  	[spmem:s3] =	stream.indirect.scatter.add.f32 [tilespmem:s14], [sflag:$0x3], $0x80, s22, s12, $0xb8;
	[tilespmem:$0x1CC00] =	vst v63  }
0x81: {  	_ =	swait.ge [sflag:s10], $0x4000  }
0x82: {  	[sflag:s10] =	ssyncset.done $0x0  }
0x83: {  	[sflag:s10] =	ssyncadd.s32 $0xFFFFC000  }
0x84: {  	[tilespmem:s14], [sflag:$0x2] =	stream.indirect.gather [hbm4b:s1+s12], $0x80, s23, s12, $0xb8;
	[tilespmem:$0x1CC00] =	vst v63  }
0x85: {  	_ =	swait.ge [sflag:s15], $0x4000  }
0x86: {  	[sflag:s15] =	ssyncset.done $0x0  }
0x87: {  	[sflag:s15] =	ssyncadd.s32 $0xFFFFC000  }
0x88: {  	[spmem:s3] =	stream.indirect.scatter.add.f32 [tilespmem:s13], [sflag:$0x3], $0x80, s24, s12, $0xb8;
	[tilespmem:$0x1CC00] =	vst v63  }
0x89: {  	_ =	swait.ge [sflag:s10], $0x4000  }
0x8a: {  	[sflag:s10] =	ssyncset.done $0x0  }
0x8b: {  	[sflag:s10] =	ssyncadd.s32 $0xFFFFC000  }
0x8c: {  	[tilespmem:s13], [sflag:$0x1] =	stream.indirect.gather [hbm4b:s1+s12], $0x80, s25, s12, $0xb8;
	[tilespmem:$0x1CC00] =	vst v63  }
0x8d: {  	_ =	swait.ge [sflag:s16], $0x4000  }
0x8e: {  	[sflag:s16] =	ssyncset.done $0x0  }
0x8f: {  	[sflag:s16] =	ssyncadd.s32 $0xFFFFC000  }
0x90: {  	[spmem:s3] =	stream.indirect.scatter.add.f32 [tilespmem:s14], [sflag:$0x3], $0x80, s26, s12, $0xb8;
	[tilespmem:$0x1CC00] =	vst v63  }
0x91: {  	_ =	swait.ge [sflag:s10], $0x4000  }
0x92: {  	[sflag:s10] =	ssyncset.done $0x0  }
0x93: {  	[sflag:s10] =	ssyncadd.s32 $0xFFFFC000  }
0x94: {  	[tilespmem:s14], [sflag:$0x2] =	stream.indirect.gather [hbm4b:s1+s12], $0x80, s28, s12, $0xb8;
	[tilespmem:$0x1CC00] =	vst v63  }
0x95: {  	_ =	swait.ge [sflag:s15], $0x4000  }
0x96: {  	[sflag:s15] =	ssyncset.done $0x0  }
0x97: {  	[sflag:s15] =	ssyncadd.s32 $0xFFFFC000  }
0x98: {  	[spmem:s3] =	stream.indirect.scatter.add.f32 [tilespmem:s13], [sflag:$0x3], $0x80, s29, s12, $0xb8;
	[tilespmem:$0x1CC00] =	vst v63  }
0x99: {  	_ =	swait.ge [sflag:s10], $0x4000  }
0x9a: {  	[sflag:s10] =	ssyncset.done $0x0  }
0x9b: {  	[sflag:s10] =	ssyncadd.s32 $0xFFFFC000  }
0x9c: {  	[tilespmem:s13], [sflag:$0x1] =	stream.indirect.gather [hbm4b:s1+s12], $0x80, s30, s12, $0xb8;
	[tilespmem:$0x1CC00] =	vst v63  }
0x9d: {  	_ =	swait.ge [sflag:s16], $0x4000  }
0x9e: {  	[sflag:s16] =	ssyncset.done $0x0  }
0x9f: {  	[sflag:s16] =	ssyncadd.s32 $0xFFFFC000  }
0xa0: {  	[spmem:s3] =	stream.indirect.scatter.add.f32 [tilespmem:s14], [sflag:$0x3], $0x80, s31, s12, $0xb8;
	[tilespmem:$0x1CC00] =	vst v63  }
0xa1: {  	_ =	swait.ge [sflag:s10], $0x4000  }
0xa2: {  	[sflag:s10] =	ssyncset.done $0x0  }
0xa3: {  	[sflag:s10] =	ssyncadd.s32 $0xFFFFC000  }
0xa4: {  	[tilespmem:s14], [sflag:$0x2] =	stream.indirect.gather [hbm4b:s1+s12], $0x80, s2, s12, $0xb8;
	[tilespmem:$0x1CC00] =	vst v63  }
0xa5: {  	_ =	swait.ge [sflag:s15], $0x4000  }
0xa6: {  	[sflag:s15] =	ssyncset.done $0x0  }
0xa7: {  	[sflag:s15] =	ssyncadd.s32 $0xFFFFC000  }
0xa8: {  	[spmem:s3] =	stream.indirect.scatter.add.f32 [tilespmem:s13], [sflag:$0x3], $0x80, s0, s12, $0xb8;
	[tilespmem:$0x1CC00] =	vst v63  }
0xa9: {  	_ =	swait.ge [sflag:s10], $0x4000  }
0xaa: {  	[sflag:s10] =	ssyncset.done $0x0  }
0xab: {  	[sflag:s10] =	ssyncadd.s32 $0xFFFFC000  }
0xac: {  	_ =	swait.ge [sflag:s16], $0x4000  }
0xad: {  	[sflag:s16] =	ssyncset.done $0x0  }
0xae: {  	[sflag:s16] =	ssyncadd.s32 $0xFFFFC000  }
0xaf: {  	[spmem:s3] =	stream.indirect.scatter.add.f32 [tilespmem:s14], [sflag:$0x3], $0x80, s5, s12, $0xb8;
	[tilespmem:$0x1CC00] =	vst v63  }
0xb0: {  	s6 =	simm.s32 $0x200;
	_ =	swait.ge [sflag:s10], $0x4000  }
0xb1: {  	s8 =	simm.s32 $0x100;
	s9 =	rddreg [dreg:$0x6];
	[sflag:s10] =	ssyncset.done $0x0  }
.LBB2_2:
0xb2: {  	[sflag:s10] =	ssyncadd.s32 $0xFFFFC000;
	s9 =	sadd.s32 s8, s9  }
0xb3: {  	[tilespmem:s4], [sflag:$0x3] =	stream.linear.gather [hbm4b:s9+s4], $0x800, $0x38;
	[tilespmem:$0x1CC00] =	vst v63  }
0xb4: {  	_ =	swait.ge [sflag:s10], $0x800  }
0xb5: {  	s9 =	rddreg [dreg:$0x5];
	[sflag:s10] =	ssyncset.done $0x0  }
0xb6: {  	[sflag:s10] =	ssyncadd.s32 $0xFFFFF800;
	s9 =	sadd.s32 s8, s9  }
0xb7: {  	[tilespmem:s11], [sflag:$0x3] =	stream.linear.gather [hbm4b:s9+s4], $0x800, $0x38;
	[tilespmem:$0x1CC00] =	vst v63  }
0xb8: {  	_ =	swait.ge [sflag:s10], $0x800  }
0xb9: {  	[sflag:s10] =	ssyncset.done $0x0  }
0xba: {  	[sflag:s10] =	ssyncadd.s32 $0xFFFFF800  }
0xbb: {  	[tilespmem:s13], [sflag:$0x1] =	stream.indirect.gather [hbm4b:s1+s12], $0x80, s4, s12, $0xb8;
	[tilespmem:$0x1CC00] =	vst v63  }
0xbc: {  	_ = 	snop  }
0xbd: {  	[tilespmem:s14], [sflag:$0x2] =	stream.indirect.gather [hbm4b:s1+s12], $0x80, s12, s12, $0xb8;
	[tilespmem:$0x1CC00] =	vst v63  }
0xbe: {  	_ =	swait.ge [sflag:s15], $0x4000  }
0xbf: {  	[sflag:s15] =	ssyncset.done $0x0  }
0xc0: {  	[sflag:s15] =	ssyncadd.s32 $0xFFFFC000  }
0xc1: {  	[spmem:s3] =	stream.indirect.scatter.add.f32 [tilespmem:s13], [sflag:$0x3], $0x80, s11, s12, $0xb8;
	[tilespmem:$0x1CC00] =	vst v63  }
0xc2: {  	_ =	swait.ge [sflag:s10], $0x4000  }
0xc3: {  	[sflag:s10] =	ssyncset.done $0x0  }
0xc4: {  	s9 =	rddreg [dreg:$0x7];
	[sflag:s10] =	ssyncadd.s32 $0xFFFFC000  }
0xc5: {  	[tilespmem:s13], [sflag:$0x1] =	stream.indirect.gather [hbm4b:s1+s12], $0x80, s9, s12, $0xb8;
	[tilespmem:$0x1CC00] =	vst v63  }
0xc6: {  	_ =	swait.ge [sflag:s16], $0x4000  }
0xc7: {  	[sflag:s16] =	ssyncset.done $0x0  }
0xc8: {  	s9 =	rddreg [dreg:$0x8];
	[sflag:s16] =	ssyncadd.s32 $0xFFFFC000  }
0xc9: {  	[spmem:s3] =	stream.indirect.scatter.add.f32 [tilespmem:s14], [sflag:$0x3], $0x80, s9, s12, $0xb8;
	[tilespmem:$0x1CC00] =	vst v63  }
0xca: {  	_ =	swait.ge [sflag:s10], $0x4000  }
0xcb: {  	[sflag:s10] =	ssyncset.done $0x0  }
0xcc: {  	s9 =	rddreg [dreg:$0x9];
	[sflag:s10] =	ssyncadd.s32 $0xFFFFC000  }
0xcd: {  	[tilespmem:s14], [sflag:$0x2] =	stream.indirect.gather [hbm4b:s1+s12], $0x80, s9, s12, $0xb8;
	[tilespmem:$0x1CC00] =	vst v63  }
0xce: {  	_ =	swait.ge [sflag:s15], $0x4000  }
0xcf: {  	[sflag:s15] =	ssyncset.done $0x0  }
0xd0: {  	s9 =	rddreg [dreg:$0xa];
	[sflag:s15] =	ssyncadd.s32 $0xFFFFC000  }
0xd1: {  	[spmem:s3] =	stream.indirect.scatter.add.f32 [tilespmem:s13], [sflag:$0x3], $0x80, s9, s12, $0xb8;
	[tilespmem:$0x1CC00] =	vst v63  }
0xd2: {  	_ =	swait.ge [sflag:s10], $0x4000  }
0xd3: {  	[sflag:s10] =	ssyncset.done $0x0  }
0xd4: {  	s9 =	rddreg [dreg:$0xb];
	[sflag:s10] =	ssyncadd.s32 $0xFFFFC000  }
0xd5: {  	[tilespmem:s13], [sflag:$0x1] =	stream.indirect.gather [hbm4b:s1+s12], $0x80, s9, s12, $0xb8;
	[tilespmem:$0x1CC00] =	vst v63  }
0xd6: {  	_ =	swait.ge [sflag:s16], $0x4000  }
0xd7: {  	[sflag:s16] =	ssyncset.done $0x0  }
0xd8: {  	s9 =	rddreg [dreg:$0xc];
	[sflag:s16] =	ssyncadd.s32 $0xFFFFC000  }
0xd9: {  	[spmem:s3] =	stream.indirect.scatter.add.f32 [tilespmem:s14], [sflag:$0x3], $0x80, s9, s12, $0xb8;
	[tilespmem:$0x1CC00] =	vst v63  }
0xda: {  	_ =	swait.ge [sflag:s10], $0x4000  }
0xdb: {  	[sflag:s10] =	ssyncset.done $0x0  }
0xdc: {  	s9 =	rddreg [dreg:$0xd];
	[sflag:s10] =	ssyncadd.s32 $0xFFFFC000  }
0xdd: {  	[tilespmem:s14], [sflag:$0x2] =	stream.indirect.gather [hbm4b:s1+s12], $0x80, s9, s12, $0xb8;
	[tilespmem:$0x1CC00] =	vst v63  }
0xde: {  	_ =	swait.ge [sflag:s15], $0x4000  }
0xdf: {  	[sflag:s15] =	ssyncset.done $0x0  }
0xe0: {  	s9 =	rddreg [dreg:$0xe];
	[sflag:s15] =	ssyncadd.s32 $0xFFFFC000  }
0xe1: {  	[spmem:s3] =	stream.indirect.scatter.add.f32 [tilespmem:s13], [sflag:$0x3], $0x80, s9, s12, $0xb8;
	[tilespmem:$0x1CC00] =	vst v63  }
0xe2: {  	_ =	swait.ge [sflag:s10], $0x4000  }
0xe3: {  	[sflag:s10] =	ssyncset.done $0x0  }
0xe4: {  	s9 =	rddreg [dreg:$0xf];
	[sflag:s10] =	ssyncadd.s32 $0xFFFFC000  }
0xe5: {  	[tilespmem:s13], [sflag:$0x1] =	stream.indirect.gather [hbm4b:s1+s12], $0x80, s9, s12, $0xb8;
	[tilespmem:$0x1CC00] =	vst v63  }
0xe6: {  	_ =	swait.ge [sflag:s16], $0x4000  }
0xe7: {  	[sflag:s16] =	ssyncset.done $0x0  }
0xe8: {  	s9 =	rddreg [dreg:$0x10];
	[sflag:s16] =	ssyncadd.s32 $0xFFFFC000  }
0xe9: {  	[spmem:s3] =	stream.indirect.scatter.add.f32 [tilespmem:s14], [sflag:$0x3], $0x80, s9, s12, $0xb8;
	[tilespmem:$0x1CC00] =	vst v63  }
0xea: {  	_ =	swait.ge [sflag:s10], $0x4000  }
0xeb: {  	[sflag:s10] =	ssyncset.done $0x0  }
0xec: {  	s9 =	rddreg [dreg:$0x11];
	[sflag:s10] =	ssyncadd.s32 $0xFFFFC000  }
0xed: {  	[tilespmem:s14], [sflag:$0x2] =	stream.indirect.gather [hbm4b:s1+s12], $0x80, s9, s12, $0xb8;
	[tilespmem:$0x1CC00] =	vst v63  }
0xee: {  	_ =	swait.ge [sflag:s15], $0x4000  }
0xef: {  	[sflag:s15] =	ssyncset.done $0x0  }
0xf0: {  	s9 =	rddreg [dreg:$0x12];
	[sflag:s15] =	ssyncadd.s32 $0xFFFFC000  }
0xf1: {  	[spmem:s3] =	stream.indirect.scatter.add.f32 [tilespmem:s13], [sflag:$0x3], $0x80, s9, s12, $0xb8;
	[tilespmem:$0x1CC00] =	vst v63  }
0xf2: {  	_ =	swait.ge [sflag:s10], $0x4000  }
0xf3: {  	[sflag:s10] =	ssyncset.done $0x0  }
0xf4: {  	[sflag:s10] =	ssyncadd.s32 $0xFFFFC000  }
0xf5: {  	[tilespmem:s13], [sflag:$0x1] =	stream.indirect.gather [hbm4b:s1+s12], $0x80, s17, s12, $0xb8;
	[tilespmem:$0x1CC00] =	vst v63  }
0xf6: {  	_ =	swait.ge [sflag:s16], $0x4000  }
0xf7: {  	[sflag:s16] =	ssyncset.done $0x0  }
0xf8: {  	[sflag:s16] =	ssyncadd.s32 $0xFFFFC000  }
0xf9: {  	[spmem:s3] =	stream.indirect.scatter.add.f32 [tilespmem:s14], [sflag:$0x3], $0x80, s18, s12, $0xb8;
	[tilespmem:$0x1CC00] =	vst v63  }
0xfa: {  	_ =	swait.ge [sflag:s10], $0x4000  }
0xfb: {  	[sflag:s10] =	ssyncset.done $0x0  }
0xfc: {  	[sflag:s10] =	ssyncadd.s32 $0xFFFFC000  }
0xfd: {  	[tilespmem:s14], [sflag:$0x2] =	stream.indirect.gather [hbm4b:s1+s12], $0x80, s19, s12, $0xb8;
	[tilespmem:$0x1CC00] =	vst v63  }
0xfe: {  	_ =	swait.ge [sflag:s15], $0x4000  }
0xff: {  	[sflag:s15] =	ssyncset.done $0x0  }
0x100: {  	[sflag:s15] =	ssyncadd.s32 $0xFFFFC000  }
0x101: {  	[spmem:s3] =	stream.indirect.scatter.add.f32 [tilespmem:s13], [sflag:$0x3], $0x80, s20, s12, $0xb8;
	[tilespmem:$0x1CC00] =	vst v63  }
0x102: {  	_ =	swait.ge [sflag:s10], $0x4000  }
0x103: {  	[sflag:s10] =	ssyncset.done $0x0  }
0x104: {  	[sflag:s10] =	ssyncadd.s32 $0xFFFFC000  }
0x105: {  	[tilespmem:s13], [sflag:$0x1] =	stream.indirect.gather [hbm4b:s1+s12], $0x80, s21, s12, $0xb8;
	[tilespmem:$0x1CC00] =	vst v63  }
0x106: {  	_ =	swait.ge [sflag:s16], $0x4000  }
0x107: {  	[sflag:s16] =	ssyncset.done $0x0  }
0x108: {  	[sflag:s16] =	ssyncadd.s32 $0xFFFFC000  }
0x109: {  	[spmem:s3] =	stream.indirect.scatter.add.f32 [tilespmem:s14], [sflag:$0x3], $0x80, s22, s12, $0xb8;
	[tilespmem:$0x1CC00] =	vst v63  }
0x10a: {  	_ =	swait.ge [sflag:s10], $0x4000  }
0x10b: {  	[sflag:s10] =	ssyncset.done $0x0  }
0x10c: {  	[sflag:s10] =	ssyncadd.s32 $0xFFFFC000  }
0x10d: {  	[tilespmem:s14], [sflag:$0x2] =	stream.indirect.gather [hbm4b:s1+s12], $0x80, s23, s12, $0xb8;
	[tilespmem:$0x1CC00] =	vst v63  }
0x10e: {  	_ =	swait.ge [sflag:s15], $0x4000  }
0x10f: {  	[sflag:s15] =	ssyncset.done $0x0  }
0x110: {  	[sflag:s15] =	ssyncadd.s32 $0xFFFFC000  }
0x111: {  	[spmem:s3] =	stream.indirect.scatter.add.f32 [tilespmem:s13], [sflag:$0x3], $0x80, s24, s12, $0xb8;
	[tilespmem:$0x1CC00] =	vst v63  }
0x112: {  	_ =	swait.ge [sflag:s10], $0x4000  }
0x113: {  	[sflag:s10] =	ssyncset.done $0x0  }
0x114: {  	[sflag:s10] =	ssyncadd.s32 $0xFFFFC000  }
0x115: {  	[tilespmem:s13], [sflag:$0x1] =	stream.indirect.gather [hbm4b:s1+s12], $0x80, s25, s12, $0xb8;
	[tilespmem:$0x1CC00] =	vst v63  }
0x116: {  	_ =	swait.ge [sflag:s16], $0x4000  }
0x117: {  	[sflag:s16] =	ssyncset.done $0x0  }
0x118: {  	[sflag:s16] =	ssyncadd.s32 $0xFFFFC000  }
0x119: {  	[spmem:s3] =	stream.indirect.scatter.add.f32 [tilespmem:s14], [sflag:$0x3], $0x80, s26, s12, $0xb8;
	[tilespmem:$0x1CC00] =	vst v63  }
0x11a: {  	_ =	swait.ge [sflag:s10], $0x4000  }
0x11b: {  	[sflag:s10] =	ssyncset.done $0x0  }
0x11c: {  	[sflag:s10] =	ssyncadd.s32 $0xFFFFC000  }
0x11d: {  	[tilespmem:s14], [sflag:$0x2] =	stream.indirect.gather [hbm4b:s1+s12], $0x80, s28, s12, $0xb8;
	[tilespmem:$0x1CC00] =	vst v63  }
0x11e: {  	_ =	swait.ge [sflag:s15], $0x4000  }
0x11f: {  	[sflag:s15] =	ssyncset.done $0x0  }
0x120: {  	[sflag:s15] =	ssyncadd.s32 $0xFFFFC000  }
0x121: {  	[spmem:s3] =	stream.indirect.scatter.add.f32 [tilespmem:s13], [sflag:$0x3], $0x80, s29, s12, $0xb8;
	[tilespmem:$0x1CC00] =	vst v63  }
0x122: {  	_ =	swait.ge [sflag:s10], $0x4000  }
0x123: {  	[sflag:s10] =	ssyncset.done $0x0  }
0x124: {  	[sflag:s10] =	ssyncadd.s32 $0xFFFFC000  }
0x125: {  	[tilespmem:s13], [sflag:$0x1] =	stream.indirect.gather [hbm4b:s1+s12], $0x80, s30, s12, $0xb8;
	[tilespmem:$0x1CC00] =	vst v63  }
0x126: {  	_ =	swait.ge [sflag:s16], $0x4000  }
0x127: {  	[sflag:s16] =	ssyncset.done $0x0  }
0x128: {  	[sflag:s16] =	ssyncadd.s32 $0xFFFFC000  }
0x129: {  	[spmem:s3] =	stream.indirect.scatter.add.f32 [tilespmem:s14], [sflag:$0x3], $0x80, s31, s12, $0xb8;
	[tilespmem:$0x1CC00] =	vst v63  }
0x12a: {  	_ =	swait.ge [sflag:s10], $0x4000  }
0x12b: {  	[sflag:s10] =	ssyncset.done $0x0  }
0x12c: {  	[sflag:s10] =	ssyncadd.s32 $0xFFFFC000  }
0x12d: {  	[tilespmem:s14], [sflag:$0x2] =	stream.indirect.gather [hbm4b:s1+s12], $0x80, s2, s12, $0xb8;
	[tilespmem:$0x1CC00] =	vst v63  }
0x12e: {  	_ =	swait.ge [sflag:s15], $0x4000  }
0x12f: {  	[sflag:s15] =	ssyncset.done $0x0  }
0x130: {  	[sflag:s15] =	ssyncadd.s32 $0xFFFFC000  }
0x131: {  	[spmem:s3] =	stream.indirect.scatter.add.f32 [tilespmem:s13], [sflag:$0x3], $0x80, s0, s12, $0xb8;
	[tilespmem:$0x1CC00] =	vst v63  }
0x132: {  	_ =	swait.ge [sflag:s10], $0x4000  }
0x133: {  	[sflag:s10] =	ssyncset.done $0x0  }
0x134: {  	[sflag:s10] =	ssyncadd.s32 $0xFFFFC000  }
0x135: {  	p0 =	sne.s32 s6, $0x400;
	_ =	swait.ge [sflag:s16], $0x4000  }
.Ltmp0:
0x136: {  	[sflag:s16] =	ssyncset.done $0x0;
	(pc) =	sbr.rel @p0 .LBB2_2-.Ltmp0, $4  }
0x137: {  	[sflag:s16] =	ssyncadd.s32 $0xFFFFC000  }
0x138: {  	[spmem:s3] =	stream.indirect.scatter.add.f32 [tilespmem:s14], [sflag:$0x3], $0x80, s5, s12, $0xb8;
	[tilespmem:$0x1CC00] =	vst v63  }
0x139: {  	s7 =	smov.u32 s6;
	s6 =	sadd.s32 $0x100, s6;
	_ =	swait.ge [sflag:s10], $0x4000  }
0x13a: {  	s8 =	smov.u32 s7;
	s9 =	rddreg [dreg:$0x6];
	[sflag:s10] =	ssyncset.done $0x0  }
0x13b: {  	[sflag:s10] =	ssyncadd.s32 $0xFFFFC000;
	s6 =	sadd.s32 s8, s9  }
0x13c: {  	[tilespmem:s4], [sflag:$0x3] =	stream.linear.gather [hbm4b:s6+s4], $0x800, $0x38;
	[tilespmem:$0x1CC00] =	vst v63  }
0x13d: {  	_ =	swait.ge [sflag:s10], $0x800  }
0x13e: {  	s7 =	rddreg [dreg:$0x5];
	[sflag:s10] =	ssyncset.done $0x0  }
0x13f: {  	s6 =	sadd.s32 s8, s7;
	[sflag:s10] =	ssyncadd.s32 $0xFFFFF800  }
0x140: {  	[tilespmem:s11], [sflag:$0x3] =	stream.linear.gather [hbm4b:s6+s4], $0x800, $0x38;
	[tilespmem:$0x1CC00] =	vst v63  }
0x141: {  	_ =	swait.ge [sflag:s10], $0x800  }
0x142: {  	[sflag:s10] =	ssyncset.done $0x0  }
0x143: {  	[sflag:s10] =	ssyncadd.s32 $0xFFFFF800  }
0x144: {  	[tilespmem:s13], [sflag:$0x1] =	stream.indirect.gather [hbm4b:s1+s12], $0x80, s4, s12, $0xb8;
	[tilespmem:$0x1CC00] =	vst v63  }
0x145: {  	_ = 	snop  }
0x146: {  	[tilespmem:s14], [sflag:$0x2] =	stream.indirect.gather [hbm4b:s1+s12], $0x80, s12, s12, $0xb8;
	[tilespmem:$0x1CC00] =	vst v63  }
0x147: {  	_ =	swait.ge [sflag:s15], $0x4000  }
0x148: {  	[sflag:s15] =	ssyncset.done $0x0  }
0x149: {  	[sflag:s15] =	ssyncadd.s32 $0xFFFFC000  }
0x14a: {  	[spmem:s3] =	stream.indirect.scatter.add.f32 [tilespmem:s13], [sflag:$0x3], $0x80, s11, s12, $0xb8;
	[tilespmem:$0x1CC00] =	vst v63  }
0x14b: {  	_ =	swait.ge [sflag:s10], $0x4000  }
0x14c: {  	[sflag:s10] =	ssyncset.done $0x0  }
0x14d: {  	s9 =	rddreg [dreg:$0x7];
	[sflag:s10] =	ssyncadd.s32 $0xFFFFC000  }
0x14e: {  	[tilespmem:s13], [sflag:$0x1] =	stream.indirect.gather [hbm4b:s1+s12], $0x80, s9, s12, $0xb8;
	[tilespmem:$0x1CC00] =	vst v63  }
0x14f: {  	_ =	swait.ge [sflag:s16], $0x4000  }
0x150: {  	[sflag:s16] =	ssyncset.done $0x0  }
0x151: {  	s7 =	rddreg [dreg:$0x8];
	[sflag:s16] =	ssyncadd.s32 $0xFFFFC000  }
0x152: {  	[spmem:s3] =	stream.indirect.scatter.add.f32 [tilespmem:s14], [sflag:$0x3], $0x80, s7, s12, $0xb8;
	[tilespmem:$0x1CC00] =	vst v63  }
0x153: {  	_ =	swait.ge [sflag:s10], $0x4000  }
0x154: {  	[sflag:s10] =	ssyncset.done $0x0  }
0x155: {  	s8 =	rddreg [dreg:$0x9];
	[sflag:s10] =	ssyncadd.s32 $0xFFFFC000  }
0x156: {  	[tilespmem:s14], [sflag:$0x2] =	stream.indirect.gather [hbm4b:s1+s12], $0x80, s8, s12, $0xb8;
	[tilespmem:$0x1CC00] =	vst v63  }
0x157: {  	_ =	swait.ge [sflag:s15], $0x4000  }
0x158: {  	[sflag:s15] =	ssyncset.done $0x0  }
0x159: {  	s9 =	rddreg [dreg:$0xa];
	[sflag:s15] =	ssyncadd.s32 $0xFFFFC000  }
0x15a: {  	[spmem:s3] =	stream.indirect.scatter.add.f32 [tilespmem:s13], [sflag:$0x3], $0x80, s9, s12, $0xb8;
	[tilespmem:$0x1CC00] =	vst v63  }
0x15b: {  	_ =	swait.ge [sflag:s10], $0x4000  }
0x15c: {  	[sflag:s10] =	ssyncset.done $0x0  }
0x15d: {  	s7 =	rddreg [dreg:$0xb];
	[sflag:s10] =	ssyncadd.s32 $0xFFFFC000  }
0x15e: {  	[tilespmem:s13], [sflag:$0x1] =	stream.indirect.gather [hbm4b:s1+s12], $0x80, s7, s12, $0xb8;
	[tilespmem:$0x1CC00] =	vst v63  }
0x15f: {  	_ =	swait.ge [sflag:s16], $0x4000  }
0x160: {  	[sflag:s16] =	ssyncset.done $0x0  }
0x161: {  	s8 =	rddreg [dreg:$0xc];
	[sflag:s16] =	ssyncadd.s32 $0xFFFFC000  }
0x162: {  	[spmem:s3] =	stream.indirect.scatter.add.f32 [tilespmem:s14], [sflag:$0x3], $0x80, s8, s12, $0xb8;
	[tilespmem:$0x1CC00] =	vst v63  }
0x163: {  	_ =	swait.ge [sflag:s10], $0x4000  }
0x164: {  	[sflag:s10] =	ssyncset.done $0x0  }
0x165: {  	s9 =	rddreg [dreg:$0xd];
	[sflag:s10] =	ssyncadd.s32 $0xFFFFC000  }
0x166: {  	[tilespmem:s14], [sflag:$0x2] =	stream.indirect.gather [hbm4b:s1+s12], $0x80, s9, s12, $0xb8;
	[tilespmem:$0x1CC00] =	vst v63  }
0x167: {  	_ =	swait.ge [sflag:s15], $0x4000  }
0x168: {  	[sflag:s15] =	ssyncset.done $0x0  }
0x169: {  	s7 =	rddreg [dreg:$0xe];
	[sflag:s15] =	ssyncadd.s32 $0xFFFFC000  }
0x16a: {  	[spmem:s3] =	stream.indirect.scatter.add.f32 [tilespmem:s13], [sflag:$0x3], $0x80, s7, s12, $0xb8;
	[tilespmem:$0x1CC00] =	vst v63  }
0x16b: {  	_ =	swait.ge [sflag:s10], $0x4000  }
0x16c: {  	[sflag:s10] =	ssyncset.done $0x0  }
0x16d: {  	s8 =	rddreg [dreg:$0xf];
	[sflag:s10] =	ssyncadd.s32 $0xFFFFC000  }
0x16e: {  	[tilespmem:s13], [sflag:$0x1] =	stream.indirect.gather [hbm4b:s1+s12], $0x80, s8, s12, $0xb8;
	[tilespmem:$0x1CC00] =	vst v63  }
0x16f: {  	_ =	swait.ge [sflag:s16], $0x4000  }
0x170: {  	[sflag:s16] =	ssyncset.done $0x0  }
0x171: {  	s9 =	rddreg [dreg:$0x10];
	[sflag:s16] =	ssyncadd.s32 $0xFFFFC000  }
0x172: {  	[spmem:s3] =	stream.indirect.scatter.add.f32 [tilespmem:s14], [sflag:$0x3], $0x80, s9, s12, $0xb8;
	[tilespmem:$0x1CC00] =	vst v63  }
0x173: {  	_ =	swait.ge [sflag:s10], $0x4000  }
0x174: {  	[sflag:s10] =	ssyncset.done $0x0  }
0x175: {  	s7 =	rddreg [dreg:$0x11];
	[sflag:s10] =	ssyncadd.s32 $0xFFFFC000  }
0x176: {  	[tilespmem:s14], [sflag:$0x2] =	stream.indirect.gather [hbm4b:s1+s12], $0x80, s7, s12, $0xb8;
	[tilespmem:$0x1CC00] =	vst v63  }
0x177: {  	_ =	swait.ge [sflag:s15], $0x4000  }
0x178: {  	[sflag:s15] =	ssyncset.done $0x0  }
0x179: {  	s8 =	rddreg [dreg:$0x12];
	[sflag:s15] =	ssyncadd.s32 $0xFFFFC000  }
0x17a: {  	[spmem:s3] =	stream.indirect.scatter.add.f32 [tilespmem:s13], [sflag:$0x3], $0x80, s8, s12, $0xb8;
	[tilespmem:$0x1CC00] =	vst v63  }
0x17b: {  	_ =	swait.ge [sflag:s10], $0x4000  }
0x17c: {  	[sflag:s10] =	ssyncset.done $0x0  }
0x17d: {  	[sflag:s10] =	ssyncadd.s32 $0xFFFFC000  }
0x17e: {  	[tilespmem:s13], [sflag:$0x1] =	stream.indirect.gather [hbm4b:s1+s12], $0x80, s17, s12, $0xb8;
	[tilespmem:$0x1CC00] =	vst v63  }
0x17f: {  	_ =	swait.ge [sflag:s16], $0x4000  }
0x180: {  	[sflag:s16] =	ssyncset.done $0x0  }
0x181: {  	[sflag:s16] =	ssyncadd.s32 $0xFFFFC000  }
0x182: {  	[spmem:s3] =	stream.indirect.scatter.add.f32 [tilespmem:s14], [sflag:$0x3], $0x80, s18, s12, $0xb8;
	[tilespmem:$0x1CC00] =	vst v63  }
0x183: {  	_ =	swait.ge [sflag:s10], $0x4000  }
0x184: {  	[sflag:s10] =	ssyncset.done $0x0  }
0x185: {  	[sflag:s10] =	ssyncadd.s32 $0xFFFFC000  }
0x186: {  	[tilespmem:s14], [sflag:$0x2] =	stream.indirect.gather [hbm4b:s1+s12], $0x80, s19, s12, $0xb8;
	[tilespmem:$0x1CC00] =	vst v63  }
0x187: {  	_ =	swait.ge [sflag:s15], $0x4000  }
0x188: {  	[sflag:s15] =	ssyncset.done $0x0  }
0x189: {  	[sflag:s15] =	ssyncadd.s32 $0xFFFFC000  }
0x18a: {  	[spmem:s3] =	stream.indirect.scatter.add.f32 [tilespmem:s13], [sflag:$0x3], $0x80, s20, s12, $0xb8;
	[tilespmem:$0x1CC00] =	vst v63  }
0x18b: {  	_ =	swait.ge [sflag:s10], $0x4000  }
0x18c: {  	[sflag:s10] =	ssyncset.done $0x0  }
0x18d: {  	[sflag:s10] =	ssyncadd.s32 $0xFFFFC000  }
0x18e: {  	[tilespmem:s13], [sflag:$0x1] =	stream.indirect.gather [hbm4b:s1+s12], $0x80, s21, s12, $0xb8;
	[tilespmem:$0x1CC00] =	vst v63  }
0x18f: {  	_ =	swait.ge [sflag:s16], $0x4000  }
0x190: {  	[sflag:s16] =	ssyncset.done $0x0  }
0x191: {  	[sflag:s16] =	ssyncadd.s32 $0xFFFFC000  }
0x192: {  	[spmem:s3] =	stream.indirect.scatter.add.f32 [tilespmem:s14], [sflag:$0x3], $0x80, s22, s12, $0xb8;
	[tilespmem:$0x1CC00] =	vst v63  }
0x193: {  	_ =	swait.ge [sflag:s10], $0x4000  }
0x194: {  	[sflag:s10] =	ssyncset.done $0x0  }
0x195: {  	[sflag:s10] =	ssyncadd.s32 $0xFFFFC000  }
0x196: {  	[tilespmem:s14], [sflag:$0x2] =	stream.indirect.gather [hbm4b:s1+s12], $0x80, s23, s12, $0xb8;
	[tilespmem:$0x1CC00] =	vst v63  }
0x197: {  	_ =	swait.ge [sflag:s15], $0x4000  }
0x198: {  	[sflag:s15] =	ssyncset.done $0x0  }
0x199: {  	[sflag:s15] =	ssyncadd.s32 $0xFFFFC000  }
0x19a: {  	[spmem:s3] =	stream.indirect.scatter.add.f32 [tilespmem:s13], [sflag:$0x3], $0x80, s24, s12, $0xb8;
	[tilespmem:$0x1CC00] =	vst v63  }
0x19b: {  	_ =	swait.ge [sflag:s10], $0x4000  }
0x19c: {  	[sflag:s10] =	ssyncset.done $0x0  }
0x19d: {  	[sflag:s10] =	ssyncadd.s32 $0xFFFFC000  }
0x19e: {  	[tilespmem:s13], [sflag:$0x1] =	stream.indirect.gather [hbm4b:s1+s12], $0x80, s25, s12, $0xb8;
	[tilespmem:$0x1CC00] =	vst v63  }
0x19f: {  	_ =	swait.ge [sflag:s16], $0x4000  }
0x1a0: {  	[sflag:s16] =	ssyncset.done $0x0  }
0x1a1: {  	[sflag:s16] =	ssyncadd.s32 $0xFFFFC000  }
0x1a2: {  	[spmem:s3] =	stream.indirect.scatter.add.f32 [tilespmem:s14], [sflag:$0x3], $0x80, s26, s12, $0xb8;
	[tilespmem:$0x1CC00] =	vst v63  }
0x1a3: {  	_ =	swait.ge [sflag:s10], $0x4000  }
0x1a4: {  	[sflag:s10] =	ssyncset.done $0x0  }
0x1a5: {  	[sflag:s10] =	ssyncadd.s32 $0xFFFFC000  }
0x1a6: {  	[tilespmem:s14], [sflag:$0x2] =	stream.indirect.gather [hbm4b:s1+s12], $0x80, s28, s12, $0xb8;
	[tilespmem:$0x1CC00] =	vst v63  }
0x1a7: {  	_ =	swait.ge [sflag:s15], $0x4000  }
0x1a8: {  	[sflag:s15] =	ssyncset.done $0x0  }
0x1a9: {  	[sflag:s15] =	ssyncadd.s32 $0xFFFFC000  }
0x1aa: {  	[spmem:s3] =	stream.indirect.scatter.add.f32 [tilespmem:s13], [sflag:$0x3], $0x80, s29, s12, $0xb8;
	[tilespmem:$0x1CC00] =	vst v63  }
0x1ab: {  	_ =	swait.ge [sflag:s10], $0x4000  }
0x1ac: {  	[sflag:s10] =	ssyncset.done $0x0  }
0x1ad: {  	[sflag:s10] =	ssyncadd.s32 $0xFFFFC000  }
0x1ae: {  	[tilespmem:s13], [sflag:$0x1] =	stream.indirect.gather [hbm4b:s1+s12], $0x80, s30, s12, $0xb8;
	[tilespmem:$0x1CC00] =	vst v63  }
0x1af: {  	_ =	swait.ge [sflag:s16], $0x4000  }
0x1b0: {  	[sflag:s16] =	ssyncset.done $0x0  }
0x1b1: {  	[sflag:s16] =	ssyncadd.s32 $0xFFFFC000  }
0x1b2: {  	[spmem:s3] =	stream.indirect.scatter.add.f32 [tilespmem:s14], [sflag:$0x3], $0x80, s31, s12, $0xb8;
	[tilespmem:$0x1CC00] =	vst v63  }
0x1b3: {  	_ =	swait.ge [sflag:s10], $0x4000  }
0x1b4: {  	[sflag:s10] =	ssyncset.done $0x0  }
0x1b5: {  	[sflag:s10] =	ssyncadd.s32 $0xFFFFC000  }
0x1b6: {  	[tilespmem:s14], [sflag:$0x2] =	stream.indirect.gather [hbm4b:s1+s12], $0x80, s2, s12, $0xb8;
	[tilespmem:$0x1CC00] =	vst v63  }
0x1b7: {  	_ =	swait.ge [sflag:s15], $0x4000  }
0x1b8: {  	[sflag:s15] =	ssyncset.done $0x0  }
0x1b9: {  	[sflag:s15] =	ssyncadd.s32 $0xFFFFC000  }
0x1ba: {  	[spmem:s3] =	stream.indirect.scatter.add.f32 [tilespmem:s13], [sflag:$0x3], $0x80, s0, s12, $0xb8;
	[tilespmem:$0x1CC00] =	vst v63  }
0x1bb: {  	_ =	swait.ge [sflag:s10], $0x4000  }
0x1bc: {  	[sflag:s10] =	ssyncset.done $0x0  }
0x1bd: {  	[sflag:s10] =	ssyncadd.s32 $0xFFFFC000  }
0x1be: {  	_ =	swait.ge [sflag:s16], $0x4000  }
0x1bf: {  	[sflag:s16] =	ssyncset.done $0x0  }
0x1c0: {  	[sflag:s16] =	ssyncadd.s32 $0xFFFFC000  }
0x1c1: {  	[spmem:s3] =	stream.indirect.scatter.add.f32 [tilespmem:s14], [sflag:$0x3], $0x80, s5, s12, $0xb8;
	[tilespmem:$0x1CC00] =	vst v63  }
0x1c2: {  	_ =	swait.ge [sflag:s10], $0x4000  }
0x1c3: {  	[sflag:s10] =	ssyncset.done $0x0  }
0x1c4: {  	[sflag:s10] =	ssyncadd.s32 $0xFFFFC000  }
0x1c5: {  	[bflag:$0x0] =	sbarrier.arrive $0xFFFF  }
0x1c6: {  	s7 =	rddreg [dreg:$0x14]  }
0x1c7: {  	s9 =	rddreg [dreg:$0x15]  }
0x1c8: {  	s8 =	rddreg [dreg:$0x17]  }
0x1c9: {  	[hbm:s9], [sflag:s7] =	dma.local [spmem:s8], $0x2780  }
0x1ca: {  	_ =	swait.ge [sflag:s10], $0x2780  }
0x1cb: {  	s6 =	rddreg [dreg:$0x18]  }
0x1cc: {  	s9 =	sadd.s32 $0x1, s6;
	s6 =	rddreg [dreg:$0x16]  }
0x1cd: {  	p0 =	sne.s32 s9, s6  }
.Ltmp1:
0x1ce: {  	_ = 	snop;
	(pc) =	sbr.rel @p0 .LBB2_1-.Ltmp1, $3  }
0x1cf: {  	_ =	sdelay $0x1  }
0x1d0: {  	[sflag:s10] =	ssyncset.done $0x0  }
0x1d1: {  	[sflag:s10] =	ssyncadd.s32 $0xFFFFD880  }
0x1d2: {  	_ =	sfence.sel $0x180000  }
0x1d3: {  	[bflag:$0x0] =	sbarrier.arrive $0xFFFF  }
0x1d4: {  	_ =	strace $0x90000047  }
0x1d5: {  	s0 =	stileid.u32;
	[bflag:$0x2] =	sbarrier.arrive $0xFFFF  }
0x1d6: {  	p0 =	sne.s32 s0, $0x0;
	s0 =	rddreg [dreg:$0x4]  }
0x1d7: {  	s0 =	sadd.s32 @!p0 $0x100000, s0  }
0x1d8: {  	[sflag:s0] =	ssyncadd.tile.s32 @!p0 $0x1;
	_ =	shalt  }
.Lfunc_end2:
_tile_overlayer_lowered:
.L_overlay_start_2:
0x1d9: {  	(tag) =	ssettag $0x2  }
0x1da: {  	s0 =	rddreg [dreg:$0x0];
	s2 =	stileid.u32  }
0x1db: {  	s1 =	rddreg [dreg:$0x1];
	p0 =	sne.s32 s2, $0x0  }
0x1dc: {  	s3 =	rddreg [dreg:$0x2];
	[bflag:$0x3] =	sbarrier.arrive $0xFFFF;
	s2 =	simm.s32 @!p0 $0x1C03  }
0x1dd: {  	[timem:s3], [sflag:s2] =	dma.local @!p0 [hbm:s0], s1  }
0x1de: {  	s0 =	simm.s32 @!p0 $0x3  }
0x1df: {  	_ =	swait.ge @!p0 [sflag:s0], s1  }
0x1e0: {  	s1 =	ssub.s32 @!p0 $0x0, s1;
	[sflag:s0] =	ssyncset.done @!p0 $0x0  }
0x1e1: {  	[sflag:s0] =	ssyncadd.s32 @!p0 s1  }
0x1e2: {  	[bflag:$0x3] =	sbarrier.arrive $0xFFFF  }
0x1e3: {  	_ =	shalt  }

// kernel: kernel.14.cloned.1.call-start
scs
__scs_entry_jumppad:
0x0: {  	(pc) =	sbr.rel $0x88, $3  }
0x1: {  	(tag) =	ssettag $0x0;
	lr =	simm.s32 $0x1  }
0x2: {  	[smem:$0x3F8C] =	sst lr;
	_ =	strace $0xD0000000  }
0x3: {  	_ = 	snop  }
0x4: {  	_ = 	snop  }
0x5: {  	_ = 	snop  }
0x6: {  	_ = 	snop  }
0x7: {  	_ = 	snop  }
__scs_overlays_trampoline_lowered:
0x8: {  	[smem:$0x3F9B] =	sst s0  }
0x9: {  	[smem:$0x3F9C] =	sst s1  }
0xa: {  	[smem:$0x3F9D] =	sst s2  }
0xb: {  	[smem:$0x3F9E] =	sst s3  }
0xc: {  	[smem:$0x3F9F] =	sst s4  }
0xd: {  	[smem:$0x3FA0] =	sst s5  }
0xe: {  	[smem:$0x3FA1] =	sst s6  }
0xf: {  	[smem:$0x3FA2] =	sst s7  }
0x10: {  	[smem:$0x3FA3] =	sst s8  }
0x11: {  	[smem:$0x3FA4] =	sst s9;
	s0 =	simm.s32 @!p0 $0x0  }
0x12: {  	s1 =	sld [smem:$0x3F8A];
	s0 =	simm.s32 @p0 $0x1  }
0x13: {  	[smem:$0x3FA5] =	sst s0;
	s0 =	simm.s32 @!p1 $0x0  }
0x14: {  	s2 =	sld [smem:$0x3F89];
	s0 =	simm.s32 @p1 $0x1  }
0x15: {  	[smem:$0x3FA6] =	sst s0;
	s0 =	simm.s32 @!p2 $0x0  }
0x16: {  	s3 =	sld [smem:$0x3FDB];
	s0 =	simm.s32 @p2 $0x1  }
0x17: {  	s4 =	simm.s32 $0x1BF5;
	[smem:$0x3FA8] =	sst s0  }
0x18: {  	s0 =	sld [smem:$0x3F8B];
	_ =	swait.ge [sflag:s4], $0x0  }
0x19: {  	s7 =	sld [smem:$0x3F8C]  }
0x1a: {  	s8 =	sadd.s32 $0xFFFFE003, lr  }
0x1b: {  	s9 =	sadd.s32 $0xFFFFFEF7, lr;
	s5 =	simm.s32 $0xFFFFFFFF;
	p2 =	slt.u32 s8, $0xFFFFF086  }
0x1c: {  	p1 =	slt.u32 s9, $0xF7A;
	s5 =	simm.s32 @!p2 $0x0  }
0x1d: {  	s5 =	simm.s32 @p1 $0x1;
	p0 =	seq.s32 s7, s2  }
0x1e: {  	s7 =	smul.u32 @!p0 $0xF7A, s2;
	p2 =	seq.s32 @!p0 s5, $0x0  }
0x1f: {  	s9 =	smul.u32 $0xF7A, s1;
	s8 =	simm.s32 @!p0 $0x1BF5;
	p2 =	por !p2, p0  }
0x20: {  	[sflag:s8] =	ssyncset.s32 @!p0 $0xFFFFF086;
	s6 =	sadd.s32 @!p0 s3, s7;
	s7 =	simm.s32 @!p0 $0x108  }
0x21: {  	s3 =	sadd.s32 s3, s9;
	s6 =	sadd.s32 @!p0 $0x88, s6;
	s7 =	simm.s32 @p2 $0x1082  }
0x22: {  	[simem:s7], [sflag:s8] =	dma.local @!p0 [hbm:s6], $0xF7A  }
0x23: {  	s9 =	sor.u32 $0xD0000000, s2;
	s6 =	simm.s32 $0x108;
	_ =	swait.ge @!p0 [sflag:s8], $0x0  }
0x24: {  	s3 =	sadd.s32 $0x88, s3;
	s6 =	simm.s32 @!p1 $0x1082;
	[sflag:s4] =	ssyncset.s32 $0xFFFFF086  }
0x25: {  	[simem:s6], [sflag:s4] =	dma.local [hbm:s3], $0xF7A  }
0x26: {  	[smem:$0x3F8C] =	sst s1;
	(tag) =	ssettag s2;
	_ =	strace s9  }
0x27: {  	s1 =	sld [smem:$0x3F9C]  }
0x28: {  	s2 =	sld [smem:$0x3F9D]  }
0x29: {  	s4 =	sld [smem:$0x3F9F]  }
0x2a: {  	p0 =	seq.s32 s5, $0x0;
	s5 =	sld [smem:$0x3FA0]  }
0x2b: {  	s6 =	sld [smem:$0x3FA1]  }
0x2c: {  	s7 =	sld [smem:$0x3FA2]  }
0x2d: {  	s3 =	simm.s32 $0x108;
	s8 =	sld [smem:$0x3FA3]  }
0x2e: {  	s3 =	simm.s32 @!p0 $0x1082;
	s9 =	sld [smem:$0x3FA4]  }
0x2f: {  	lr =	sadd.s32 s0, s3;
	s0 =	sld [smem:$0x3F9B]  }
0x30: {  	s3 =	sld [smem:$0x3F9E]  }
0x31: {  	[smem:$0x3FA7] =	sst s10  }
0x32: {  	s10 =	sld [smem:$0x3FA5];
	_ =	sdelay $0x3  }
0x33: {  	p0 =	seq.s32 s10, $0x1;
	s10 =	sld [smem:$0x3FA7];
	_ =	sdelay $0x3  }
0x34: {  	[smem:$0x3FA7] =	sst s10  }
0x35: {  	s10 =	sld [smem:$0x3FA6];
	_ =	sdelay $0x3  }
0x36: {  	p1 =	seq.s32 s10, $0x1;
	s10 =	sld [smem:$0x3FA7];
	_ =	sdelay $0x3  }
0x37: {  	[smem:$0x3FA7] =	sst s10  }
0x38: {  	s10 =	sld [smem:$0x3FA8]  }
0x39: {  	_ = 	snop;
	(pc) =	sbr.ind lr, $3  }
0x3a: {  	_ = 	snop  }
0x3b: {  	_ = 	snop  }
0x3c: {  	p2 =	seq.s32 s10, $0x1;
	s10 =	sld [smem:$0x3FA7]  }
0x3d: {  	_ =	shalt  }
0x3e: {  	_ =	shalt  }
0x3f: {  	_ =	shalt  }
0x40: {  	_ =	shalt  }
0x41: {  	_ =	shalt  }
0x42: {  	_ =	shalt  }
0x43: {  	_ =	shalt  }
0x44: {  	_ =	shalt  }
0x45: {  	_ =	shalt  }
0x46: {  	_ =	shalt  }
0x47: {  	_ =	shalt  }
0x48: {  	_ =	shalt  }
0x49: {  	_ =	shalt  }
0x4a: {  	_ =	shalt  }
0x4b: {  	_ =	shalt  }
0x4c: {  	_ =	shalt  }
0x4d: {  	_ =	shalt  }
0x4e: {  	_ =	shalt  }
0x4f: {  	_ =	shalt  }
0x50: {  	_ =	shalt  }
0x51: {  	_ =	shalt  }
0x52: {  	_ =	shalt  }
0x53: {  	_ =	shalt  }
0x54: {  	_ =	shalt  }
0x55: {  	_ =	shalt  }
0x56: {  	_ =	shalt  }
0x57: {  	_ =	shalt  }
0x58: {  	_ =	shalt  }
0x59: {  	_ =	shalt  }
0x5a: {  	_ =	shalt  }
0x5b: {  	_ =	shalt  }
0x5c: {  	_ =	shalt  }
0x5d: {  	_ =	shalt  }
0x5e: {  	_ =	shalt  }
0x5f: {  	_ =	shalt  }
0x60: {  	_ =	shalt  }
0x61: {  	_ =	shalt  }
0x62: {  	_ =	shalt  }
0x63: {  	_ =	shalt  }
0x64: {  	_ =	shalt  }
0x65: {  	_ =	shalt  }
0x66: {  	_ =	shalt  }
0x67: {  	_ =	shalt  }
0x68: {  	_ =	shalt  }
0x69: {  	_ =	shalt  }
0x6a: {  	_ =	shalt  }
0x6b: {  	_ =	shalt  }
0x6c: {  	_ =	shalt  }
0x6d: {  	_ =	shalt  }
0x6e: {  	_ =	shalt  }
0x6f: {  	_ =	shalt  }
0x70: {  	_ =	shalt  }
0x71: {  	_ =	shalt  }
0x72: {  	_ =	shalt  }
0x73: {  	_ =	shalt  }
0x74: {  	_ =	shalt  }
0x75: {  	_ =	shalt  }
0x76: {  	_ =	shalt  }
0x77: {  	_ =	shalt  }
0x78: {  	_ =	shalt  }
0x79: {  	_ =	shalt  }
0x7a: {  	_ =	shalt  }
0x7b: {  	_ =	shalt  }
0x7c: {  	_ =	shalt  }
0x7d: {  	_ =	shalt  }
0x7e: {  	_ =	shalt  }
0x7f: {  	_ =	shalt  }
0x80: {  	_ =	shalt  }
0x81: {  	_ =	shalt  }
0x82: {  	_ =	shalt  }
0x83: {  	_ =	shalt  }
0x84: {  	_ =	shalt  }
0x85: {  	_ =	shalt  }
0x86: {  	_ =	shalt  }
0x87: {  	_ =	shalt  }
.Lfunc_end0:
.L_simem_size_0:
called_computation.2_lowered:
.L_overlay_start_0:
0x88: {  	s2 =	sld [smem:$0x3FD9]  }
0x89: {  	s3 =	sld [smem:$0x3FFE];
	_ =	sdelay $0x1  }
0x8a: {  	s1 =	srdreg.scid  }
0x8b: {  	s0 =	sand.u32 $0x1, s1  }
0x8c: {  	s14 =	sshll.u32 s0, $0xA;
	s2 =	sadd.s32 s3, s2  }
0x8d: {  	s2 =	sadd.s32 s2, s14  }
0x8e: {  	[smem:$0x3FB3] =	sst s2  }
0x8f: {  	_ = 	snop  }
0x90: {  	s2 =	sld [smem:$0x3FD0];
	_ =	sdelay $0x2  }
0x91: {  	s15 =	simm.s32 $0xB;
	s4 =	simm.s32 $0x10  }
0x92: {  	[smem:s4], [sflag:s15] =	dma.local [hbm:s2], $0x1  }
0x93: {  	_ =	swait.eq [sflag:s15], $0x1  }
0x94: {  	[sflag:s15] =	ssyncset.done $0x0  }
0x95: {  	s16 =	sld [smem:$0x10];
	[sflag:s15] =	ssyncadd.s32 $0xFFFFFFFF  }
0x96: {  	s17 =	sld [smem:$0x11];
	(tm) =	ssettm $0x1  }
0x97: {  	s18 =	sld [smem:$0x3FFB];
	_ =	sdelay $0x3  }
0x98: {  	_ =	strace s18  }
0x99: {  	s4 =	sld [smem:$0x3FFC];
	_ =	sdelay $0x3  }
0x9a: {  	_ =	strace s4  }
0x9b: {  	s4 =	sld [smem:$0x3FFD];
	_ =	sdelay $0x3  }
0x9c: {  	_ =	strace s4  }
0x9d: {  	_ =	strace $0x8FFFFFFF  }
0x9e: {  	s19 =	sld [smem:$0x3FDB];
	_ =	sdelay $0x1  }
0x9f: {  	s5 =	simm.s32 $_scs_section_size  }
0xa0: {  	s6 =	simm.s32 $_size__tile_overlayer_lowered;
	s7 =	simm.s32 $_tile_overlayer_lowered  }
0xa1: {  	s22 =	simm.s32 $0x1BFF;
	s21 =	sshll.u32 s7, $0x1;
	s4 =	sadd.s32 s5, s19  }
0xa2: {  	s8 =	simm.s32 $0x0;
	s20 =	sshll.u32 s6, $0x1;
	s6 =	sadd.s32 s21, s4  }
0xa3: {  	[timem:s8], [sflag:s22] =	dma.local [hbm:s6], s20  }
0xa4: {  	_ =	swait.ge [sflag:s22], s20  }
0xa5: {  	s5 =	ssub.s32 $0x0, s20;
	[sflag:s22] =	ssyncset.done $0x0  }
0xa6: {  	[sflag:s22] =	ssyncadd.s32 s5;
	_ =	sdelay $0x1  }
0xa7: {  	s23 =	simm.s32 $0x1B8B  }
0xa8: {  	_ =	swait.ge [sflag:s23], $0x1  }
0xa9: {  	[sflag:s23] =	ssyncset.done $0x0  }
0xaa: {  	s25 =	simm.s32 $0x1B8E;
	s24 =	sld [smem:$0x3FFE];
	[sflag:s23] =	ssyncadd.s32 $0xFFFFFFFF  }
0xab: {  	s26 =	simm.s32 $execute0_lowered;
	[smem:$0x3FD2] =	sst s25  }
0xac: {  	s6 =	sshll.u32 s26, $0x1;
	_ =	strace $0x8000004C;
	[dreg:$0x1] =	wrdreg $0xFFFFFFFF  }
0xad: {  	s28 =	simm.s32 $_size_execute0_lowered;
	s4 =	sadd.s32 s4, s6;
	[dreg:$0x0] =	wrdreg $0x0  }
0xae: {  	s6 =	sshll.u32 s28, $0x1;
	[dreg:$0x2] =	wrdreg s4  }
0xaf: {  	[dreg:$0x3] =	wrdreg s6  }
0xb0: {  	[dreg:$0x4] =	wrdreg $0xC0  }
0xb1: {  	_ =	task [dreg:s8], $0x5FFFF  }
0xb2: {  	[dreg:$0x1] =	wrdreg $0xFFFFFFFF  }
0xb3: {  	[dreg:$0x0] =	wrdreg $0x60  }
0xb4: {  	[dreg:$0x2] =	wrdreg s17  }
0xb5: {  	[dreg:$0x3] =	wrdreg s16  }
0xb6: {  	[dreg:$0x4] =	wrdreg s24  }
0xb7: {  	[dreg:$0x5] =	wrdreg $0x90000  }
0xb8: {  	[dreg:$0x6] =	wrdreg $0x9  }
0xb9: {  	_ =	task.clear_ibuf [dreg:s8], $0x7FFFF;
	_ =	strace $0x9000004C  }
0xba: {  	s29 =	simm.s32 $0x9;
	_ =	strace $0x8000004E  }
0xbb: {  	_ =	swait.ge [sflag:s29], $0x1  }
0xbc: {  	[sflag:s29] =	ssyncadd.s32 $0xFFFFFFFF  }
0xbd: {  	_ =	strace $0x9000004E  }
0xbe: {  	_ =	sfence  }
0xbf: {  	s30 =	sld [smem:$0x0];
	_ =	sdelay $0x2  }
0xc0: {  	s31 =	sshll.u32 s1, $0xD;
	s1 =	sshrl.u32 s1, $0x2  }
0xc1: {  	s3 =	sand.u32 $0x4000, s31;
	s1 =	sadd.s32 s1, s30  }
0xc2: {  	s0 =	sor.u32 s3, s0;
	s1 =	sshll.u32 s1, $0x11  }
0xc3: {  	s0 =	sor.u32 s1, s0  }
0xc4: {  	s0 =	sadd.s32 $0x8F2B, s0  }
0xc5: {  	[sflag:s0] =	ssyncadd.remote.s32 $0x1  }
0xc6: {  	_ =	sfence.sel $0xFFFF  }
0xc7: {  	[dreg:$0x0] =	wrdreg $0xFFFFFFFF;
	(pc) =	sbr.abs _section_cstart, $3  }
0xc8: {  	[dreg:$0x1] =	wrdreg $0xFFFFFFFF  }
0xc9: {  	_ =	task.clear_ibuf [dreg:s8], $0x2FFFF;
	_ =	strace $0x9FFFFFFF  }
0xca: {  	(tm) =	ssettm $0x7FFFFFFF  }
0xcb: {  	_ =	shalt  }
tec
execute0_lowered:
.L_overlay_start_1:
0x0: {  	(tag) =	ssettag $0x1  }
0x1: {  	s1 =	rddreg [dreg:$0x0]  }
0x2: {  	s5 =	rddreg [dreg:$0x1]  }
0x3: {  	s0 =	srdreg.scid;
	s7 =	rddreg [dreg:$0x2]  }
0x4: {  	s10 =	stileid.u32;
	s3 =	rddreg [dreg:$0x3]  }
0x5: {  	s4 =	simm.s32 $0x0;
	s14 =	simm.s32 $0x100;
	s15 =	simm.s32 $0x880  }
0x6: {  	s17 =	simm.s32 $0x180;
	[smem:$0x7FF] =	sst s4;
	s26 =	sadd.s32 $0xFA00, s7  }
0x7: {  	s18 =	simm.s32 $0x900;
	_ =	strace $0x8000004D;
	[dreg:$0x13] =	wrdreg s26  }
0x8: {  	s19 =	simm.s32 $0x200;
	s20 =	simm.s32 $0x980;
	[dreg:$0x7] =	wrdreg s14  }
0x9: {  	s21 =	simm.s32 $0x280;
	s22 =	simm.s32 $0xA00;
	[dreg:$0x8] =	wrdreg s15  }
0xa: {  	s23 =	simm.s32 $0x300;
	s28 =	simm.s32 $0x680;
	[dreg:$0x9] =	wrdreg s17  }
0xb: {  	s29 =	simm.s32 $0xE00;
	s30 =	simm.s32 $0x700;
	[dreg:$0xa] =	wrdreg s18  }
0xc: {  	s31 =	simm.s32 $0xE80;
	s2 =	smul.u32 $0x5000, s10;
	[dreg:$0xb] =	wrdreg s19  }
0xd: {  	s0 =	sand.u32 $0x1, s0;
	s9 =	smul.u32 $0x13C00, s10;
	[dreg:$0xc] =	wrdreg s20  }
0xe: {  	s12 =	smul.u32 $0x4F000, s10;
	s16 =	sshll.u32 s10, $0x6;
	[dreg:$0xd] =	wrdreg s21  }
0xf: {  	s10 =	simm.s32 $0x3;
	s6 =	smul.u32 $0x2800, s0;
	[dreg:$0xe] =	wrdreg s22  }
0x10: {  	s8 =	smul.u32 $0x13C000, s0;
	s0 =	ssub.s32 $0x2, s0;
	[dreg:$0xf] =	wrdreg s23  }
0x11: {  	s14 =	simm.s32 $0x5000;
	s26 =	simm.s32 $0xB00;
	s15 =	simm.s32 $0x1  }
0x12: {  	s17 =	simm.s32 $0x400;
	s18 =	simm.s32 $0xB80;
	s19 =	simm.s32 $0x480  }
0x13: {  	s20 =	simm.s32 $0xC00;
	s21 =	simm.s32 $0x500;
	s22 =	simm.s32 $0xC80  }
0x14: {  	s23 =	simm.s32 $0x580;
	s11 =	sshrl.u32 s0, $0x1;
	s13 =	sshrl.u32 s12, $0x2  }
0x15: {  	s12 =	simm.s32 $0x80;
	[dreg:$0x12] =	wrdreg s26;
	s26 =	simm.s32 $0xD80  }
0x16: {  	s2 =	sadd.s32 s6, s2;
	s24 =	sadd.s32 s9, s8;
	s0 =	ssub.s32 s0, s11  }
0x17: {  	s11 =	simm.s32 $0x800;
	s9 =	simm.s32 $0x0;
	s2 =	sshrl.u32 s2, $0x3  }
0x18: {  	s6 =	sshrl.u32 s24, $0x3;
	s0 =	smax.u32 s0, $0x1;
	s24 =	simm.s32 $0xA80  }
0x19: {  	s25 =	sadd.s32 s2, s7;
	s6 =	sadd.s32 s6, s7;
	[dreg:$0x16] =	wrdreg s0  }
0x1a: {  	s2 =	sadd.s32 s2, s5;
	s5 =	sadd.s32 s13, s3;
	[dreg:$0x10] =	wrdreg s24  }
0x1b: {  	s7 =	sor.u32 $0x1C03, s16;
	s13 =	simm.s32 $0x1000;
	[dreg:$0x6] =	wrdreg s2  }
0x1c: {  	s16 =	simm.s32 $0x2;
	s8 =	sadd.s32 $0x5A00, s25;
	[dreg:$0x14] =	wrdreg s7  }
0x1d: {  	s24 =	simm.s32 $0xD00;
	s6 =	sadd.s32 $0x12200, s6;
	[dreg:$0x5] =	wrdreg s8  }
0x1e: {  	s0 =	simm.s32 $0xF00;
	s25 =	simm.s32 $0x380;
	[dreg:$0x15] =	wrdreg s6  }
0x1f: {  	s2 =	simm.s32 $0x780;
	s8 =	sshrl.u32 s5, $0x3;
	[dreg:$0x11] =	wrdreg s25  }
0x20: {  	s25 =	simm.s32 $0x600;
	s5 =	simm.s32 $0xF80;
	[dreg:$0x17] =	wrdreg s8  }
.LBB2_1:
0x21: {  	[dreg:$0x18] =	wrdreg s9  }
0x22: {  	s6 =	rddreg [dreg:$0x13]  }
0x23: {  	[spmem:s8], [sflag:s7] =	dma.local [hbm:s6], $0x2780  }
0x24: {  	_ =	swait.ge [sflag:s10], $0x2780  }
0x25: {  	[sflag:s10] =	ssyncset.done $0x0  }
0x26: {  	[sflag:s10] =	ssyncadd.s32 $0xFFFFD880  }
0x27: {  	[bflag:$0x0] =	sbarrier.arrive $0xFFFF  }
0x28: {  	s8 =	rddreg [dreg:$0x6]  }
0x29: {  	s6 =	sadd.s32 $0x0, s8  }
0x2a: {  	[tilespmem:s4], [sflag:$0x3] =	stream.linear.gather [hbm4b:s6+s4], $0x800, $0x38;
	[tilespmem:$0x1CC00] =	vst v63  }
0x2b: {  	_ =	swait.ge [sflag:s10], $0x800  }
0x2c: {  	s9 =	rddreg [dreg:$0x5];
	[sflag:s10] =	ssyncset.done $0x0  }
0x2d: {  	[sflag:s10] =	ssyncadd.s32 $0xFFFFF800;
	s6 =	sadd.s32 $0x0, s9  }
0x2e: {  	[tilespmem:s11], [sflag:$0x3] =	stream.linear.gather [hbm4b:s6+s4], $0x800, $0x38;
	[tilespmem:$0x1CC00] =	vst v63  }
0x2f: {  	_ =	swait.ge [sflag:s10], $0x800  }
0x30: {  	[sflag:s10] =	ssyncset.done $0x0  }
0x31: {  	[sflag:s10] =	ssyncadd.s32 $0xFFFFF800  }
0x32: {  	[tilespmem:s13], [sflag:$0x1] =	stream.indirect.gather [hbm4b:s1+s12], $0x80, s4, s12, $0xb8;
	[tilespmem:$0x1CC00] =	vst v63  }
0x33: {  	_ = 	snop  }
0x34: {  	[tilespmem:s14], [sflag:$0x2] =	stream.indirect.gather [hbm4b:s1+s12], $0x80, s12, s12, $0xb8;
	[tilespmem:$0x1CC00] =	vst v63  }
0x35: {  	_ =	swait.ge [sflag:s15], $0x4000  }
0x36: {  	[sflag:s15] =	ssyncset.done $0x0  }
0x37: {  	[sflag:s15] =	ssyncadd.s32 $0xFFFFC000  }
0x38: {  	[spmem:s3] =	stream.indirect.scatter.add.f32 [tilespmem:s13], [sflag:$0x3], $0x80, s11, s12, $0xb8;
	[tilespmem:$0x1CC00] =	vst v63  }
0x39: {  	_ =	swait.ge [sflag:s10], $0x4000  }
0x3a: {  	[sflag:s10] =	ssyncset.done $0x0  }
0x3b: {  	s7 =	rddreg [dreg:$0x7];
	[sflag:s10] =	ssyncadd.s32 $0xFFFFC000  }
0x3c: {  	[tilespmem:s13], [sflag:$0x1] =	stream.indirect.gather [hbm4b:s1+s12], $0x80, s7, s12, $0xb8;
	[tilespmem:$0x1CC00] =	vst v63  }
0x3d: {  	_ =	swait.ge [sflag:s16], $0x4000  }
0x3e: {  	[sflag:s16] =	ssyncset.done $0x0  }
0x3f: {  	s8 =	rddreg [dreg:$0x8];
	[sflag:s16] =	ssyncadd.s32 $0xFFFFC000  }
0x40: {  	[spmem:s3] =	stream.indirect.scatter.add.f32 [tilespmem:s14], [sflag:$0x3], $0x80, s8, s12, $0xb8;
	[tilespmem:$0x1CC00] =	vst v63  }
0x41: {  	_ =	swait.ge [sflag:s10], $0x4000  }
0x42: {  	[sflag:s10] =	ssyncset.done $0x0  }
0x43: {  	s9 =	rddreg [dreg:$0x9];
	[sflag:s10] =	ssyncadd.s32 $0xFFFFC000  }
0x44: {  	[tilespmem:s14], [sflag:$0x2] =	stream.indirect.gather [hbm4b:s1+s12], $0x80, s9, s12, $0xb8;
	[tilespmem:$0x1CC00] =	vst v63  }
0x45: {  	_ =	swait.ge [sflag:s15], $0x4000  }
0x46: {  	[sflag:s15] =	ssyncset.done $0x0  }
0x47: {  	s7 =	rddreg [dreg:$0xa];
	[sflag:s15] =	ssyncadd.s32 $0xFFFFC000  }
0x48: {  	[spmem:s3] =	stream.indirect.scatter.add.f32 [tilespmem:s13], [sflag:$0x3], $0x80, s7, s12, $0xb8;
	[tilespmem:$0x1CC00] =	vst v63  }
0x49: {  	_ =	swait.ge [sflag:s10], $0x4000  }
0x4a: {  	[sflag:s10] =	ssyncset.done $0x0  }
0x4b: {  	s8 =	rddreg [dreg:$0xb];
	[sflag:s10] =	ssyncadd.s32 $0xFFFFC000  }
0x4c: {  	[tilespmem:s13], [sflag:$0x1] =	stream.indirect.gather [hbm4b:s1+s12], $0x80, s8, s12, $0xb8;
	[tilespmem:$0x1CC00] =	vst v63  }
0x4d: {  	_ =	swait.ge [sflag:s16], $0x4000  }
0x4e: {  	[sflag:s16] =	ssyncset.done $0x0  }
0x4f: {  	s9 =	rddreg [dreg:$0xc];
	[sflag:s16] =	ssyncadd.s32 $0xFFFFC000  }
0x50: {  	[spmem:s3] =	stream.indirect.scatter.add.f32 [tilespmem:s14], [sflag:$0x3], $0x80, s9, s12, $0xb8;
	[tilespmem:$0x1CC00] =	vst v63  }
0x51: {  	_ =	swait.ge [sflag:s10], $0x4000  }
0x52: {  	[sflag:s10] =	ssyncset.done $0x0  }
0x53: {  	s7 =	rddreg [dreg:$0xd];
	[sflag:s10] =	ssyncadd.s32 $0xFFFFC000  }
0x54: {  	[tilespmem:s14], [sflag:$0x2] =	stream.indirect.gather [hbm4b:s1+s12], $0x80, s7, s12, $0xb8;
	[tilespmem:$0x1CC00] =	vst v63  }
0x55: {  	_ =	swait.ge [sflag:s15], $0x4000  }
0x56: {  	[sflag:s15] =	ssyncset.done $0x0  }
0x57: {  	s8 =	rddreg [dreg:$0xe];
	[sflag:s15] =	ssyncadd.s32 $0xFFFFC000  }
0x58: {  	[spmem:s3] =	stream.indirect.scatter.add.f32 [tilespmem:s13], [sflag:$0x3], $0x80, s8, s12, $0xb8;
	[tilespmem:$0x1CC00] =	vst v63  }
0x59: {  	_ =	swait.ge [sflag:s10], $0x4000  }
0x5a: {  	[sflag:s10] =	ssyncset.done $0x0  }
0x5b: {  	s9 =	rddreg [dreg:$0xf];
	[sflag:s10] =	ssyncadd.s32 $0xFFFFC000  }
0x5c: {  	[tilespmem:s13], [sflag:$0x1] =	stream.indirect.gather [hbm4b:s1+s12], $0x80, s9, s12, $0xb8;
	[tilespmem:$0x1CC00] =	vst v63  }
0x5d: {  	_ =	swait.ge [sflag:s16], $0x4000  }
0x5e: {  	[sflag:s16] =	ssyncset.done $0x0  }
0x5f: {  	s7 =	rddreg [dreg:$0x10];
	[sflag:s16] =	ssyncadd.s32 $0xFFFFC000  }
0x60: {  	[spmem:s3] =	stream.indirect.scatter.add.f32 [tilespmem:s14], [sflag:$0x3], $0x80, s7, s12, $0xb8;
	[tilespmem:$0x1CC00] =	vst v63  }
0x61: {  	_ =	swait.ge [sflag:s10], $0x4000  }
0x62: {  	[sflag:s10] =	ssyncset.done $0x0  }
0x63: {  	s8 =	rddreg [dreg:$0x11];
	[sflag:s10] =	ssyncadd.s32 $0xFFFFC000  }
0x64: {  	[tilespmem:s14], [sflag:$0x2] =	stream.indirect.gather [hbm4b:s1+s12], $0x80, s8, s12, $0xb8;
	[tilespmem:$0x1CC00] =	vst v63  }
0x65: {  	_ =	swait.ge [sflag:s15], $0x4000  }
0x66: {  	[sflag:s15] =	ssyncset.done $0x0  }
0x67: {  	s9 =	rddreg [dreg:$0x12];
	[sflag:s15] =	ssyncadd.s32 $0xFFFFC000  }
0x68: {  	[spmem:s3] =	stream.indirect.scatter.add.f32 [tilespmem:s13], [sflag:$0x3], $0x80, s9, s12, $0xb8;
	[tilespmem:$0x1CC00] =	vst v63  }
0x69: {  	_ =	swait.ge [sflag:s10], $0x4000  }
0x6a: {  	[sflag:s10] =	ssyncset.done $0x0  }
0x6b: {  	[sflag:s10] =	ssyncadd.s32 $0xFFFFC000  }
0x6c: {  	[tilespmem:s13], [sflag:$0x1] =	stream.indirect.gather [hbm4b:s1+s12], $0x80, s17, s12, $0xb8;
	[tilespmem:$0x1CC00] =	vst v63  }
0x6d: {  	_ =	swait.ge [sflag:s16], $0x4000  }
0x6e: {  	[sflag:s16] =	ssyncset.done $0x0  }
0x6f: {  	[sflag:s16] =	ssyncadd.s32 $0xFFFFC000  }
0x70: {  	[spmem:s3] =	stream.indirect.scatter.add.f32 [tilespmem:s14], [sflag:$0x3], $0x80, s18, s12, $0xb8;
	[tilespmem:$0x1CC00] =	vst v63  }
0x71: {  	_ =	swait.ge [sflag:s10], $0x4000  }
0x72: {  	[sflag:s10] =	ssyncset.done $0x0  }
0x73: {  	[sflag:s10] =	ssyncadd.s32 $0xFFFFC000  }
0x74: {  	[tilespmem:s14], [sflag:$0x2] =	stream.indirect.gather [hbm4b:s1+s12], $0x80, s19, s12, $0xb8;
	[tilespmem:$0x1CC00] =	vst v63  }
0x75: {  	_ =	swait.ge [sflag:s15], $0x4000  }
0x76: {  	[sflag:s15] =	ssyncset.done $0x0  }
0x77: {  	[sflag:s15] =	ssyncadd.s32 $0xFFFFC000  }
0x78: {  	[spmem:s3] =	stream.indirect.scatter.add.f32 [tilespmem:s13], [sflag:$0x3], $0x80, s20, s12, $0xb8;
	[tilespmem:$0x1CC00] =	vst v63  }
0x79: {  	_ =	swait.ge [sflag:s10], $0x4000  }
0x7a: {  	[sflag:s10] =	ssyncset.done $0x0  }
0x7b: {  	[sflag:s10] =	ssyncadd.s32 $0xFFFFC000  }
0x7c: {  	[tilespmem:s13], [sflag:$0x1] =	stream.indirect.gather [hbm4b:s1+s12], $0x80, s21, s12, $0xb8;
	[tilespmem:$0x1CC00] =	vst v63  }
0x7d: {  	_ =	swait.ge [sflag:s16], $0x4000  }
0x7e: {  	[sflag:s16] =	ssyncset.done $0x0  }
0x7f: {  	[sflag:s16] =	ssyncadd.s32 $0xFFFFC000  }
0x80: {  	[spmem:s3] =	stream.indirect.scatter.add.f32 [tilespmem:s14], [sflag:$0x3], $0x80, s22, s12, $0xb8;
	[tilespmem:$0x1CC00] =	vst v63  }
0x81: {  	_ =	swait.ge [sflag:s10], $0x4000  }
0x82: {  	[sflag:s10] =	ssyncset.done $0x0  }
0x83: {  	[sflag:s10] =	ssyncadd.s32 $0xFFFFC000  }
0x84: {  	[tilespmem:s14], [sflag:$0x2] =	stream.indirect.gather [hbm4b:s1+s12], $0x80, s23, s12, $0xb8;
	[tilespmem:$0x1CC00] =	vst v63  }
0x85: {  	_ =	swait.ge [sflag:s15], $0x4000  }
0x86: {  	[sflag:s15] =	ssyncset.done $0x0  }
0x87: {  	[sflag:s15] =	ssyncadd.s32 $0xFFFFC000  }
0x88: {  	[spmem:s3] =	stream.indirect.scatter.add.f32 [tilespmem:s13], [sflag:$0x3], $0x80, s24, s12, $0xb8;
	[tilespmem:$0x1CC00] =	vst v63  }
0x89: {  	_ =	swait.ge [sflag:s10], $0x4000  }
0x8a: {  	[sflag:s10] =	ssyncset.done $0x0  }
0x8b: {  	[sflag:s10] =	ssyncadd.s32 $0xFFFFC000  }
0x8c: {  	[tilespmem:s13], [sflag:$0x1] =	stream.indirect.gather [hbm4b:s1+s12], $0x80, s25, s12, $0xb8;
	[tilespmem:$0x1CC00] =	vst v63  }
0x8d: {  	_ =	swait.ge [sflag:s16], $0x4000  }
0x8e: {  	[sflag:s16] =	ssyncset.done $0x0  }
0x8f: {  	[sflag:s16] =	ssyncadd.s32 $0xFFFFC000  }
0x90: {  	[spmem:s3] =	stream.indirect.scatter.add.f32 [tilespmem:s14], [sflag:$0x3], $0x80, s26, s12, $0xb8;
	[tilespmem:$0x1CC00] =	vst v63  }
0x91: {  	_ =	swait.ge [sflag:s10], $0x4000  }
0x92: {  	[sflag:s10] =	ssyncset.done $0x0  }
0x93: {  	[sflag:s10] =	ssyncadd.s32 $0xFFFFC000  }
0x94: {  	[tilespmem:s14], [sflag:$0x2] =	stream.indirect.gather [hbm4b:s1+s12], $0x80, s28, s12, $0xb8;
	[tilespmem:$0x1CC00] =	vst v63  }
0x95: {  	_ =	swait.ge [sflag:s15], $0x4000  }
0x96: {  	[sflag:s15] =	ssyncset.done $0x0  }
0x97: {  	[sflag:s15] =	ssyncadd.s32 $0xFFFFC000  }
0x98: {  	[spmem:s3] =	stream.indirect.scatter.add.f32 [tilespmem:s13], [sflag:$0x3], $0x80, s29, s12, $0xb8;
	[tilespmem:$0x1CC00] =	vst v63  }
0x99: {  	_ =	swait.ge [sflag:s10], $0x4000  }
0x9a: {  	[sflag:s10] =	ssyncset.done $0x0  }
0x9b: {  	[sflag:s10] =	ssyncadd.s32 $0xFFFFC000  }
0x9c: {  	[tilespmem:s13], [sflag:$0x1] =	stream.indirect.gather [hbm4b:s1+s12], $0x80, s30, s12, $0xb8;
	[tilespmem:$0x1CC00] =	vst v63  }
0x9d: {  	_ =	swait.ge [sflag:s16], $0x4000  }
0x9e: {  	[sflag:s16] =	ssyncset.done $0x0  }
0x9f: {  	[sflag:s16] =	ssyncadd.s32 $0xFFFFC000  }
0xa0: {  	[spmem:s3] =	stream.indirect.scatter.add.f32 [tilespmem:s14], [sflag:$0x3], $0x80, s31, s12, $0xb8;
	[tilespmem:$0x1CC00] =	vst v63  }
0xa1: {  	_ =	swait.ge [sflag:s10], $0x4000  }
0xa2: {  	[sflag:s10] =	ssyncset.done $0x0  }
0xa3: {  	[sflag:s10] =	ssyncadd.s32 $0xFFFFC000  }
0xa4: {  	[tilespmem:s14], [sflag:$0x2] =	stream.indirect.gather [hbm4b:s1+s12], $0x80, s2, s12, $0xb8;
	[tilespmem:$0x1CC00] =	vst v63  }
0xa5: {  	_ =	swait.ge [sflag:s15], $0x4000  }
0xa6: {  	[sflag:s15] =	ssyncset.done $0x0  }
0xa7: {  	[sflag:s15] =	ssyncadd.s32 $0xFFFFC000  }
0xa8: {  	[spmem:s3] =	stream.indirect.scatter.add.f32 [tilespmem:s13], [sflag:$0x3], $0x80, s0, s12, $0xb8;
	[tilespmem:$0x1CC00] =	vst v63  }
0xa9: {  	_ =	swait.ge [sflag:s10], $0x4000  }
0xaa: {  	[sflag:s10] =	ssyncset.done $0x0  }
0xab: {  	[sflag:s10] =	ssyncadd.s32 $0xFFFFC000  }
0xac: {  	_ =	swait.ge [sflag:s16], $0x4000  }
0xad: {  	[sflag:s16] =	ssyncset.done $0x0  }
0xae: {  	[sflag:s16] =	ssyncadd.s32 $0xFFFFC000  }
0xaf: {  	[spmem:s3] =	stream.indirect.scatter.add.f32 [tilespmem:s14], [sflag:$0x3], $0x80, s5, s12, $0xb8;
	[tilespmem:$0x1CC00] =	vst v63  }
0xb0: {  	s6 =	simm.s32 $0x200;
	_ =	swait.ge [sflag:s10], $0x4000  }
0xb1: {  	s8 =	simm.s32 $0x100;
	s9 =	rddreg [dreg:$0x6];
	[sflag:s10] =	ssyncset.done $0x0  }
.LBB2_2:
0xb2: {  	[sflag:s10] =	ssyncadd.s32 $0xFFFFC000;
	s9 =	sadd.s32 s8, s9  }
0xb3: {  	[tilespmem:s4], [sflag:$0x3] =	stream.linear.gather [hbm4b:s9+s4], $0x800, $0x38;
	[tilespmem:$0x1CC00] =	vst v63  }
0xb4: {  	_ =	swait.ge [sflag:s10], $0x800  }
0xb5: {  	s9 =	rddreg [dreg:$0x5];
	[sflag:s10] =	ssyncset.done $0x0  }
0xb6: {  	[sflag:s10] =	ssyncadd.s32 $0xFFFFF800;
	s9 =	sadd.s32 s8, s9  }
0xb7: {  	[tilespmem:s11], [sflag:$0x3] =	stream.linear.gather [hbm4b:s9+s4], $0x800, $0x38;
	[tilespmem:$0x1CC00] =	vst v63  }
0xb8: {  	_ =	swait.ge [sflag:s10], $0x800  }
0xb9: {  	[sflag:s10] =	ssyncset.done $0x0  }
0xba: {  	[sflag:s10] =	ssyncadd.s32 $0xFFFFF800  }
0xbb: {  	[tilespmem:s13], [sflag:$0x1] =	stream.indirect.gather [hbm4b:s1+s12], $0x80, s4, s12, $0xb8;
	[tilespmem:$0x1CC00] =	vst v63  }
0xbc: {  	_ = 	snop  }
0xbd: {  	[tilespmem:s14], [sflag:$0x2] =	stream.indirect.gather [hbm4b:s1+s12], $0x80, s12, s12, $0xb8;
	[tilespmem:$0x1CC00] =	vst v63  }
0xbe: {  	_ =	swait.ge [sflag:s15], $0x4000  }
0xbf: {  	[sflag:s15] =	ssyncset.done $0x0  }
0xc0: {  	[sflag:s15] =	ssyncadd.s32 $0xFFFFC000  }
0xc1: {  	[spmem:s3] =	stream.indirect.scatter.add.f32 [tilespmem:s13], [sflag:$0x3], $0x80, s11, s12, $0xb8;
	[tilespmem:$0x1CC00] =	vst v63  }
0xc2: {  	_ =	swait.ge [sflag:s10], $0x4000  }
0xc3: {  	[sflag:s10] =	ssyncset.done $0x0  }
0xc4: {  	s9 =	rddreg [dreg:$0x7];
	[sflag:s10] =	ssyncadd.s32 $0xFFFFC000  }
0xc5: {  	[tilespmem:s13], [sflag:$0x1] =	stream.indirect.gather [hbm4b:s1+s12], $0x80, s9, s12, $0xb8;
	[tilespmem:$0x1CC00] =	vst v63  }
0xc6: {  	_ =	swait.ge [sflag:s16], $0x4000  }
0xc7: {  	[sflag:s16] =	ssyncset.done $0x0  }
0xc8: {  	s9 =	rddreg [dreg:$0x8];
	[sflag:s16] =	ssyncadd.s32 $0xFFFFC000  }
0xc9: {  	[spmem:s3] =	stream.indirect.scatter.add.f32 [tilespmem:s14], [sflag:$0x3], $0x80, s9, s12, $0xb8;
	[tilespmem:$0x1CC00] =	vst v63  }
0xca: {  	_ =	swait.ge [sflag:s10], $0x4000  }
0xcb: {  	[sflag:s10] =	ssyncset.done $0x0  }
0xcc: {  	s9 =	rddreg [dreg:$0x9];
	[sflag:s10] =	ssyncadd.s32 $0xFFFFC000  }
0xcd: {  	[tilespmem:s14], [sflag:$0x2] =	stream.indirect.gather [hbm4b:s1+s12], $0x80, s9, s12, $0xb8;
	[tilespmem:$0x1CC00] =	vst v63  }
0xce: {  	_ =	swait.ge [sflag:s15], $0x4000  }
0xcf: {  	[sflag:s15] =	ssyncset.done $0x0  }
0xd0: {  	s9 =	rddreg [dreg:$0xa];
	[sflag:s15] =	ssyncadd.s32 $0xFFFFC000  }
0xd1: {  	[spmem:s3] =	stream.indirect.scatter.add.f32 [tilespmem:s13], [sflag:$0x3], $0x80, s9, s12, $0xb8;
	[tilespmem:$0x1CC00] =	vst v63  }
0xd2: {  	_ =	swait.ge [sflag:s10], $0x4000  }
0xd3: {  	[sflag:s10] =	ssyncset.done $0x0  }
0xd4: {  	s9 =	rddreg [dreg:$0xb];
	[sflag:s10] =	ssyncadd.s32 $0xFFFFC000  }
0xd5: {  	[tilespmem:s13], [sflag:$0x1] =	stream.indirect.gather [hbm4b:s1+s12], $0x80, s9, s12, $0xb8;
	[tilespmem:$0x1CC00] =	vst v63  }
0xd6: {  	_ =	swait.ge [sflag:s16], $0x4000  }
0xd7: {  	[sflag:s16] =	ssyncset.done $0x0  }
0xd8: {  	s9 =	rddreg [dreg:$0xc];
	[sflag:s16] =	ssyncadd.s32 $0xFFFFC000  }
0xd9: {  	[spmem:s3] =	stream.indirect.scatter.add.f32 [tilespmem:s14], [sflag:$0x3], $0x80, s9, s12, $0xb8;
	[tilespmem:$0x1CC00] =	vst v63  }
0xda: {  	_ =	swait.ge [sflag:s10], $0x4000  }
0xdb: {  	[sflag:s10] =	ssyncset.done $0x0  }
0xdc: {  	s9 =	rddreg [dreg:$0xd];
	[sflag:s10] =	ssyncadd.s32 $0xFFFFC000  }
0xdd: {  	[tilespmem:s14], [sflag:$0x2] =	stream.indirect.gather [hbm4b:s1+s12], $0x80, s9, s12, $0xb8;
	[tilespmem:$0x1CC00] =	vst v63  }
0xde: {  	_ =	swait.ge [sflag:s15], $0x4000  }
0xdf: {  	[sflag:s15] =	ssyncset.done $0x0  }
0xe0: {  	s9 =	rddreg [dreg:$0xe];
	[sflag:s15] =	ssyncadd.s32 $0xFFFFC000  }
0xe1: {  	[spmem:s3] =	stream.indirect.scatter.add.f32 [tilespmem:s13], [sflag:$0x3], $0x80, s9, s12, $0xb8;
	[tilespmem:$0x1CC00] =	vst v63  }
0xe2: {  	_ =	swait.ge [sflag:s10], $0x4000  }
0xe3: {  	[sflag:s10] =	ssyncset.done $0x0  }
0xe4: {  	s9 =	rddreg [dreg:$0xf];
	[sflag:s10] =	ssyncadd.s32 $0xFFFFC000  }
0xe5: {  	[tilespmem:s13], [sflag:$0x1] =	stream.indirect.gather [hbm4b:s1+s12], $0x80, s9, s12, $0xb8;
	[tilespmem:$0x1CC00] =	vst v63  }
0xe6: {  	_ =	swait.ge [sflag:s16], $0x4000  }
0xe7: {  	[sflag:s16] =	ssyncset.done $0x0  }
0xe8: {  	s9 =	rddreg [dreg:$0x10];
	[sflag:s16] =	ssyncadd.s32 $0xFFFFC000  }
0xe9: {  	[spmem:s3] =	stream.indirect.scatter.add.f32 [tilespmem:s14], [sflag:$0x3], $0x80, s9, s12, $0xb8;
	[tilespmem:$0x1CC00] =	vst v63  }
0xea: {  	_ =	swait.ge [sflag:s10], $0x4000  }
0xeb: {  	[sflag:s10] =	ssyncset.done $0x0  }
0xec: {  	s9 =	rddreg [dreg:$0x11];
	[sflag:s10] =	ssyncadd.s32 $0xFFFFC000  }
0xed: {  	[tilespmem:s14], [sflag:$0x2] =	stream.indirect.gather [hbm4b:s1+s12], $0x80, s9, s12, $0xb8;
	[tilespmem:$0x1CC00] =	vst v63  }
0xee: {  	_ =	swait.ge [sflag:s15], $0x4000  }
0xef: {  	[sflag:s15] =	ssyncset.done $0x0  }
0xf0: {  	s9 =	rddreg [dreg:$0x12];
	[sflag:s15] =	ssyncadd.s32 $0xFFFFC000  }
0xf1: {  	[spmem:s3] =	stream.indirect.scatter.add.f32 [tilespmem:s13], [sflag:$0x3], $0x80, s9, s12, $0xb8;
	[tilespmem:$0x1CC00] =	vst v63  }
0xf2: {  	_ =	swait.ge [sflag:s10], $0x4000  }
0xf3: {  	[sflag:s10] =	ssyncset.done $0x0  }
0xf4: {  	[sflag:s10] =	ssyncadd.s32 $0xFFFFC000  }
0xf5: {  	[tilespmem:s13], [sflag:$0x1] =	stream.indirect.gather [hbm4b:s1+s12], $0x80, s17, s12, $0xb8;
	[tilespmem:$0x1CC00] =	vst v63  }
0xf6: {  	_ =	swait.ge [sflag:s16], $0x4000  }
0xf7: {  	[sflag:s16] =	ssyncset.done $0x0  }
0xf8: {  	[sflag:s16] =	ssyncadd.s32 $0xFFFFC000  }
0xf9: {  	[spmem:s3] =	stream.indirect.scatter.add.f32 [tilespmem:s14], [sflag:$0x3], $0x80, s18, s12, $0xb8;
	[tilespmem:$0x1CC00] =	vst v63  }
0xfa: {  	_ =	swait.ge [sflag:s10], $0x4000  }
0xfb: {  	[sflag:s10] =	ssyncset.done $0x0  }
0xfc: {  	[sflag:s10] =	ssyncadd.s32 $0xFFFFC000  }
0xfd: {  	[tilespmem:s14], [sflag:$0x2] =	stream.indirect.gather [hbm4b:s1+s12], $0x80, s19, s12, $0xb8;
	[tilespmem:$0x1CC00] =	vst v63  }
0xfe: {  	_ =	swait.ge [sflag:s15], $0x4000  }
0xff: {  	[sflag:s15] =	ssyncset.done $0x0  }
0x100: {  	[sflag:s15] =	ssyncadd.s32 $0xFFFFC000  }
0x101: {  	[spmem:s3] =	stream.indirect.scatter.add.f32 [tilespmem:s13], [sflag:$0x3], $0x80, s20, s12, $0xb8;
	[tilespmem:$0x1CC00] =	vst v63  }
0x102: {  	_ =	swait.ge [sflag:s10], $0x4000  }
0x103: {  	[sflag:s10] =	ssyncset.done $0x0  }
0x104: {  	[sflag:s10] =	ssyncadd.s32 $0xFFFFC000  }
0x105: {  	[tilespmem:s13], [sflag:$0x1] =	stream.indirect.gather [hbm4b:s1+s12], $0x80, s21, s12, $0xb8;
	[tilespmem:$0x1CC00] =	vst v63  }
0x106: {  	_ =	swait.ge [sflag:s16], $0x4000  }
0x107: {  	[sflag:s16] =	ssyncset.done $0x0  }
0x108: {  	[sflag:s16] =	ssyncadd.s32 $0xFFFFC000  }
0x109: {  	[spmem:s3] =	stream.indirect.scatter.add.f32 [tilespmem:s14], [sflag:$0x3], $0x80, s22, s12, $0xb8;
	[tilespmem:$0x1CC00] =	vst v63  }
0x10a: {  	_ =	swait.ge [sflag:s10], $0x4000  }
0x10b: {  	[sflag:s10] =	ssyncset.done $0x0  }
0x10c: {  	[sflag:s10] =	ssyncadd.s32 $0xFFFFC000  }
0x10d: {  	[tilespmem:s14], [sflag:$0x2] =	stream.indirect.gather [hbm4b:s1+s12], $0x80, s23, s12, $0xb8;
	[tilespmem:$0x1CC00] =	vst v63  }
0x10e: {  	_ =	swait.ge [sflag:s15], $0x4000  }
0x10f: {  	[sflag:s15] =	ssyncset.done $0x0  }
0x110: {  	[sflag:s15] =	ssyncadd.s32 $0xFFFFC000  }
0x111: {  	[spmem:s3] =	stream.indirect.scatter.add.f32 [tilespmem:s13], [sflag:$0x3], $0x80, s24, s12, $0xb8;
	[tilespmem:$0x1CC00] =	vst v63  }
0x112: {  	_ =	swait.ge [sflag:s10], $0x4000  }
0x113: {  	[sflag:s10] =	ssyncset.done $0x0  }
0x114: {  	[sflag:s10] =	ssyncadd.s32 $0xFFFFC000  }
0x115: {  	[tilespmem:s13], [sflag:$0x1] =	stream.indirect.gather [hbm4b:s1+s12], $0x80, s25, s12, $0xb8;
	[tilespmem:$0x1CC00] =	vst v63  }
0x116: {  	_ =	swait.ge [sflag:s16], $0x4000  }
0x117: {  	[sflag:s16] =	ssyncset.done $0x0  }
0x118: {  	[sflag:s16] =	ssyncadd.s32 $0xFFFFC000  }
0x119: {  	[spmem:s3] =	stream.indirect.scatter.add.f32 [tilespmem:s14], [sflag:$0x3], $0x80, s26, s12, $0xb8;
	[tilespmem:$0x1CC00] =	vst v63  }
0x11a: {  	_ =	swait.ge [sflag:s10], $0x4000  }
0x11b: {  	[sflag:s10] =	ssyncset.done $0x0  }
0x11c: {  	[sflag:s10] =	ssyncadd.s32 $0xFFFFC000  }
0x11d: {  	[tilespmem:s14], [sflag:$0x2] =	stream.indirect.gather [hbm4b:s1+s12], $0x80, s28, s12, $0xb8;
	[tilespmem:$0x1CC00] =	vst v63  }
0x11e: {  	_ =	swait.ge [sflag:s15], $0x4000  }
0x11f: {  	[sflag:s15] =	ssyncset.done $0x0  }
0x120: {  	[sflag:s15] =	ssyncadd.s32 $0xFFFFC000  }
0x121: {  	[spmem:s3] =	stream.indirect.scatter.add.f32 [tilespmem:s13], [sflag:$0x3], $0x80, s29, s12, $0xb8;
	[tilespmem:$0x1CC00] =	vst v63  }
0x122: {  	_ =	swait.ge [sflag:s10], $0x4000  }
0x123: {  	[sflag:s10] =	ssyncset.done $0x0  }
0x124: {  	[sflag:s10] =	ssyncadd.s32 $0xFFFFC000  }
0x125: {  	[tilespmem:s13], [sflag:$0x1] =	stream.indirect.gather [hbm4b:s1+s12], $0x80, s30, s12, $0xb8;
	[tilespmem:$0x1CC00] =	vst v63  }
0x126: {  	_ =	swait.ge [sflag:s16], $0x4000  }
0x127: {  	[sflag:s16] =	ssyncset.done $0x0  }
0x128: {  	[sflag:s16] =	ssyncadd.s32 $0xFFFFC000  }
0x129: {  	[spmem:s3] =	stream.indirect.scatter.add.f32 [tilespmem:s14], [sflag:$0x3], $0x80, s31, s12, $0xb8;
	[tilespmem:$0x1CC00] =	vst v63  }
0x12a: {  	_ =	swait.ge [sflag:s10], $0x4000  }
0x12b: {  	[sflag:s10] =	ssyncset.done $0x0  }
0x12c: {  	[sflag:s10] =	ssyncadd.s32 $0xFFFFC000  }
0x12d: {  	[tilespmem:s14], [sflag:$0x2] =	stream.indirect.gather [hbm4b:s1+s12], $0x80, s2, s12, $0xb8;
	[tilespmem:$0x1CC00] =	vst v63  }
0x12e: {  	_ =	swait.ge [sflag:s15], $0x4000  }
0x12f: {  	[sflag:s15] =	ssyncset.done $0x0  }
0x130: {  	[sflag:s15] =	ssyncadd.s32 $0xFFFFC000  }
0x131: {  	[spmem:s3] =	stream.indirect.scatter.add.f32 [tilespmem:s13], [sflag:$0x3], $0x80, s0, s12, $0xb8;
	[tilespmem:$0x1CC00] =	vst v63  }
0x132: {  	_ =	swait.ge [sflag:s10], $0x4000  }
0x133: {  	[sflag:s10] =	ssyncset.done $0x0  }
0x134: {  	[sflag:s10] =	ssyncadd.s32 $0xFFFFC000  }
0x135: {  	p0 =	sne.s32 s6, $0x400;
	_ =	swait.ge [sflag:s16], $0x4000  }
.Ltmp0:
0x136: {  	[sflag:s16] =	ssyncset.done $0x0;
	(pc) =	sbr.rel @p0 .LBB2_2-.Ltmp0, $4  }
0x137: {  	[sflag:s16] =	ssyncadd.s32 $0xFFFFC000  }
0x138: {  	[spmem:s3] =	stream.indirect.scatter.add.f32 [tilespmem:s14], [sflag:$0x3], $0x80, s5, s12, $0xb8;
	[tilespmem:$0x1CC00] =	vst v63  }
0x139: {  	s7 =	smov.u32 s6;
	s6 =	sadd.s32 $0x100, s6;
	_ =	swait.ge [sflag:s10], $0x4000  }
0x13a: {  	s8 =	smov.u32 s7;
	s9 =	rddreg [dreg:$0x6];
	[sflag:s10] =	ssyncset.done $0x0  }
0x13b: {  	[sflag:s10] =	ssyncadd.s32 $0xFFFFC000;
	s6 =	sadd.s32 s8, s9  }
0x13c: {  	[tilespmem:s4], [sflag:$0x3] =	stream.linear.gather [hbm4b:s6+s4], $0x800, $0x38;
	[tilespmem:$0x1CC00] =	vst v63  }
0x13d: {  	_ =	swait.ge [sflag:s10], $0x800  }
0x13e: {  	s7 =	rddreg [dreg:$0x5];
	[sflag:s10] =	ssyncset.done $0x0  }
0x13f: {  	s6 =	sadd.s32 s8, s7;
	[sflag:s10] =	ssyncadd.s32 $0xFFFFF800  }
0x140: {  	[tilespmem:s11], [sflag:$0x3] =	stream.linear.gather [hbm4b:s6+s4], $0x800, $0x38;
	[tilespmem:$0x1CC00] =	vst v63  }
0x141: {  	_ =	swait.ge [sflag:s10], $0x800  }
0x142: {  	[sflag:s10] =	ssyncset.done $0x0  }
0x143: {  	[sflag:s10] =	ssyncadd.s32 $0xFFFFF800  }
0x144: {  	[tilespmem:s13], [sflag:$0x1] =	stream.indirect.gather [hbm4b:s1+s12], $0x80, s4, s12, $0xb8;
	[tilespmem:$0x1CC00] =	vst v63  }
0x145: {  	_ = 	snop  }
0x146: {  	[tilespmem:s14], [sflag:$0x2] =	stream.indirect.gather [hbm4b:s1+s12], $0x80, s12, s12, $0xb8;
	[tilespmem:$0x1CC00] =	vst v63  }
0x147: {  	_ =	swait.ge [sflag:s15], $0x4000  }
0x148: {  	[sflag:s15] =	ssyncset.done $0x0  }
0x149: {  	[sflag:s15] =	ssyncadd.s32 $0xFFFFC000  }
0x14a: {  	[spmem:s3] =	stream.indirect.scatter.add.f32 [tilespmem:s13], [sflag:$0x3], $0x80, s11, s12, $0xb8;
	[tilespmem:$0x1CC00] =	vst v63  }
0x14b: {  	_ =	swait.ge [sflag:s10], $0x4000  }
0x14c: {  	[sflag:s10] =	ssyncset.done $0x0  }
0x14d: {  	s9 =	rddreg [dreg:$0x7];
	[sflag:s10] =	ssyncadd.s32 $0xFFFFC000  }
0x14e: {  	[tilespmem:s13], [sflag:$0x1] =	stream.indirect.gather [hbm4b:s1+s12], $0x80, s9, s12, $0xb8;
	[tilespmem:$0x1CC00] =	vst v63  }
0x14f: {  	_ =	swait.ge [sflag:s16], $0x4000  }
0x150: {  	[sflag:s16] =	ssyncset.done $0x0  }
0x151: {  	s7 =	rddreg [dreg:$0x8];
	[sflag:s16] =	ssyncadd.s32 $0xFFFFC000  }
0x152: {  	[spmem:s3] =	stream.indirect.scatter.add.f32 [tilespmem:s14], [sflag:$0x3], $0x80, s7, s12, $0xb8;
	[tilespmem:$0x1CC00] =	vst v63  }
0x153: {  	_ =	swait.ge [sflag:s10], $0x4000  }
0x154: {  	[sflag:s10] =	ssyncset.done $0x0  }
0x155: {  	s8 =	rddreg [dreg:$0x9];
	[sflag:s10] =	ssyncadd.s32 $0xFFFFC000  }
0x156: {  	[tilespmem:s14], [sflag:$0x2] =	stream.indirect.gather [hbm4b:s1+s12], $0x80, s8, s12, $0xb8;
	[tilespmem:$0x1CC00] =	vst v63  }
0x157: {  	_ =	swait.ge [sflag:s15], $0x4000  }
0x158: {  	[sflag:s15] =	ssyncset.done $0x0  }
0x159: {  	s9 =	rddreg [dreg:$0xa];
	[sflag:s15] =	ssyncadd.s32 $0xFFFFC000  }
0x15a: {  	[spmem:s3] =	stream.indirect.scatter.add.f32 [tilespmem:s13], [sflag:$0x3], $0x80, s9, s12, $0xb8;
	[tilespmem:$0x1CC00] =	vst v63  }
0x15b: {  	_ =	swait.ge [sflag:s10], $0x4000  }
0x15c: {  	[sflag:s10] =	ssyncset.done $0x0  }
0x15d: {  	s7 =	rddreg [dreg:$0xb];
	[sflag:s10] =	ssyncadd.s32 $0xFFFFC000  }
0x15e: {  	[tilespmem:s13], [sflag:$0x1] =	stream.indirect.gather [hbm4b:s1+s12], $0x80, s7, s12, $0xb8;
	[tilespmem:$0x1CC00] =	vst v63  }
0x15f: {  	_ =	swait.ge [sflag:s16], $0x4000  }
0x160: {  	[sflag:s16] =	ssyncset.done $0x0  }
0x161: {  	s8 =	rddreg [dreg:$0xc];
	[sflag:s16] =	ssyncadd.s32 $0xFFFFC000  }
0x162: {  	[spmem:s3] =	stream.indirect.scatter.add.f32 [tilespmem:s14], [sflag:$0x3], $0x80, s8, s12, $0xb8;
	[tilespmem:$0x1CC00] =	vst v63  }
0x163: {  	_ =	swait.ge [sflag:s10], $0x4000  }
0x164: {  	[sflag:s10] =	ssyncset.done $0x0  }
0x165: {  	s9 =	rddreg [dreg:$0xd];
	[sflag:s10] =	ssyncadd.s32 $0xFFFFC000  }
0x166: {  	[tilespmem:s14], [sflag:$0x2] =	stream.indirect.gather [hbm4b:s1+s12], $0x80, s9, s12, $0xb8;
	[tilespmem:$0x1CC00] =	vst v63  }
0x167: {  	_ =	swait.ge [sflag:s15], $0x4000  }
0x168: {  	[sflag:s15] =	ssyncset.done $0x0  }
0x169: {  	s7 =	rddreg [dreg:$0xe];
	[sflag:s15] =	ssyncadd.s32 $0xFFFFC000  }
0x16a: {  	[spmem:s3] =	stream.indirect.scatter.add.f32 [tilespmem:s13], [sflag:$0x3], $0x80, s7, s12, $0xb8;
	[tilespmem:$0x1CC00] =	vst v63  }
0x16b: {  	_ =	swait.ge [sflag:s10], $0x4000  }
0x16c: {  	[sflag:s10] =	ssyncset.done $0x0  }
0x16d: {  	s8 =	rddreg [dreg:$0xf];
	[sflag:s10] =	ssyncadd.s32 $0xFFFFC000  }
0x16e: {  	[tilespmem:s13], [sflag:$0x1] =	stream.indirect.gather [hbm4b:s1+s12], $0x80, s8, s12, $0xb8;
	[tilespmem:$0x1CC00] =	vst v63  }
0x16f: {  	_ =	swait.ge [sflag:s16], $0x4000  }
0x170: {  	[sflag:s16] =	ssyncset.done $0x0  }
0x171: {  	s9 =	rddreg [dreg:$0x10];
	[sflag:s16] =	ssyncadd.s32 $0xFFFFC000  }
0x172: {  	[spmem:s3] =	stream.indirect.scatter.add.f32 [tilespmem:s14], [sflag:$0x3], $0x80, s9, s12, $0xb8;
	[tilespmem:$0x1CC00] =	vst v63  }
0x173: {  	_ =	swait.ge [sflag:s10], $0x4000  }
0x174: {  	[sflag:s10] =	ssyncset.done $0x0  }
0x175: {  	s7 =	rddreg [dreg:$0x11];
	[sflag:s10] =	ssyncadd.s32 $0xFFFFC000  }
0x176: {  	[tilespmem:s14], [sflag:$0x2] =	stream.indirect.gather [hbm4b:s1+s12], $0x80, s7, s12, $0xb8;
	[tilespmem:$0x1CC00] =	vst v63  }
0x177: {  	_ =	swait.ge [sflag:s15], $0x4000  }
0x178: {  	[sflag:s15] =	ssyncset.done $0x0  }
0x179: {  	s8 =	rddreg [dreg:$0x12];
	[sflag:s15] =	ssyncadd.s32 $0xFFFFC000  }
0x17a: {  	[spmem:s3] =	stream.indirect.scatter.add.f32 [tilespmem:s13], [sflag:$0x3], $0x80, s8, s12, $0xb8;
	[tilespmem:$0x1CC00] =	vst v63  }
0x17b: {  	_ =	swait.ge [sflag:s10], $0x4000  }
0x17c: {  	[sflag:s10] =	ssyncset.done $0x0  }
0x17d: {  	[sflag:s10] =	ssyncadd.s32 $0xFFFFC000  }
0x17e: {  	[tilespmem:s13], [sflag:$0x1] =	stream.indirect.gather [hbm4b:s1+s12], $0x80, s17, s12, $0xb8;
	[tilespmem:$0x1CC00] =	vst v63  }
0x17f: {  	_ =	swait.ge [sflag:s16], $0x4000  }
0x180: {  	[sflag:s16] =	ssyncset.done $0x0  }
0x181: {  	[sflag:s16] =	ssyncadd.s32 $0xFFFFC000  }
0x182: {  	[spmem:s3] =	stream.indirect.scatter.add.f32 [tilespmem:s14], [sflag:$0x3], $0x80, s18, s12, $0xb8;
	[tilespmem:$0x1CC00] =	vst v63  }
0x183: {  	_ =	swait.ge [sflag:s10], $0x4000  }
0x184: {  	[sflag:s10] =	ssyncset.done $0x0  }
0x185: {  	[sflag:s10] =	ssyncadd.s32 $0xFFFFC000  }
0x186: {  	[tilespmem:s14], [sflag:$0x2] =	stream.indirect.gather [hbm4b:s1+s12], $0x80, s19, s12, $0xb8;
	[tilespmem:$0x1CC00] =	vst v63  }
0x187: {  	_ =	swait.ge [sflag:s15], $0x4000  }
0x188: {  	[sflag:s15] =	ssyncset.done $0x0  }
0x189: {  	[sflag:s15] =	ssyncadd.s32 $0xFFFFC000  }
0x18a: {  	[spmem:s3] =	stream.indirect.scatter.add.f32 [tilespmem:s13], [sflag:$0x3], $0x80, s20, s12, $0xb8;
	[tilespmem:$0x1CC00] =	vst v63  }
0x18b: {  	_ =	swait.ge [sflag:s10], $0x4000  }
0x18c: {  	[sflag:s10] =	ssyncset.done $0x0  }
0x18d: {  	[sflag:s10] =	ssyncadd.s32 $0xFFFFC000  }
0x18e: {  	[tilespmem:s13], [sflag:$0x1] =	stream.indirect.gather [hbm4b:s1+s12], $0x80, s21, s12, $0xb8;
	[tilespmem:$0x1CC00] =	vst v63  }
0x18f: {  	_ =	swait.ge [sflag:s16], $0x4000  }
0x190: {  	[sflag:s16] =	ssyncset.done $0x0  }
0x191: {  	[sflag:s16] =	ssyncadd.s32 $0xFFFFC000  }
0x192: {  	[spmem:s3] =	stream.indirect.scatter.add.f32 [tilespmem:s14], [sflag:$0x3], $0x80, s22, s12, $0xb8;
	[tilespmem:$0x1CC00] =	vst v63  }
0x193: {  	_ =	swait.ge [sflag:s10], $0x4000  }
0x194: {  	[sflag:s10] =	ssyncset.done $0x0  }
0x195: {  	[sflag:s10] =	ssyncadd.s32 $0xFFFFC000  }
0x196: {  	[tilespmem:s14], [sflag:$0x2] =	stream.indirect.gather [hbm4b:s1+s12], $0x80, s23, s12, $0xb8;
	[tilespmem:$0x1CC00] =	vst v63  }
0x197: {  	_ =	swait.ge [sflag:s15], $0x4000  }
0x198: {  	[sflag:s15] =	ssyncset.done $0x0  }
0x199: {  	[sflag:s15] =	ssyncadd.s32 $0xFFFFC000  }
0x19a: {  	[spmem:s3] =	stream.indirect.scatter.add.f32 [tilespmem:s13], [sflag:$0x3], $0x80, s24, s12, $0xb8;
	[tilespmem:$0x1CC00] =	vst v63  }
0x19b: {  	_ =	swait.ge [sflag:s10], $0x4000  }
0x19c: {  	[sflag:s10] =	ssyncset.done $0x0  }
0x19d: {  	[sflag:s10] =	ssyncadd.s32 $0xFFFFC000  }
0x19e: {  	[tilespmem:s13], [sflag:$0x1] =	stream.indirect.gather [hbm4b:s1+s12], $0x80, s25, s12, $0xb8;
	[tilespmem:$0x1CC00] =	vst v63  }
0x19f: {  	_ =	swait.ge [sflag:s16], $0x4000  }
0x1a0: {  	[sflag:s16] =	ssyncset.done $0x0  }
0x1a1: {  	[sflag:s16] =	ssyncadd.s32 $0xFFFFC000  }
0x1a2: {  	[spmem:s3] =	stream.indirect.scatter.add.f32 [tilespmem:s14], [sflag:$0x3], $0x80, s26, s12, $0xb8;
	[tilespmem:$0x1CC00] =	vst v63  }
0x1a3: {  	_ =	swait.ge [sflag:s10], $0x4000  }
0x1a4: {  	[sflag:s10] =	ssyncset.done $0x0  }
0x1a5: {  	[sflag:s10] =	ssyncadd.s32 $0xFFFFC000  }
0x1a6: {  	[tilespmem:s14], [sflag:$0x2] =	stream.indirect.gather [hbm4b:s1+s12], $0x80, s28, s12, $0xb8;
	[tilespmem:$0x1CC00] =	vst v63  }
0x1a7: {  	_ =	swait.ge [sflag:s15], $0x4000  }
0x1a8: {  	[sflag:s15] =	ssyncset.done $0x0  }
0x1a9: {  	[sflag:s15] =	ssyncadd.s32 $0xFFFFC000  }
0x1aa: {  	[spmem:s3] =	stream.indirect.scatter.add.f32 [tilespmem:s13], [sflag:$0x3], $0x80, s29, s12, $0xb8;
	[tilespmem:$0x1CC00] =	vst v63  }
0x1ab: {  	_ =	swait.ge [sflag:s10], $0x4000  }
0x1ac: {  	[sflag:s10] =	ssyncset.done $0x0  }
0x1ad: {  	[sflag:s10] =	ssyncadd.s32 $0xFFFFC000  }
0x1ae: {  	[tilespmem:s13], [sflag:$0x1] =	stream.indirect.gather [hbm4b:s1+s12], $0x80, s30, s12, $0xb8;
	[tilespmem:$0x1CC00] =	vst v63  }
0x1af: {  	_ =	swait.ge [sflag:s16], $0x4000  }
0x1b0: {  	[sflag:s16] =	ssyncset.done $0x0  }
0x1b1: {  	[sflag:s16] =	ssyncadd.s32 $0xFFFFC000  }
0x1b2: {  	[spmem:s3] =	stream.indirect.scatter.add.f32 [tilespmem:s14], [sflag:$0x3], $0x80, s31, s12, $0xb8;
	[tilespmem:$0x1CC00] =	vst v63  }
0x1b3: {  	_ =	swait.ge [sflag:s10], $0x4000  }
0x1b4: {  	[sflag:s10] =	ssyncset.done $0x0  }
0x1b5: {  	[sflag:s10] =	ssyncadd.s32 $0xFFFFC000  }
0x1b6: {  	[tilespmem:s14], [sflag:$0x2] =	stream.indirect.gather [hbm4b:s1+s12], $0x80, s2, s12, $0xb8;
	[tilespmem:$0x1CC00] =	vst v63  }
0x1b7: {  	_ =	swait.ge [sflag:s15], $0x4000  }
0x1b8: {  	[sflag:s15] =	ssyncset.done $0x0  }
0x1b9: {  	[sflag:s15] =	ssyncadd.s32 $0xFFFFC000  }
0x1ba: {  	[spmem:s3] =	stream.indirect.scatter.add.f32 [tilespmem:s13], [sflag:$0x3], $0x80, s0, s12, $0xb8;
	[tilespmem:$0x1CC00] =	vst v63  }
0x1bb: {  	_ =	swait.ge [sflag:s10], $0x4000  }
0x1bc: {  	[sflag:s10] =	ssyncset.done $0x0  }
0x1bd: {  	[sflag:s10] =	ssyncadd.s32 $0xFFFFC000  }
0x1be: {  	_ =	swait.ge [sflag:s16], $0x4000  }
0x1bf: {  	[sflag:s16] =	ssyncset.done $0x0  }
0x1c0: {  	[sflag:s16] =	ssyncadd.s32 $0xFFFFC000  }
0x1c1: {  	[spmem:s3] =	stream.indirect.scatter.add.f32 [tilespmem:s14], [sflag:$0x3], $0x80, s5, s12, $0xb8;
	[tilespmem:$0x1CC00] =	vst v63  }
0x1c2: {  	_ =	swait.ge [sflag:s10], $0x4000  }
0x1c3: {  	[sflag:s10] =	ssyncset.done $0x0  }
0x1c4: {  	[sflag:s10] =	ssyncadd.s32 $0xFFFFC000  }
0x1c5: {  	[bflag:$0x0] =	sbarrier.arrive $0xFFFF  }
0x1c6: {  	s7 =	rddreg [dreg:$0x14]  }
0x1c7: {  	s9 =	rddreg [dreg:$0x15]  }
0x1c8: {  	s8 =	rddreg [dreg:$0x17]  }
0x1c9: {  	[hbm:s9], [sflag:s7] =	dma.local [spmem:s8], $0x2780  }
0x1ca: {  	_ =	swait.ge [sflag:s10], $0x2780  }
0x1cb: {  	s6 =	rddreg [dreg:$0x18]  }
0x1cc: {  	s9 =	sadd.s32 $0x1, s6;
	s6 =	rddreg [dreg:$0x16]  }
0x1cd: {  	p0 =	sne.s32 s9, s6  }
.Ltmp1:
0x1ce: {  	_ = 	snop;
	(pc) =	sbr.rel @p0 .LBB2_1-.Ltmp1, $3  }
0x1cf: {  	_ =	sdelay $0x1  }
0x1d0: {  	[sflag:s10] =	ssyncset.done $0x0  }
0x1d1: {  	[sflag:s10] =	ssyncadd.s32 $0xFFFFD880  }
0x1d2: {  	_ =	sfence.sel $0x180000  }
0x1d3: {  	[bflag:$0x0] =	sbarrier.arrive $0xFFFF  }
0x1d4: {  	_ =	strace $0x9000004D  }
0x1d5: {  	s0 =	stileid.u32;
	[bflag:$0x2] =	sbarrier.arrive $0xFFFF  }
0x1d6: {  	p0 =	sne.s32 s0, $0x0;
	s0 =	rddreg [dreg:$0x4]  }
0x1d7: {  	s0 =	sadd.s32 @!p0 $0x100000, s0  }
0x1d8: {  	[sflag:s0] =	ssyncadd.tile.s32 @!p0 $0x1;
	_ =	shalt  }
.Lfunc_end2:
_tile_overlayer_lowered:
.L_overlay_start_2:
0x1d9: {  	(tag) =	ssettag $0x2  }
0x1da: {  	s0 =	rddreg [dreg:$0x0];
	s2 =	stileid.u32  }
0x1db: {  	s1 =	rddreg [dreg:$0x1];
	p0 =	sne.s32 s2, $0x0  }
0x1dc: {  	s3 =	rddreg [dreg:$0x2];
	[bflag:$0x3] =	sbarrier.arrive $0xFFFF;
	s2 =	simm.s32 @!p0 $0x1C03  }
0x1dd: {  	[timem:s3], [sflag:s2] =	dma.local @!p0 [hbm:s0], s1  }
0x1de: {  	s0 =	simm.s32 @!p0 $0x3  }
0x1df: {  	_ =	swait.ge @!p0 [sflag:s0], s1  }
0x1e0: {  	s1 =	ssub.s32 @!p0 $0x0, s1;
	[sflag:s0] =	ssyncset.done @!p0 $0x0  }
0x1e1: {  	[sflag:s0] =	ssyncadd.s32 @!p0 s1  }
0x1e2: {  	[bflag:$0x3] =	sbarrier.arrive $0xFFFF  }
0x1e3: {  	_ =	shalt  }

// kernel: kernel.8.cloned.1.call-start
scs
__scs_entry_jumppad:
0x0: {  	(pc) =	sbr.rel $0x88, $3  }
0x1: {  	(tag) =	ssettag $0x0;
	lr =	simm.s32 $0x1  }
0x2: {  	[smem:$0x3F8C] =	sst lr;
	_ =	strace $0xD0000000  }
0x3: {  	_ = 	snop  }
0x4: {  	_ = 	snop  }
0x5: {  	_ = 	snop  }
0x6: {  	_ = 	snop  }
0x7: {  	_ = 	snop  }
__scs_overlays_trampoline_lowered:
0x8: {  	[smem:$0x3F9B] =	sst s0  }
0x9: {  	[smem:$0x3F9C] =	sst s1  }
0xa: {  	[smem:$0x3F9D] =	sst s2  }
0xb: {  	[smem:$0x3F9E] =	sst s3  }
0xc: {  	[smem:$0x3F9F] =	sst s4  }
0xd: {  	[smem:$0x3FA0] =	sst s5  }
0xe: {  	[smem:$0x3FA1] =	sst s6  }
0xf: {  	[smem:$0x3FA2] =	sst s7  }
0x10: {  	[smem:$0x3FA3] =	sst s8  }
0x11: {  	[smem:$0x3FA4] =	sst s9;
	s0 =	simm.s32 @!p0 $0x0  }
0x12: {  	s1 =	sld [smem:$0x3F8A];
	s0 =	simm.s32 @p0 $0x1  }
0x13: {  	[smem:$0x3FA5] =	sst s0;
	s0 =	simm.s32 @!p1 $0x0  }
0x14: {  	s2 =	sld [smem:$0x3F89];
	s0 =	simm.s32 @p1 $0x1  }
0x15: {  	[smem:$0x3FA6] =	sst s0;
	s0 =	simm.s32 @!p2 $0x0  }
0x16: {  	s3 =	sld [smem:$0x3FDB];
	s0 =	simm.s32 @p2 $0x1  }
0x17: {  	s4 =	simm.s32 $0x1BF5;
	[smem:$0x3FA8] =	sst s0  }
0x18: {  	s0 =	sld [smem:$0x3F8B];
	_ =	swait.ge [sflag:s4], $0x0  }
0x19: {  	s7 =	sld [smem:$0x3F8C]  }
0x1a: {  	s8 =	sadd.s32 $0xFFFFE003, lr  }
0x1b: {  	s9 =	sadd.s32 $0xFFFFFEF7, lr;
	s5 =	simm.s32 $0xFFFFFFFF;
	p2 =	slt.u32 s8, $0xFFFFF086  }
0x1c: {  	p1 =	slt.u32 s9, $0xF7A;
	s5 =	simm.s32 @!p2 $0x0  }
0x1d: {  	s5 =	simm.s32 @p1 $0x1;
	p0 =	seq.s32 s7, s2  }
0x1e: {  	s7 =	smul.u32 @!p0 $0xF7A, s2;
	p2 =	seq.s32 @!p0 s5, $0x0  }
0x1f: {  	s9 =	smul.u32 $0xF7A, s1;
	s8 =	simm.s32 @!p0 $0x1BF5;
	p2 =	por !p2, p0  }
0x20: {  	[sflag:s8] =	ssyncset.s32 @!p0 $0xFFFFF086;
	s6 =	sadd.s32 @!p0 s3, s7;
	s7 =	simm.s32 @!p0 $0x108  }
0x21: {  	s3 =	sadd.s32 s3, s9;
	s6 =	sadd.s32 @!p0 $0x88, s6;
	s7 =	simm.s32 @p2 $0x1082  }
0x22: {  	[simem:s7], [sflag:s8] =	dma.local @!p0 [hbm:s6], $0xF7A  }
0x23: {  	s9 =	sor.u32 $0xD0000000, s2;
	s6 =	simm.s32 $0x108;
	_ =	swait.ge @!p0 [sflag:s8], $0x0  }
0x24: {  	s3 =	sadd.s32 $0x88, s3;
	s6 =	simm.s32 @!p1 $0x1082;
	[sflag:s4] =	ssyncset.s32 $0xFFFFF086  }
0x25: {  	[simem:s6], [sflag:s4] =	dma.local [hbm:s3], $0xF7A  }
0x26: {  	[smem:$0x3F8C] =	sst s1;
	(tag) =	ssettag s2;
	_ =	strace s9  }
0x27: {  	s1 =	sld [smem:$0x3F9C]  }
0x28: {  	s2 =	sld [smem:$0x3F9D]  }
0x29: {  	s4 =	sld [smem:$0x3F9F]  }
0x2a: {  	p0 =	seq.s32 s5, $0x0;
	s5 =	sld [smem:$0x3FA0]  }
0x2b: {  	s6 =	sld [smem:$0x3FA1]  }
0x2c: {  	s7 =	sld [smem:$0x3FA2]  }
0x2d: {  	s3 =	simm.s32 $0x108;
	s8 =	sld [smem:$0x3FA3]  }
0x2e: {  	s3 =	simm.s32 @!p0 $0x1082;
	s9 =	sld [smem:$0x3FA4]  }
0x2f: {  	lr =	sadd.s32 s0, s3;
	s0 =	sld [smem:$0x3F9B]  }
0x30: {  	s3 =	sld [smem:$0x3F9E]  }
0x31: {  	[smem:$0x3FA7] =	sst s10  }
0x32: {  	s10 =	sld [smem:$0x3FA5];
	_ =	sdelay $0x3  }
0x33: {  	p0 =	seq.s32 s10, $0x1;
	s10 =	sld [smem:$0x3FA7];
	_ =	sdelay $0x3  }
0x34: {  	[smem:$0x3FA7] =	sst s10  }
0x35: {  	s10 =	sld [smem:$0x3FA6];
	_ =	sdelay $0x3  }
0x36: {  	p1 =	seq.s32 s10, $0x1;
	s10 =	sld [smem:$0x3FA7];
	_ =	sdelay $0x3  }
0x37: {  	[smem:$0x3FA7] =	sst s10  }
0x38: {  	s10 =	sld [smem:$0x3FA8]  }
0x39: {  	_ = 	snop;
	(pc) =	sbr.ind lr, $3  }
0x3a: {  	_ = 	snop  }
0x3b: {  	_ = 	snop  }
0x3c: {  	p2 =	seq.s32 s10, $0x1;
	s10 =	sld [smem:$0x3FA7]  }
0x3d: {  	_ =	shalt  }
0x3e: {  	_ =	shalt  }
0x3f: {  	_ =	shalt  }
0x40: {  	_ =	shalt  }
0x41: {  	_ =	shalt  }
0x42: {  	_ =	shalt  }
0x43: {  	_ =	shalt  }
0x44: {  	_ =	shalt  }
0x45: {  	_ =	shalt  }
0x46: {  	_ =	shalt  }
0x47: {  	_ =	shalt  }
0x48: {  	_ =	shalt  }
0x49: {  	_ =	shalt  }
0x4a: {  	_ =	shalt  }
0x4b: {  	_ =	shalt  }
0x4c: {  	_ =	shalt  }
0x4d: {  	_ =	shalt  }
0x4e: {  	_ =	shalt  }
0x4f: {  	_ =	shalt  }
0x50: {  	_ =	shalt  }
0x51: {  	_ =	shalt  }
0x52: {  	_ =	shalt  }
0x53: {  	_ =	shalt  }
0x54: {  	_ =	shalt  }
0x55: {  	_ =	shalt  }
0x56: {  	_ =	shalt  }
0x57: {  	_ =	shalt  }
0x58: {  	_ =	shalt  }
0x59: {  	_ =	shalt  }
0x5a: {  	_ =	shalt  }
0x5b: {  	_ =	shalt  }
0x5c: {  	_ =	shalt  }
0x5d: {  	_ =	shalt  }
0x5e: {  	_ =	shalt  }
0x5f: {  	_ =	shalt  }
0x60: {  	_ =	shalt  }
0x61: {  	_ =	shalt  }
0x62: {  	_ =	shalt  }
0x63: {  	_ =	shalt  }
0x64: {  	_ =	shalt  }
0x65: {  	_ =	shalt  }
0x66: {  	_ =	shalt  }
0x67: {  	_ =	shalt  }
0x68: {  	_ =	shalt  }
0x69: {  	_ =	shalt  }
0x6a: {  	_ =	shalt  }
0x6b: {  	_ =	shalt  }
0x6c: {  	_ =	shalt  }
0x6d: {  	_ =	shalt  }
0x6e: {  	_ =	shalt  }
0x6f: {  	_ =	shalt  }
0x70: {  	_ =	shalt  }
0x71: {  	_ =	shalt  }
0x72: {  	_ =	shalt  }
0x73: {  	_ =	shalt  }
0x74: {  	_ =	shalt  }
0x75: {  	_ =	shalt  }
0x76: {  	_ =	shalt  }
0x77: {  	_ =	shalt  }
0x78: {  	_ =	shalt  }
0x79: {  	_ =	shalt  }
0x7a: {  	_ =	shalt  }
0x7b: {  	_ =	shalt  }
0x7c: {  	_ =	shalt  }
0x7d: {  	_ =	shalt  }
0x7e: {  	_ =	shalt  }
0x7f: {  	_ =	shalt  }
0x80: {  	_ =	shalt  }
0x81: {  	_ =	shalt  }
0x82: {  	_ =	shalt  }
0x83: {  	_ =	shalt  }
0x84: {  	_ =	shalt  }
0x85: {  	_ =	shalt  }
0x86: {  	_ =	shalt  }
0x87: {  	_ =	shalt  }
.Lfunc_end0:
.L_simem_size_0:
called_computation_lowered:
.L_overlay_start_0:
0x88: {  	s2 =	sld [smem:$0x3FD9]  }
0x89: {  	s3 =	sld [smem:$0x3FFE];
	_ =	sdelay $0x1  }
0x8a: {  	s1 =	srdreg.scid  }
0x8b: {  	s0 =	sand.u32 $0x1, s1  }
0x8c: {  	s15 =	sshll.u32 s0, $0xA;
	s2 =	sadd.s32 s3, s2  }
0x8d: {  	s2 =	sadd.s32 s2, s15  }
0x8e: {  	[smem:$0x3FB3] =	sst s2  }
0x8f: {  	_ = 	snop  }
0x90: {  	s2 =	sld [smem:$0x3FD0];
	_ =	sdelay $0x2  }
0x91: {  	s16 =	simm.s32 $0xB;
	s4 =	simm.s32 $0x10  }
0x92: {  	[smem:s4], [sflag:s16] =	dma.local [hbm:s2], $0x1  }
0x93: {  	_ =	swait.eq [sflag:s16], $0x1  }
0x94: {  	[sflag:s16] =	ssyncset.done $0x0  }
0x95: {  	[sflag:s16] =	ssyncadd.s32 $0xFFFFFFFF  }
0x96: {  	s17 =	sld [smem:$0x11];
	(tm) =	ssettm $0x1  }
0x97: {  	s18 =	sld [smem:$0x3FFB];
	_ =	sdelay $0x3  }
0x98: {  	_ =	strace s18  }
0x99: {  	s2 =	sld [smem:$0x3FFC];
	_ =	sdelay $0x3  }
0x9a: {  	_ =	strace s2  }
0x9b: {  	s2 =	sld [smem:$0x3FFD];
	_ =	sdelay $0x3  }
0x9c: {  	_ =	strace s2  }
0x9d: {  	_ =	strace $0x8FFFFFFF  }
0x9e: {  	s19 =	sld [smem:$0x3FDB];
	_ =	sdelay $0x1  }
0x9f: {  	s20 =	simm.s32 $_scs_section_size  }
0xa0: {  	s5 =	simm.s32 $_size__tile_overlayer_lowered;
	s6 =	simm.s32 $_tile_overlayer_lowered  }
0xa1: {  	s7 =	simm.s32 $0x1BFF;
	s21 =	sshll.u32 s6, $0x1;
	s4 =	sadd.s32 s20, s19  }
0xa2: {  	s22 =	simm.s32 $0x0;
	s5 =	sshll.u32 s5, $0x1;
	s6 =	sadd.s32 s21, s4  }
0xa3: {  	[timem:s22], [sflag:s7] =	dma.local [hbm:s6], s5  }
0xa4: {  	_ =	swait.ge [sflag:s7], s5  }
0xa5: {  	s5 =	ssub.s32 $0x0, s5;
	[sflag:s7] =	ssyncset.done $0x0  }
0xa6: {  	[sflag:s7] =	ssyncadd.s32 s5;
	_ =	sdelay $0x1  }
0xa7: {  	s23 =	simm.s32 $0x1B8B  }
0xa8: {  	_ =	swait.ge [sflag:s23], $0x1  }
0xa9: {  	[sflag:s23] =	ssyncset.done $0x0  }
0xaa: {  	[sflag:s23] =	ssyncadd.s32 $0xFFFFFFFF  }
0xab: {  	s5 =	sld [smem:$0x0]  }
0xac: {  	s6 =	sand.u32 $0xFFFFFFFE, s1  }
0xad: {  	p0 =	sne.s32 s1, s6  }
0xae: {  	s6 =	sshll.u32 @p0 s6, $0xE  }
0xaf: {  	s6 =	sadd.s32 @p0 $0x11B8D, s6;
	s7 =	sshll.u32 @p0 s5, $0x11  }
0xb0: {  	s6 =	sor.u32 @p0 s7, s6  }
0xb1: {  	[sflag:s6] =	ssyncadd.remote.s32 @p0 $0x1;
	_ =	sdelay $0x1  }
0xb2: {  	s6 =	simm.s32 @p0 $0x1B8D  }
0xb3: {  	_ =	swait.eq @p0 [sflag:s6], $0x1  }
0xb4: {  	[sflag:s6] =	ssyncadd.s32 @p0 $0xFFFFFFFF  }
0xb5: {  	s7 =	sshll.u32 @!p0 s1, $0xE  }
0xb6: {  	s7 =	sor.u32 @!p0 $0x4000, s7;
	s6 =	simm.s32 @!p0 $0x1B8D  }
0xb7: {  	s5 =	sshll.u32 @!p0 s5, $0x11;
	s7 =	sadd.s32 @!p0 $0x11B8D, s7;
	_ =	swait.eq @!p0 [sflag:s6], $0x1  }
0xb8: {  	s5 =	sor.u32 @!p0 s5, s7;
	[sflag:s6] =	ssyncadd.s32 @!p0 $0xFFFFFFFF  }
0xb9: {  	s25 =	simm.s32 $0x1B8E;
	s24 =	sld [smem:$0x3FFE];
	[sflag:s5] =	ssyncadd.remote.s32 @!p0 $0x1  }
0xba: {  	s26 =	simm.s32 $execute0_lowered;
	[smem:$0x3FD2] =	sst s25  }
0xbb: {  	s6 =	sshll.u32 s26, $0x1;
	_ =	strace $0x80000049;
	[dreg:$0x1] =	wrdreg $0xFFFFFFFF  }
0xbc: {  	s28 =	simm.s32 $_size_execute0_lowered;
	s4 =	sadd.s32 s4, s6;
	[dreg:$0x0] =	wrdreg $0x0  }
0xbd: {  	s6 =	sshll.u32 s28, $0x1;
	[dreg:$0x2] =	wrdreg s4  }
0xbe: {  	[dreg:$0x3] =	wrdreg s6  }
0xbf: {  	[dreg:$0x4] =	wrdreg $0xC0  }
0xc0: {  	_ =	task [dreg:s22], $0x5FFFF  }
0xc1: {  	[dreg:$0x1] =	wrdreg $0xFFFFFFFF  }
0xc2: {  	[dreg:$0x0] =	wrdreg $0x60  }
0xc3: {  	[dreg:$0x2] =	wrdreg s24  }
0xc4: {  	[dreg:$0x3] =	wrdreg s17  }
0xc5: {  	[dreg:$0x4] =	wrdreg $0x48000  }
0xc6: {  	[dreg:$0x5] =	wrdreg $0x9  }
0xc7: {  	_ =	task.clear_ibuf [dreg:s22], $0x6FFFF;
	_ =	strace $0x90000049  }
0xc8: {  	s29 =	simm.s32 $0x9;
	_ =	strace $0x8000004B  }
0xc9: {  	_ =	swait.ge [sflag:s29], $0x1  }
0xca: {  	[sflag:s29] =	ssyncadd.s32 $0xFFFFFFFF  }
0xcb: {  	_ =	strace $0x9000004B  }
0xcc: {  	_ =	sfence  }
0xcd: {  	s30 =	sld [smem:$0x0];
	_ =	sdelay $0x2  }
0xce: {  	s31 =	sshll.u32 s1, $0xD;
	s1 =	sshrl.u32 s1, $0x2  }
0xcf: {  	s4 =	sand.u32 $0x4000, s31;
	s1 =	sadd.s32 s1, s30  }
0xd0: {  	s0 =	sor.u32 s4, s0;
	s1 =	sshll.u32 s1, $0x11  }
0xd1: {  	s0 =	sor.u32 s1, s0  }
0xd2: {  	s0 =	sadd.s32 $0x8F2B, s0  }
0xd3: {  	[sflag:s0] =	ssyncadd.remote.s32 $0x1  }
0xd4: {  	_ =	sfence.sel $0xFFFF  }
0xd5: {  	[dreg:$0x0] =	wrdreg $0xFFFFFFFF;
	(pc) =	sbr.abs _section_cstart, $3  }
0xd6: {  	[dreg:$0x1] =	wrdreg $0xFFFFFFFF  }
0xd7: {  	_ =	task.clear_ibuf [dreg:s22], $0x2FFFF;
	_ =	strace $0x9FFFFFFF  }
0xd8: {  	(tm) =	ssettm $0x7FFFFFFF  }
0xd9: {  	_ =	shalt  }
tec
execute0_lowered:
.L_overlay_start_1:
0x0: {  	(tag) =	ssettag $0x1  }
0x1: {  	s0 =	rddreg [dreg:$0x0];
	s1 =	srdreg.scid  }
0x2: {  	s2 =	stileid.u32;
	s3 =	rddreg [dreg:$0x2];
	s4 =	simm.s32 $0x0  }
0x3: {  	s11 =	simm.s32 $0x2;
	s12 =	simm.s32 $0x800;
	s13 =	simm.s32 $0x80  }
0x4: {  	s14 =	simm.s32 $0x100;
	s15 =	simm.s32 $0x180;
	s16 =	simm.s32 $0x200  }
0x5: {  	s17 =	simm.s32 $0x280;
	s18 =	simm.s32 $0x300;
	s19 =	simm.s32 $0x380  }
0x6: {  	s20 =	simm.s32 $0x400;
	s21 =	simm.s32 $0x480;
	s5 =	smul.u32 $0x5000, s2  }
0x7: {  	s22 =	simm.s32 $0x500;
	s23 =	simm.s32 $0x580;
	s24 =	smul.u32 $0x13C00, s2  }
0x8: {  	s28 =	simm.s32 $0x780;
	s1 =	sand.u32 $0x1, s1;
	s25 =	smul.u32 $0x4F000, s2  }
0x9: {  	s29 =	simm.s32 $0x1;
	s30 =	simm.s32 $0x0;
	s6 =	smul.u32 $0x2800, s1  }
0xa: {  	[smem:$0x7FF] =	sst s4;
	s7 =	smul.u32 $0x13C000, s1;
	s1 =	ssub.s32 $0x2, s1  }
0xb: {  	s31 =	sshll.u32 s2, $0x6;
	_ =	strace $0x8000004A;
	s26 =	sshrl.u32 s1, $0x1  }
0xc: {  	s5 =	sadd.s32 s6, s5;
	s6 =	sadd.s32 s24, s7;
	s7 =	sshrl.u32 s25, $0x2  }
0xd: {  	s1 =	ssub.s32 s1, s26;
	s24 =	simm.s32 $0x600;
	s25 =	simm.s32 $0x680  }
0xe: {  	s26 =	simm.s32 $0x700;
	s5 =	sshrl.u32 s5, $0x3;
	s6 =	sshrl.u32 s6, $0x3  }
0xf: {  	s10 =	sadd.s32 s7, s3;
	s8 =	smax.u32 s1, $0x1;
	s9 =	sadd.s32 s5, s0  }
0x10: {  	s5 =	sadd.s32 $0xFA00, s0;
	s0 =	sadd.s32 s6, s0;
	s6 =	sor.u32 $0x1C02, s31  }
0x11: {  	s10 =	sshrl.u32 s10, $0x3;
	s7 =	sadd.s32 $0x61200, s0;
	s9 =	sadd.s32 $0x5A00, s9  }
.LBB2_1:
0x12: {  	[spmem:s10], [sflag:s6] =	dma.local [hbm:s5], $0x2780  }
0x13: {  	_ =	swait.ge [sflag:s11], $0x2780  }
0x14: {  	[sflag:s11] =	ssyncset.done $0x0  }
0x15: {  	[sflag:s11] =	ssyncadd.s32 $0xFFFFD880  }
0x16: {  	s0 =	rddreg [dreg:$0x1]  }
0x17: {  	[tilespmem:s12], [sflag:$0x2] =	stream.linear.gather [hbm4b:s0+s4], $0x4000, $0x38;
	[tilespmem:$0x18400] =	vst v63  }
0x18: {  	_ =	swait.ge [sflag:s11], $0x4000  }
0x19: {  	[sflag:s11] =	ssyncset.done $0x0  }
0x1a: {  	[sflag:s11] =	ssyncadd.s32 $0xFFFFC000  }
0x1b: {  	s2 =	sadd.s32 $0x0, s9;
	[bflag:$0x0] =	sbarrier.arrive $0xFFFF  }
0x1c: {  	[tilespmem:s4], [sflag:$0x2] =	stream.linear.gather [hbm4b:s2+s4], $0x800, $0x38;
	[tilespmem:$0x18400] =	vst v63  }
0x1d: {  	_ =	swait.ge [sflag:s11], $0x800  }
0x1e: {  	[sflag:s11] =	ssyncset.done $0x0  }
0x1f: {  	[sflag:s11] =	ssyncadd.s32 $0xFFFFF800  }
0x20: {  	[spmem:s3] =	stream.indirect.scatter.add.f32 [tilespmem:s12], [sflag:$0x1], $0x80, s4, s13, $0xb8;
	[tilespmem:$0x18400] =	vst v63  }
0x21: {  	_ = 	snop  }
0x22: {  	[spmem:s3] =	stream.indirect.scatter.add.f32 [tilespmem:s12], [sflag:$0x1], $0x80, s13, s13, $0xb8;
	[tilespmem:$0x18400] =	vst v63  }
0x23: {  	_ = 	snop  }
0x24: {  	[spmem:s3] =	stream.indirect.scatter.add.f32 [tilespmem:s12], [sflag:$0x1], $0x80, s14, s13, $0xb8;
	[tilespmem:$0x18400] =	vst v63  }
0x25: {  	_ = 	snop  }
0x26: {  	[spmem:s3] =	stream.indirect.scatter.add.f32 [tilespmem:s12], [sflag:$0x1], $0x80, s15, s13, $0xb8;
	[tilespmem:$0x18400] =	vst v63  }
0x27: {  	_ = 	snop  }
0x28: {  	[spmem:s3] =	stream.indirect.scatter.add.f32 [tilespmem:s12], [sflag:$0x1], $0x80, s16, s13, $0xb8;
	[tilespmem:$0x18400] =	vst v63  }
0x29: {  	_ = 	snop  }
0x2a: {  	[spmem:s3] =	stream.indirect.scatter.add.f32 [tilespmem:s12], [sflag:$0x1], $0x80, s17, s13, $0xb8;
	[tilespmem:$0x18400] =	vst v63  }
0x2b: {  	_ = 	snop  }
0x2c: {  	[spmem:s3] =	stream.indirect.scatter.add.f32 [tilespmem:s12], [sflag:$0x1], $0x80, s18, s13, $0xb8;
	[tilespmem:$0x18400] =	vst v63  }
0x2d: {  	_ = 	snop  }
0x2e: {  	[spmem:s3] =	stream.indirect.scatter.add.f32 [tilespmem:s12], [sflag:$0x1], $0x80, s19, s13, $0xb8;
	[tilespmem:$0x18400] =	vst v63  }
0x2f: {  	_ = 	snop  }
0x30: {  	[spmem:s3] =	stream.indirect.scatter.add.f32 [tilespmem:s12], [sflag:$0x1], $0x80, s20, s13, $0xb8;
	[tilespmem:$0x18400] =	vst v63  }
0x31: {  	_ = 	snop  }
0x32: {  	[spmem:s3] =	stream.indirect.scatter.add.f32 [tilespmem:s12], [sflag:$0x1], $0x80, s21, s13, $0xb8;
	[tilespmem:$0x18400] =	vst v63  }
0x33: {  	_ = 	snop  }
0x34: {  	[spmem:s3] =	stream.indirect.scatter.add.f32 [tilespmem:s12], [sflag:$0x1], $0x80, s22, s13, $0xb8;
	[tilespmem:$0x18400] =	vst v63  }
0x35: {  	_ = 	snop  }
0x36: {  	[spmem:s3] =	stream.indirect.scatter.add.f32 [tilespmem:s12], [sflag:$0x1], $0x80, s23, s13, $0xb8;
	[tilespmem:$0x18400] =	vst v63  }
0x37: {  	_ = 	snop  }
0x38: {  	[spmem:s3] =	stream.indirect.scatter.add.f32 [tilespmem:s12], [sflag:$0x1], $0x80, s24, s13, $0xb8;
	[tilespmem:$0x18400] =	vst v63  }
0x39: {  	_ = 	snop  }
0x3a: {  	[spmem:s3] =	stream.indirect.scatter.add.f32 [tilespmem:s12], [sflag:$0x1], $0x80, s25, s13, $0xb8;
	[tilespmem:$0x18400] =	vst v63  }
0x3b: {  	_ = 	snop  }
0x3c: {  	[spmem:s3] =	stream.indirect.scatter.add.f32 [tilespmem:s12], [sflag:$0x1], $0x80, s26, s13, $0xb8;
	[tilespmem:$0x18400] =	vst v63  }
0x3d: {  	_ = 	snop  }
0x3e: {  	[spmem:s3] =	stream.indirect.scatter.add.f32 [tilespmem:s12], [sflag:$0x1], $0x80, s28, s13, $0xb8;
	[tilespmem:$0x18400] =	vst v63  }
0x3f: {  	_ =	swait.ge [sflag:s29], $0x4000  }
0x40: {  	[sflag:s29] =	ssyncset.done $0x0  }
0x41: {  	[sflag:s29] =	ssyncadd.s32 $0xFFFFC000  }
0x42: {  	_ =	swait.ge [sflag:s29], $0x4000  }
0x43: {  	[sflag:s29] =	ssyncset.done $0x0  }
0x44: {  	[sflag:s29] =	ssyncadd.s32 $0xFFFFC000  }
0x45: {  	_ =	swait.ge [sflag:s29], $0x4000  }
0x46: {  	[sflag:s29] =	ssyncset.done $0x0  }
0x47: {  	[sflag:s29] =	ssyncadd.s32 $0xFFFFC000  }
0x48: {  	_ =	swait.ge [sflag:s29], $0x4000  }
0x49: {  	[sflag:s29] =	ssyncset.done $0x0  }
0x4a: {  	[sflag:s29] =	ssyncadd.s32 $0xFFFFC000  }
0x4b: {  	_ =	swait.ge [sflag:s29], $0x4000  }
0x4c: {  	[sflag:s29] =	ssyncset.done $0x0  }
0x4d: {  	[sflag:s29] =	ssyncadd.s32 $0xFFFFC000  }
0x4e: {  	_ =	swait.ge [sflag:s29], $0x4000  }
0x4f: {  	[sflag:s29] =	ssyncset.done $0x0  }
0x50: {  	[sflag:s29] =	ssyncadd.s32 $0xFFFFC000  }
0x51: {  	_ =	swait.ge [sflag:s29], $0x4000  }
0x52: {  	[sflag:s29] =	ssyncset.done $0x0  }
0x53: {  	[sflag:s29] =	ssyncadd.s32 $0xFFFFC000  }
0x54: {  	_ =	swait.ge [sflag:s29], $0x4000  }
0x55: {  	[sflag:s29] =	ssyncset.done $0x0  }
0x56: {  	[sflag:s29] =	ssyncadd.s32 $0xFFFFC000  }
0x57: {  	_ =	swait.ge [sflag:s29], $0x4000  }
0x58: {  	[sflag:s29] =	ssyncset.done $0x0  }
0x59: {  	[sflag:s29] =	ssyncadd.s32 $0xFFFFC000  }
0x5a: {  	_ =	swait.ge [sflag:s29], $0x4000  }
0x5b: {  	[sflag:s29] =	ssyncset.done $0x0  }
0x5c: {  	[sflag:s29] =	ssyncadd.s32 $0xFFFFC000  }
0x5d: {  	_ =	swait.ge [sflag:s29], $0x4000  }
0x5e: {  	[sflag:s29] =	ssyncset.done $0x0  }
0x5f: {  	[sflag:s29] =	ssyncadd.s32 $0xFFFFC000  }
0x60: {  	_ =	swait.ge [sflag:s29], $0x4000  }
0x61: {  	[sflag:s29] =	ssyncset.done $0x0  }
0x62: {  	[sflag:s29] =	ssyncadd.s32 $0xFFFFC000  }
0x63: {  	_ =	swait.ge [sflag:s29], $0x4000  }
0x64: {  	[sflag:s29] =	ssyncset.done $0x0  }
0x65: {  	[sflag:s29] =	ssyncadd.s32 $0xFFFFC000  }
0x66: {  	_ =	swait.ge [sflag:s29], $0x4000  }
0x67: {  	[sflag:s29] =	ssyncset.done $0x0  }
0x68: {  	[sflag:s29] =	ssyncadd.s32 $0xFFFFC000  }
0x69: {  	_ =	swait.ge [sflag:s29], $0x4000  }
0x6a: {  	[sflag:s29] =	ssyncset.done $0x0  }
0x6b: {  	[sflag:s29] =	ssyncadd.s32 $0xFFFFC000  }
0x6c: {  	_ =	swait.ge [sflag:s29], $0x4000  }
0x6d: {  	s31 =	simm.s32 $0x100;
	s1 =	simm.s32 $0x200;
	[sflag:s29] =	ssyncset.done $0x0  }
.LBB2_2:
0x6e: {  	s2 =	sadd.s32 s31, s9  }
0x6f: {  	[sflag:s29] =	ssyncadd.s32 $0xFFFFC000;
	s31 =	smov.u32 s1;
	s0 =	sadd.s32 $0x100, s1  }
0x70: {  	[tilespmem:s4], [sflag:$0x2] =	stream.linear.gather [hbm4b:s2+s4], $0x800, $0x38;
	[tilespmem:$0x18400] =	vst v63  }
0x71: {  	p0 =	sne.s32 s1, $0x400;
	_ =	swait.ge [sflag:s11], $0x800  }
0x72: {  	[sflag:s11] =	ssyncset.done $0x0  }
0x73: {  	[sflag:s11] =	ssyncadd.s32 $0xFFFFF800  }
0x74: {  	[spmem:s3] =	stream.indirect.scatter.add.f32 [tilespmem:s12], [sflag:$0x1], $0x80, s4, s13, $0xb8;
	[tilespmem:$0x18400] =	vst v63  }
0x75: {  	_ = 	snop  }
0x76: {  	[spmem:s3] =	stream.indirect.scatter.add.f32 [tilespmem:s12], [sflag:$0x1], $0x80, s13, s13, $0xb8;
	[tilespmem:$0x18400] =	vst v63  }
0x77: {  	_ = 	snop  }
0x78: {  	[spmem:s3] =	stream.indirect.scatter.add.f32 [tilespmem:s12], [sflag:$0x1], $0x80, s14, s13, $0xb8;
	[tilespmem:$0x18400] =	vst v63  }
0x79: {  	_ = 	snop  }
0x7a: {  	[spmem:s3] =	stream.indirect.scatter.add.f32 [tilespmem:s12], [sflag:$0x1], $0x80, s15, s13, $0xb8;
	[tilespmem:$0x18400] =	vst v63  }
0x7b: {  	_ = 	snop  }
0x7c: {  	[spmem:s3] =	stream.indirect.scatter.add.f32 [tilespmem:s12], [sflag:$0x1], $0x80, s16, s13, $0xb8;
	[tilespmem:$0x18400] =	vst v63  }
0x7d: {  	_ = 	snop  }
0x7e: {  	[spmem:s3] =	stream.indirect.scatter.add.f32 [tilespmem:s12], [sflag:$0x1], $0x80, s17, s13, $0xb8;
	[tilespmem:$0x18400] =	vst v63  }
0x7f: {  	_ = 	snop  }
0x80: {  	[spmem:s3] =	stream.indirect.scatter.add.f32 [tilespmem:s12], [sflag:$0x1], $0x80, s18, s13, $0xb8;
	[tilespmem:$0x18400] =	vst v63  }
0x81: {  	_ = 	snop  }
0x82: {  	[spmem:s3] =	stream.indirect.scatter.add.f32 [tilespmem:s12], [sflag:$0x1], $0x80, s19, s13, $0xb8;
	[tilespmem:$0x18400] =	vst v63  }
0x83: {  	_ = 	snop  }
0x84: {  	[spmem:s3] =	stream.indirect.scatter.add.f32 [tilespmem:s12], [sflag:$0x1], $0x80, s20, s13, $0xb8;
	[tilespmem:$0x18400] =	vst v63  }
0x85: {  	_ = 	snop  }
0x86: {  	[spmem:s3] =	stream.indirect.scatter.add.f32 [tilespmem:s12], [sflag:$0x1], $0x80, s21, s13, $0xb8;
	[tilespmem:$0x18400] =	vst v63  }
0x87: {  	_ = 	snop  }
0x88: {  	[spmem:s3] =	stream.indirect.scatter.add.f32 [tilespmem:s12], [sflag:$0x1], $0x80, s22, s13, $0xb8;
	[tilespmem:$0x18400] =	vst v63  }
0x89: {  	_ = 	snop  }
0x8a: {  	[spmem:s3] =	stream.indirect.scatter.add.f32 [tilespmem:s12], [sflag:$0x1], $0x80, s23, s13, $0xb8;
	[tilespmem:$0x18400] =	vst v63  }
0x8b: {  	_ = 	snop  }
0x8c: {  	[spmem:s3] =	stream.indirect.scatter.add.f32 [tilespmem:s12], [sflag:$0x1], $0x80, s24, s13, $0xb8;
	[tilespmem:$0x18400] =	vst v63  }
0x8d: {  	_ = 	snop  }
0x8e: {  	[spmem:s3] =	stream.indirect.scatter.add.f32 [tilespmem:s12], [sflag:$0x1], $0x80, s25, s13, $0xb8;
	[tilespmem:$0x18400] =	vst v63  }
0x8f: {  	_ = 	snop  }
0x90: {  	[spmem:s3] =	stream.indirect.scatter.add.f32 [tilespmem:s12], [sflag:$0x1], $0x80, s26, s13, $0xb8;
	[tilespmem:$0x18400] =	vst v63  }
0x91: {  	_ = 	snop  }
0x92: {  	[spmem:s3] =	stream.indirect.scatter.add.f32 [tilespmem:s12], [sflag:$0x1], $0x80, s28, s13, $0xb8;
	[tilespmem:$0x18400] =	vst v63  }
0x93: {  	_ =	swait.ge [sflag:s29], $0x4000  }
0x94: {  	[sflag:s29] =	ssyncset.done $0x0  }
0x95: {  	[sflag:s29] =	ssyncadd.s32 $0xFFFFC000  }
0x96: {  	_ =	swait.ge [sflag:s29], $0x4000  }
0x97: {  	[sflag:s29] =	ssyncset.done $0x0  }
0x98: {  	[sflag:s29] =	ssyncadd.s32 $0xFFFFC000  }
0x99: {  	_ =	swait.ge [sflag:s29], $0x4000  }
0x9a: {  	[sflag:s29] =	ssyncset.done $0x0  }
0x9b: {  	[sflag:s29] =	ssyncadd.s32 $0xFFFFC000  }
0x9c: {  	_ =	swait.ge [sflag:s29], $0x4000  }
0x9d: {  	[sflag:s29] =	ssyncset.done $0x0  }
0x9e: {  	[sflag:s29] =	ssyncadd.s32 $0xFFFFC000  }
0x9f: {  	_ =	swait.ge [sflag:s29], $0x4000  }
0xa0: {  	[sflag:s29] =	ssyncset.done $0x0  }
0xa1: {  	[sflag:s29] =	ssyncadd.s32 $0xFFFFC000  }
0xa2: {  	_ =	swait.ge [sflag:s29], $0x4000  }
0xa3: {  	[sflag:s29] =	ssyncset.done $0x0  }
0xa4: {  	[sflag:s29] =	ssyncadd.s32 $0xFFFFC000  }
0xa5: {  	_ =	swait.ge [sflag:s29], $0x4000  }
0xa6: {  	[sflag:s29] =	ssyncset.done $0x0  }
0xa7: {  	[sflag:s29] =	ssyncadd.s32 $0xFFFFC000  }
0xa8: {  	_ =	swait.ge [sflag:s29], $0x4000  }
0xa9: {  	[sflag:s29] =	ssyncset.done $0x0  }
0xaa: {  	[sflag:s29] =	ssyncadd.s32 $0xFFFFC000  }
0xab: {  	_ =	swait.ge [sflag:s29], $0x4000  }
0xac: {  	[sflag:s29] =	ssyncset.done $0x0  }
0xad: {  	[sflag:s29] =	ssyncadd.s32 $0xFFFFC000  }
0xae: {  	_ =	swait.ge [sflag:s29], $0x4000  }
0xaf: {  	[sflag:s29] =	ssyncset.done $0x0  }
0xb0: {  	[sflag:s29] =	ssyncadd.s32 $0xFFFFC000  }
0xb1: {  	_ =	swait.ge [sflag:s29], $0x4000  }
0xb2: {  	[sflag:s29] =	ssyncset.done $0x0  }
0xb3: {  	[sflag:s29] =	ssyncadd.s32 $0xFFFFC000  }
0xb4: {  	_ =	swait.ge [sflag:s29], $0x4000  }
0xb5: {  	[sflag:s29] =	ssyncset.done $0x0  }
0xb6: {  	[sflag:s29] =	ssyncadd.s32 $0xFFFFC000  }
0xb7: {  	_ =	swait.ge [sflag:s29], $0x4000  }
0xb8: {  	[sflag:s29] =	ssyncset.done $0x0  }
0xb9: {  	[sflag:s29] =	ssyncadd.s32 $0xFFFFC000  }
0xba: {  	_ =	swait.ge [sflag:s29], $0x4000  }
0xbb: {  	[sflag:s29] =	ssyncset.done $0x0  }
0xbc: {  	[sflag:s29] =	ssyncadd.s32 $0xFFFFC000  }
.Ltmp0:
0xbd: {  	_ =	swait.ge [sflag:s29], $0x4000;
	(pc) =	sbr.rel @p0 .LBB2_2-.Ltmp0, $4  }
0xbe: {  	[sflag:s29] =	ssyncset.done $0x0  }
0xbf: {  	[sflag:s29] =	ssyncadd.s32 $0xFFFFC000  }
0xc0: {  	_ =	swait.ge [sflag:s29], $0x4000  }
0xc1: {  	s1 =	smov.u32 s0;
	[sflag:s29] =	ssyncset.done $0x0  }
0xc2: {  	s0 =	sadd.s32 s31, s9;
	[sflag:s29] =	ssyncadd.s32 $0xFFFFC000  }
0xc3: {  	[tilespmem:s4], [sflag:$0x2] =	stream.linear.gather [hbm4b:s0+s4], $0x800, $0x38;
	[tilespmem:$0x18400] =	vst v63  }
0xc4: {  	_ =	swait.ge [sflag:s11], $0x800  }
0xc5: {  	[sflag:s11] =	ssyncset.done $0x0  }
0xc6: {  	[sflag:s11] =	ssyncadd.s32 $0xFFFFF800  }
0xc7: {  	[spmem:s3] =	stream.indirect.scatter.add.f32 [tilespmem:s12], [sflag:$0x1], $0x80, s4, s13, $0xb8;
	[tilespmem:$0x18400] =	vst v63  }
0xc8: {  	_ = 	snop  }
0xc9: {  	[spmem:s3] =	stream.indirect.scatter.add.f32 [tilespmem:s12], [sflag:$0x1], $0x80, s13, s13, $0xb8;
	[tilespmem:$0x18400] =	vst v63  }
0xca: {  	_ = 	snop  }
0xcb: {  	[spmem:s3] =	stream.indirect.scatter.add.f32 [tilespmem:s12], [sflag:$0x1], $0x80, s14, s13, $0xb8;
	[tilespmem:$0x18400] =	vst v63  }
0xcc: {  	_ = 	snop  }
0xcd: {  	[spmem:s3] =	stream.indirect.scatter.add.f32 [tilespmem:s12], [sflag:$0x1], $0x80, s15, s13, $0xb8;
	[tilespmem:$0x18400] =	vst v63  }
0xce: {  	_ = 	snop  }
0xcf: {  	[spmem:s3] =	stream.indirect.scatter.add.f32 [tilespmem:s12], [sflag:$0x1], $0x80, s16, s13, $0xb8;
	[tilespmem:$0x18400] =	vst v63  }
0xd0: {  	_ = 	snop  }
0xd1: {  	[spmem:s3] =	stream.indirect.scatter.add.f32 [tilespmem:s12], [sflag:$0x1], $0x80, s17, s13, $0xb8;
	[tilespmem:$0x18400] =	vst v63  }
0xd2: {  	_ = 	snop  }
0xd3: {  	[spmem:s3] =	stream.indirect.scatter.add.f32 [tilespmem:s12], [sflag:$0x1], $0x80, s18, s13, $0xb8;
	[tilespmem:$0x18400] =	vst v63  }
0xd4: {  	_ = 	snop  }
0xd5: {  	[spmem:s3] =	stream.indirect.scatter.add.f32 [tilespmem:s12], [sflag:$0x1], $0x80, s19, s13, $0xb8;
	[tilespmem:$0x18400] =	vst v63  }
0xd6: {  	_ = 	snop  }
0xd7: {  	[spmem:s3] =	stream.indirect.scatter.add.f32 [tilespmem:s12], [sflag:$0x1], $0x80, s20, s13, $0xb8;
	[tilespmem:$0x18400] =	vst v63  }
0xd8: {  	_ = 	snop  }
0xd9: {  	[spmem:s3] =	stream.indirect.scatter.add.f32 [tilespmem:s12], [sflag:$0x1], $0x80, s21, s13, $0xb8;
	[tilespmem:$0x18400] =	vst v63  }
0xda: {  	_ = 	snop  }
0xdb: {  	[spmem:s3] =	stream.indirect.scatter.add.f32 [tilespmem:s12], [sflag:$0x1], $0x80, s22, s13, $0xb8;
	[tilespmem:$0x18400] =	vst v63  }
0xdc: {  	_ = 	snop  }
0xdd: {  	[spmem:s3] =	stream.indirect.scatter.add.f32 [tilespmem:s12], [sflag:$0x1], $0x80, s23, s13, $0xb8;
	[tilespmem:$0x18400] =	vst v63  }
0xde: {  	_ = 	snop  }
0xdf: {  	[spmem:s3] =	stream.indirect.scatter.add.f32 [tilespmem:s12], [sflag:$0x1], $0x80, s24, s13, $0xb8;
	[tilespmem:$0x18400] =	vst v63  }
0xe0: {  	_ = 	snop  }
0xe1: {  	[spmem:s3] =	stream.indirect.scatter.add.f32 [tilespmem:s12], [sflag:$0x1], $0x80, s25, s13, $0xb8;
	[tilespmem:$0x18400] =	vst v63  }
0xe2: {  	_ = 	snop  }
0xe3: {  	[spmem:s3] =	stream.indirect.scatter.add.f32 [tilespmem:s12], [sflag:$0x1], $0x80, s26, s13, $0xb8;
	[tilespmem:$0x18400] =	vst v63  }
0xe4: {  	_ = 	snop  }
0xe5: {  	[spmem:s3] =	stream.indirect.scatter.add.f32 [tilespmem:s12], [sflag:$0x1], $0x80, s28, s13, $0xb8;
	[tilespmem:$0x18400] =	vst v63  }
0xe6: {  	_ =	swait.ge [sflag:s29], $0x4000  }
0xe7: {  	[sflag:s29] =	ssyncset.done $0x0  }
0xe8: {  	[sflag:s29] =	ssyncadd.s32 $0xFFFFC000  }
0xe9: {  	_ =	swait.ge [sflag:s29], $0x4000  }
0xea: {  	[sflag:s29] =	ssyncset.done $0x0  }
0xeb: {  	[sflag:s29] =	ssyncadd.s32 $0xFFFFC000  }
0xec: {  	_ =	swait.ge [sflag:s29], $0x4000  }
0xed: {  	[sflag:s29] =	ssyncset.done $0x0  }
0xee: {  	[sflag:s29] =	ssyncadd.s32 $0xFFFFC000  }
0xef: {  	_ =	swait.ge [sflag:s29], $0x4000  }
0xf0: {  	[sflag:s29] =	ssyncset.done $0x0  }
0xf1: {  	[sflag:s29] =	ssyncadd.s32 $0xFFFFC000  }
0xf2: {  	_ =	swait.ge [sflag:s29], $0x4000  }
0xf3: {  	[sflag:s29] =	ssyncset.done $0x0  }
0xf4: {  	[sflag:s29] =	ssyncadd.s32 $0xFFFFC000  }
0xf5: {  	_ =	swait.ge [sflag:s29], $0x4000  }
0xf6: {  	[sflag:s29] =	ssyncset.done $0x0  }
0xf7: {  	[sflag:s29] =	ssyncadd.s32 $0xFFFFC000  }
0xf8: {  	_ =	swait.ge [sflag:s29], $0x4000  }
0xf9: {  	[sflag:s29] =	ssyncset.done $0x0  }
0xfa: {  	[sflag:s29] =	ssyncadd.s32 $0xFFFFC000  }
0xfb: {  	_ =	swait.ge [sflag:s29], $0x4000  }
0xfc: {  	[sflag:s29] =	ssyncset.done $0x0  }
0xfd: {  	[sflag:s29] =	ssyncadd.s32 $0xFFFFC000  }
0xfe: {  	_ =	swait.ge [sflag:s29], $0x4000  }
0xff: {  	[sflag:s29] =	ssyncset.done $0x0  }
0x100: {  	[sflag:s29] =	ssyncadd.s32 $0xFFFFC000  }
0x101: {  	_ =	swait.ge [sflag:s29], $0x4000  }
0x102: {  	[sflag:s29] =	ssyncset.done $0x0  }
0x103: {  	[sflag:s29] =	ssyncadd.s32 $0xFFFFC000  }
0x104: {  	_ =	swait.ge [sflag:s29], $0x4000  }
0x105: {  	[sflag:s29] =	ssyncset.done $0x0  }
0x106: {  	[sflag:s29] =	ssyncadd.s32 $0xFFFFC000  }
0x107: {  	_ =	swait.ge [sflag:s29], $0x4000  }
0x108: {  	[sflag:s29] =	ssyncset.done $0x0  }
0x109: {  	[sflag:s29] =	ssyncadd.s32 $0xFFFFC000  }
0x10a: {  	_ =	swait.ge [sflag:s29], $0x4000  }
0x10b: {  	[sflag:s29] =	ssyncset.done $0x0  }
0x10c: {  	[sflag:s29] =	ssyncadd.s32 $0xFFFFC000  }
0x10d: {  	_ =	swait.ge [sflag:s29], $0x4000  }
0x10e: {  	[sflag:s29] =	ssyncset.done $0x0  }
0x10f: {  	[sflag:s29] =	ssyncadd.s32 $0xFFFFC000  }
0x110: {  	_ =	swait.ge [sflag:s29], $0x4000  }
0x111: {  	[sflag:s29] =	ssyncset.done $0x0  }
0x112: {  	[sflag:s29] =	ssyncadd.s32 $0xFFFFC000  }
0x113: {  	_ =	swait.ge [sflag:s29], $0x4000  }
0x114: {  	s30 =	sadd.s32 $0x1, s30;
	[sflag:s29] =	ssyncset.done $0x0  }
0x115: {  	p0 =	sne.s32 s30, s8;
	[sflag:s29] =	ssyncadd.s32 $0xFFFFC000  }
.Ltmp1:
0x116: {  	[bflag:$0x0] =	sbarrier.arrive $0xFFFF;
	(pc) =	sbr.rel @p0 .LBB2_1-.Ltmp1, $4  }
0x117: {  	[hbm:s7], [sflag:s6] =	dma.local [spmem:s10], $0x2780  }
0x118: {  	_ =	swait.ge [sflag:s11], $0x2780  }
0x119: {  	[sflag:s11] =	ssyncset.done $0x0  }
0x11a: {  	[sflag:s11] =	ssyncadd.s32 $0xFFFFD880  }
0x11b: {  	_ =	sfence.sel $0x180000  }
0x11c: {  	[bflag:$0x0] =	sbarrier.arrive $0xFFFF  }
0x11d: {  	_ =	strace $0x9000004A  }
0x11e: {  	s0 =	stileid.u32;
	[bflag:$0x2] =	sbarrier.arrive $0xFFFF  }
0x11f: {  	p0 =	sne.s32 s0, $0x0;
	s0 =	rddreg [dreg:$0x3]  }
0x120: {  	s0 =	sadd.s32 @!p0 $0x100000, s0  }
0x121: {  	[sflag:s0] =	ssyncadd.tile.s32 @!p0 $0x1;
	_ =	shalt  }
.Lfunc_end2:
_tile_overlayer_lowered:
.L_overlay_start_2:
0x122: {  	(tag) =	ssettag $0x2  }
0x123: {  	s0 =	rddreg [dreg:$0x0];
	s2 =	stileid.u32  }
0x124: {  	s1 =	rddreg [dreg:$0x1];
	p0 =	sne.s32 s2, $0x0  }
0x125: {  	s3 =	rddreg [dreg:$0x2];
	[bflag:$0x3] =	sbarrier.arrive $0xFFFF;
	s2 =	simm.s32 @!p0 $0x1C02  }
0x126: {  	[timem:s3], [sflag:s2] =	dma.local @!p0 [hbm:s0], s1  }
0x127: {  	s0 =	simm.s32 @!p0 $0x2  }
0x128: {  	_ =	swait.ge @!p0 [sflag:s0], s1  }
0x129: {  	s1 =	ssub.s32 @!p0 $0x0, s1;
	[sflag:s0] =	ssyncset.done @!p0 $0x0  }
0x12a: {  	[sflag:s0] =	ssyncadd.s32 @!p0 s1  }
0x12b: {  	[bflag:$0x3] =	sbarrier.arrive $0xFFFF  }
0x12c: {  	_ =	shalt  }

</sc_bundles>
